<compile_context>
chip_gen: v7x
topology: tpu7x:2x2x1
jax: 0.10.2.dev20260603
libtpu: 0.0.44.dev20260713+nightly
codegen_flags: <defaults>
</compile_context>

<pallas_src>
import functools

import jax
import jax.numpy as jnp
from jax import lax
from jax.experimental import pallas as pl
from jax.experimental.pallas import tpu as pltpu
from jax.experimental.pallas import tpu_sc as plsc

N = 10000
F = 128
NCLS = 919
E = 320000

NC = 2
NS = 16
NW = NC * NS
EPW = E // NW
CH = 125
NH = 2
CPH = EPW // CH // NH
NPAIRH = CPH // 2
SUB = 624
ZC = 48

@functools.cache
def _make_sc_agg():
    mesh = plsc.VectorSubcoreMesh(
        core_axis_name="c", subcore_axis_name="s",
        num_cores=NC, num_subcores=NS)
    return pl.kernel(
        _sc_agg_body,
        out_type=jax.ShapeDtypeStruct((NC, N, F), jnp.float32),
        mesh=mesh,
        scratch_types=[
            pltpu.VMEM((CPH, CH), jnp.int32),
            pltpu.VMEM((CPH, CH), jnp.int32),
            pltpu.VMEM((CH, F), jnp.float32),
            pltpu.VMEM((CH, F), jnp.float32),
            pltpu.VMEM_SHARED((N, F), jnp.float32),
            pltpu.SemaphoreType.DMA,
            pltpu.SemaphoreType.DMA,
        ],
    )


def _sc_agg(support, edges5):
    return _make_sc_agg()(support, edges5)


def _sc_agg_body(support, edges5, out, src_v, dst_v, rows_a, rows_b,
                 acc_sh, sem_a, sem_b):
    c = lax.axis_index("c")
    s = lax.axis_index("s")
    wid = s * NC + c

    pltpu.sync_copy(edges5.at[0, wid, 0], src_v)
    pltpu.sync_copy(edges5.at[1, wid, 0], dst_v)
    pltpu.async_copy(support.at[src_v.at[0]], rows_b, sem_b)

    def _zrow(r, _):
        for j in range(F // 16):
            rows_a[r, pl.ds(j * 16, 16)] = jnp.zeros((16,), jnp.float32)
        return 0

    lax.fori_loop(0, ZC, _zrow, 0)

    if True:
        for t in range(SUB // ZC):
            pltpu.sync_copy(rows_a.at[pl.ds(0, ZC)],
                            acc_sh.at[pl.ds(s * SUB + t * ZC, ZC)])

        @pl.when(s == NS - 1)
        def _():
            pltpu.sync_copy(rows_a.at[pl.ds(0, 16)],
                            acc_sh.at[pl.ds(NS * SUB, 16)])

        plsc.subcore_barrier()

        for h in range(NH):
            if h > 0:
                pltpu.sync_copy(edges5.at[0, wid, h], src_v)
                pltpu.sync_copy(edges5.at[1, wid, h], dst_v)
                pltpu.async_copy(support.at[src_v.at[0]], rows_b, sem_b)

            def _step(i, _):
                c0 = i * 2
                pltpu.async_copy(support.at[src_v.at[c0 + 1]], rows_a, sem_a)
                pltpu.make_async_copy(
                    support.at[src_v.at[c0]], rows_b, sem_b).wait()
                pltpu.sync_copy(rows_b, acc_sh.at[dst_v.at[c0]], add=True)

                @pl.when(i < NPAIRH - 1)
                def _():
                    pltpu.async_copy(
                        support.at[src_v.at[c0 + 2]], rows_b, sem_b)

                pltpu.make_async_copy(
                    support.at[src_v.at[c0 + 1]], rows_a, sem_a).wait()
                pltpu.sync_copy(rows_a, acc_sh.at[dst_v.at[c0 + 1]], add=True)
                return 0

            lax.fori_loop(0, NPAIRH, _step, 0)

        plsc.subcore_barrier()
        pltpu.sync_copy(acc_sh.at[pl.ds(s * SUB, SUB)],
                        out.at[c, pl.ds(s * SUB, SUB)])

        @pl.when(s == NS - 1)
        def _():
            pltpu.sync_copy(acc_sh.at[pl.ds(NS * SUB, 16)],
                            out.at[c, pl.ds(NS * SUB, 16)])


def _bf16_dot(x, w):
    return jnp.dot(x.astype(jnp.bfloat16), w.astype(jnp.bfloat16),
                   preferred_element_type=jnp.float32)


def _mm_body(x_ref, w_ref, o_ref):
    o_ref[...] = _bf16_dot(x_ref[...], w_ref[...])


def _first_matmul(x, w, bm=10000):
    m, k = x.shape
    n = w.shape[1]
    return pl.pallas_call(
        _mm_body,
        grid=(m // bm,),
        in_specs=[pl.BlockSpec((bm, k), lambda i: (i, 0)),
                  pl.BlockSpec((k, n), lambda i: (0, 0))],
        out_specs=pl.BlockSpec((bm, n), lambda i: (i, 0)),
        out_shape=jax.ShapeDtypeStruct((m, n), jnp.float32),
    )(x, w)


def _mid_body(part_ref, deg_ref, b1_ref, wg1_ref, bg1_ref, x_ref, w2_ref,
              s2_ref, x1_ref, g_ref):
    agg = part_ref[0] + part_ref[1]
    z = jnp.tanh(agg / deg_ref[...] + b1_ref[...])
    g = jax.nn.sigmoid(
        jnp.sum(z * wg1_ref[...], axis=1, keepdims=True) + bg1_ref[...])
    x1 = (1.0 - g) * x_ref[...] + g * z
    s2_ref[...] = _bf16_dot(x1, w2_ref[...])
    x1_ref[...] = x1
    g_ref[...] = g


def _mid(part, deg, b1, wg1, bg1, x_in, w2, bm=5000):
    grid = (N // bm,)
    return pl.pallas_call(
        _mid_body,
        grid=grid,
        in_specs=[
            pl.BlockSpec((NC, bm, F), lambda i: (0, i, 0)),
            pl.BlockSpec((bm, 1), lambda i: (i, 0)),
            pl.BlockSpec((1, F), lambda i: (0, 0)),
            pl.BlockSpec((1, F), lambda i: (0, 0)),
            pl.BlockSpec((1, 1), lambda i: (0, 0)),
            pl.BlockSpec((bm, F), lambda i: (i, 0)),
            pl.BlockSpec((F, F), lambda i: (0, 0)),
        ],
        out_specs=[
            pl.BlockSpec((bm, F), lambda i: (i, 0)),
            pl.BlockSpec((bm, F), lambda i: (i, 0)),
            pl.BlockSpec((bm, 1), lambda i: (i, 0)),
        ],
        out_shape=[
            jax.ShapeDtypeStruct((N, F), jnp.float32),
            jax.ShapeDtypeStruct((N, F), jnp.float32),
            jax.ShapeDtypeStruct((N, 1), jnp.float32),
        ],
    )(part, deg, b1, wg1, bg1, x_in, w2)


def _final_body(part_ref, deg_ref, b2_ref, wg2_ref, bg2_ref, x1_ref,
                gam_ref, bet_ref, mu_ref, var_ref, wout_t_ref, bout_ref,
                out_ref, g2_ref):
    agg = part_ref[0] + part_ref[1]
    z2 = jnp.tanh(agg / deg_ref[...] + b2_ref[...])
    g2 = jax.nn.sigmoid(
        jnp.sum(z2 * wg2_ref[...], axis=1, keepdims=True) + bg2_ref[...])
    x = jax.nn.relu((1.0 - g2) * x1_ref[...] + g2 * z2)
    x = (x - mu_ref[...]) * jax.lax.rsqrt(var_ref[...] + 1e-5) \
        * gam_ref[...] + bet_ref[...]
    out_ref[...] = jax.lax.dot_general(
        wout_t_ref[...].astype(jnp.bfloat16), x.astype(jnp.bfloat16),
        dimension_numbers=(((1,), (1,)), ((), ())),
        preferred_element_type=jnp.float32) + bout_ref[...]
    g2_ref[...] = g2


def _final(part, deg, b2, wg2, bg2, x1, gam, bet, mu, var, wout, bout,
           bm=2560):
    grid = ((N + bm - 1) // bm,)
    vec = pl.BlockSpec((1, F), lambda i: (0, 0))
    return pl.pallas_call(
        _final_body,
        grid=grid,
        in_specs=[
            pl.BlockSpec((NC, bm, F), lambda i: (0, i, 0)),
            pl.BlockSpec((bm, 1), lambda i: (i, 0)),
            vec,
            vec,
            pl.BlockSpec((1, 1), lambda i: (0, 0)),
            pl.BlockSpec((bm, F), lambda i: (i, 0)),
            vec, vec, vec, vec,
            pl.BlockSpec((NCLS, F), lambda i: (0, 0)),
            pl.BlockSpec((NCLS, 1), lambda i: (0, 0)),
        ],
        out_specs=[
            pl.BlockSpec((NCLS, bm), lambda i: (0, i)),
            pl.BlockSpec((bm, 1), lambda i: (i, 0)),
        ],
        out_shape=[
            jax.ShapeDtypeStruct((NCLS, N), jnp.float32),
            jax.ShapeDtypeStruct((N, 1), jnp.float32),
        ],
    )(part, deg, b2, wg2, bg2, x1, gam, bet, mu, var, wout, bout)


def kernel(x_in, edge_index, deg, W_gc1, b_gc1, w_g1, b_g1, W_gc2, b_gc2,
           w_g2, b_g2, bn_gamma, bn_beta, bn_mean, bn_var, W_out, b_out):
    edges5 = edge_index.reshape(2, NW, NH, CPH, CH)

    support1 = _first_matmul(x_in, W_gc1)
    part1 = _sc_agg(support1, edges5)
    support2, x1, g = _mid(part1, deg, b_gc1.reshape(1, F),
                           w_g1.reshape(F)[None, :], b_g1.reshape(1, 1),
                           x_in, W_gc2)
    part2 = _sc_agg(support2, edges5)
    out_t, g2 = _final(part2, deg, b_gc2.reshape(1, F),
                       w_g2.reshape(F)[None, :], b_g2.reshape(1, 1), x1,
                       bn_gamma[None, :], bn_beta[None, :],
                       bn_mean[None, :], bn_var[None, :],
                       W_out.T, b_out[:, None])
    return (x_in, out_t.T, g, g2)

# --- scband reference (transcript-rebuilt; emitter-appended) ---
"""Pipeline reference for scband-chrome-gcn-16904991277250 (READ-ONLY COPY).

The authoritative reference and input builder live on the scoring server;
editing this copy changes nothing except your own understanding.
"""

import jax, jax.numpy as jnp
import numpy as np

N = 10000
F_IN = 128
F_HID = 128
N_CLASS = 919
E = 320000


def _glorot(key, shape):
    lim = float(np.sqrt(6.0 / (shape[0] + shape[1])))
    return jax.random.uniform(key, shape, minval=-lim, maxval=lim, dtype=jnp.float32)


def setup_inputs(seed: int = 0) -> dict:
    key = jax.random.key(seed)
    ks = jax.random.split(key, 12)
    x_in = jax.random.normal(ks[0], (N, F_IN), dtype=jnp.float32)
    edge_index = jax.random.randint(ks[1], (2, E), 0, N, dtype=jnp.int32)
    deg = jnp.maximum(
        jax.ops.segment_sum(jnp.ones((E,), jnp.float32), edge_index[1], num_segments=N),
        1.0,
    )[:, None]
    W_gc1 = _glorot(ks[2], (F_IN, F_HID))
    b_gc1 = jnp.zeros((F_HID,), jnp.float32)
    w_g1 = _glorot(ks[3], (F_HID, 1))
    b_g1 = jnp.zeros((1,), jnp.float32)
    W_gc2 = _glorot(ks[4], (F_HID, F_IN))
    b_gc2 = jnp.zeros((F_IN,), jnp.float32)
    w_g2 = _glorot(ks[5], (F_IN, 1))
    b_g2 = jnp.zeros((1,), jnp.float32)
    bn_gamma = jnp.ones((F_IN,), jnp.float32)
    bn_beta = jnp.zeros((F_IN,), jnp.float32)
    bn_mean = jax.random.normal(ks[6], (F_IN,), dtype=jnp.float32) * 0.1
    bn_var = jax.random.uniform(ks[7], (F_IN,), dtype=jnp.float32) + 0.5
    W_out = _glorot(ks[8], (F_IN, N_CLASS))
    b_out = jnp.zeros((N_CLASS,), jnp.float32)
    return {
        "x_in": x_in,
        "edge_index": edge_index,
        "deg": deg,
        "W_gc1": W_gc1,
        "b_gc1": b_gc1,
        "w_g1": w_g1,
        "b_g1": b_g1,
        "W_gc2": W_gc2,
        "b_gc2": b_gc2,
        "w_g2": w_g2,
        "b_g2": b_g2,
        "bn_gamma": bn_gamma,
        "bn_beta": bn_beta,
        "bn_mean": bn_mean,
        "bn_var": bn_var,
        "W_out": W_out,
        "b_out": b_out,
    }


def _gcn(x, W, b, edge_index, deg):
    # GraphConvolution: support = x @ W ; out = spmm(adj, support) + b
    # adj realized as unweighted edge list normalized by dst degree
    support = x @ W
    msg = jnp.take(support, edge_index[0], axis=0)
    agg = jax.ops.segment_sum(msg, edge_index[1], num_segments=N)
    return agg / deg + b


def reference(x_in, edge_index, deg, W_gc1, b_gc1, w_g1, b_g1, W_gc2, b_gc2, w_g2, b_g2, bn_gamma, bn_beta, bn_mean, bn_var, W_out, b_out):
    x = x_in
    z = jnp.tanh(_gcn(x, W_gc1, b_gc1, edge_index, deg))
    g = jax.nn.sigmoid(z @ w_g1 + b_g1)
    x = (1.0 - g) * x + g * z
    # dropout is identity in eval mode
    z2 = jnp.tanh(_gcn(x, W_gc2, b_gc2, edge_index, deg))
    g2 = jax.nn.sigmoid(z2 @ w_g2 + b_g2)
    x = (1.0 - g2) * x + g2 * z2
    x = jax.nn.relu(x)
    x = (x - bn_mean) / jnp.sqrt(bn_var + 1e-5) * bn_gamma + bn_beta
    out = x @ W_out + b_out
    return (x_in, out, g, g2)

if __name__ == "__main__":
    import jax
    _d = setup_inputs()
    print(jax.jit(kernel)(*tuple(_d.values())))

</pallas_src>

<mosaic_0001>
#map = affine_map<(d0, d1) -> (0, 0)>
#map1 = affine_map<(d0, d1) -> (0, 0, 0, 0, 0)>
#map2 = affine_map<(d0, d1) -> (0, 0, 0)>
module attributes {stable_mosaic.version = 14 : i64} {
  func.func @_sc_agg_body(%arg0: i32, %arg1: i32, %arg2: memref<10000x128xf32, #tpu.memory_space<hbm>>, %arg3: memref<2x32x2x40x125xi32, #tpu.memory_space<hbm>>, %arg4: memref<2x10000x128xf32, #tpu.memory_space<hbm>>, %arg5: memref<40x125xi32, #tpu.memory_space<vmem>>, %arg6: memref<40x125xi32, #tpu.memory_space<vmem>>, %arg7: memref<125x128xf32, #tpu.memory_space<vmem>>, %arg8: memref<125x128xf32, #tpu.memory_space<vmem>>, %arg9: memref<10000x128xf32, #tpu.memory_space<vmem_shared>>, %arg10: memref<!tpu.dma_semaphore, #tpu.memory_space<semaphore_mem>>, %arg11: memref<!tpu.dma_semaphore, #tpu.memory_space<semaphore_mem>>) attributes {dimension_semantics = [#tpu.dimension_semantics<core_parallel>, #tpu.dimension_semantics<subcore_parallel>], iteration_bounds = array<i64: 2, 16>, scalar_prefetch = 0 : i64, scratch_operands = 7 : i64, tpu.core_type = #tpu.core_type<sc_vector_subcore>, window_params = [{transform_indices = #map}, {transform_indices = #map1}, {transform_indices = #map2}]} {
    %mul3A = arith.constant 2 : i32
    %mul3A_0 = arith.muli %arg1, %mul3A : i32
    %add3A = arith.addi %mul3A_0, %arg0 : i32
    %run_scoped3A = arith.constant 0 : i32
    %run_scoped3A_1 = arith.constant 0 : i32
    "tpu.region"() ({
      %run_scoped3A_105 = tpu.sem_alloc : memref<!tpu.dma_semaphore, #tpu.memory_space<semaphore_mem>>
      %dma_start3A_106 = arith.constant 0 : i32
      %dma_start3A_107 = arith.constant 0 : i32
      %dma_start3A_108 = tpu.memref_slice %arg3[%run_scoped3A, %add3A, %run_scoped3A_1, %dma_start3A_106, %dma_start3A_107] : memref<2x32x2x40x125xi32, #tpu.memory_space<hbm>> -> memref<1x1x1x40x125xi32, #tpu.memory_space<hbm>>
      %dma_start3A_109 = tpu.memref_squeeze %dma_start3A_108 : memref<1x1x1x40x125xi32, #tpu.memory_space<hbm>> -> memref<40x125xi32, #tpu.memory_space<hbm>>
      %dma_start3A_110 = arith.constant 0 : i32
      %dma_start3A_111 = arith.constant 0 : i32
      %dma_start3A_112 = tpu.memref_slice %arg3[%run_scoped3A, %add3A, %run_scoped3A_1, %dma_start3A_110, %dma_start3A_111] : memref<2x32x2x40x125xi32, #tpu.memory_space<hbm>> -> memref<1x1x1x40x125xi32, #tpu.memory_space<hbm>>
      %dma_start3A_113 = tpu.memref_squeeze %dma_start3A_112 : memref<1x1x1x40x125xi32, #tpu.memory_space<hbm>> -> memref<40x125xi32, #tpu.memory_space<hbm>>
      tpu.enqueue_dma source(%dma_start3A_113 : memref<40x125xi32, #tpu.memory_space<hbm>>) target(%arg5 : memref<40x125xi32, #tpu.memory_space<vmem>>) target_semaphore(%run_scoped3A_105 : memref<!tpu.dma_semaphore, #tpu.memory_space<semaphore_mem>>)
      %dma_wait3A = arith.constant 0 : i32
      %dma_wait3A_114 = arith.constant 0 : i32
      %dma_wait3A_115 = tpu.memref_slice %arg3[%run_scoped3A, %add3A, %run_scoped3A_1, %dma_wait3A, %dma_wait3A_114] : memref<2x32x2x40x125xi32, #tpu.memory_space<hbm>> -> memref<1x1x1x40x125xi32, #tpu.memory_space<hbm>>
      %dma_wait3A_116 = tpu.memref_squeeze %dma_wait3A_115 : memref<1x1x1x40x125xi32, #tpu.memory_space<hbm>> -> memref<40x125xi32, #tpu.memory_space<hbm>>
      %dma_wait3A_117 = arith.constant 0 : i32
      %dma_wait3A_118 = arith.constant 0 : i32
      %dma_wait3A_119 = tpu.memref_slice %arg3[%run_scoped3A, %add3A, %run_scoped3A_1, %dma_wait3A_117, %dma_wait3A_118] : memref<2x32x2x40x125xi32, #tpu.memory_space<hbm>> -> memref<1x1x1x40x125xi32, #tpu.memory_space<hbm>>
      %dma_wait3A_120 = tpu.memref_squeeze %dma_wait3A_119 : memref<1x1x1x40x125xi32, #tpu.memory_space<hbm>> -> memref<40x125xi32, #tpu.memory_space<hbm>>
      tpu.wait_dma2 semaphore(%run_scoped3A_105 : memref<!tpu.dma_semaphore, #tpu.memory_space<semaphore_mem>>) src(%dma_wait3A_120 : memref<40x125xi32, #tpu.memory_space<hbm>>) dst(%arg5 : memref<40x125xi32, #tpu.memory_space<vmem>>)
      tpu.yield
    }) : () -> ()
    %run_scoped3A_2 = arith.constant 1 : i32
    %run_scoped3A_3 = arith.constant 0 : i32
    "tpu.region"() ({
      %run_scoped3A_105 = tpu.sem_alloc : memref<!tpu.dma_semaphore, #tpu.memory_space<semaphore_mem>>
      %dma_start3A_106 = arith.constant 0 : i32
      %dma_start3A_107 = arith.constant 0 : i32
      %dma_start3A_108 = tpu.memref_slice %arg3[%run_scoped3A_2, %add3A, %run_scoped3A_3, %dma_start3A_106, %dma_start3A_107] : memref<2x32x2x40x125xi32, #tpu.memory_space<hbm>> -> memref<1x1x1x40x125xi32, #tpu.memory_space<hbm>>
      %dma_start3A_109 = tpu.memref_squeeze %dma_start3A_108 : memref<1x1x1x40x125xi32, #tpu.memory_space<hbm>> -> memref<40x125xi32, #tpu.memory_space<hbm>>
      %dma_start3A_110 = arith.constant 0 : i32
      %dma_start3A_111 = arith.constant 0 : i32
      %dma_start3A_112 = tpu.memref_slice %arg3[%run_scoped3A_2, %add3A, %run_scoped3A_3, %dma_start3A_110, %dma_start3A_111] : memref<2x32x2x40x125xi32, #tpu.memory_space<hbm>> -> memref<1x1x1x40x125xi32, #tpu.memory_space<hbm>>
      %dma_start3A_113 = tpu.memref_squeeze %dma_start3A_112 : memref<1x1x1x40x125xi32, #tpu.memory_space<hbm>> -> memref<40x125xi32, #tpu.memory_space<hbm>>
      tpu.enqueue_dma source(%dma_start3A_113 : memref<40x125xi32, #tpu.memory_space<hbm>>) target(%arg6 : memref<40x125xi32, #tpu.memory_space<vmem>>) target_semaphore(%run_scoped3A_105 : memref<!tpu.dma_semaphore, #tpu.memory_space<semaphore_mem>>)
      %dma_wait3A = arith.constant 0 : i32
      %dma_wait3A_114 = arith.constant 0 : i32
      %dma_wait3A_115 = tpu.memref_slice %arg3[%run_scoped3A_2, %add3A, %run_scoped3A_3, %dma_wait3A, %dma_wait3A_114] : memref<2x32x2x40x125xi32, #tpu.memory_space<hbm>> -> memref<1x1x1x40x125xi32, #tpu.memory_space<hbm>>
      %dma_wait3A_116 = tpu.memref_squeeze %dma_wait3A_115 : memref<1x1x1x40x125xi32, #tpu.memory_space<hbm>> -> memref<40x125xi32, #tpu.memory_space<hbm>>
      %dma_wait3A_117 = arith.constant 0 : i32
      %dma_wait3A_118 = arith.constant 0 : i32
      %dma_wait3A_119 = tpu.memref_slice %arg3[%run_scoped3A_2, %add3A, %run_scoped3A_3, %dma_wait3A_117, %dma_wait3A_118] : memref<2x32x2x40x125xi32, #tpu.memory_space<hbm>> -> memref<1x1x1x40x125xi32, #tpu.memory_space<hbm>>
      %dma_wait3A_120 = tpu.memref_squeeze %dma_wait3A_119 : memref<1x1x1x40x125xi32, #tpu.memory_space<hbm>> -> memref<40x125xi32, #tpu.memory_space<hbm>>
      tpu.wait_dma2 semaphore(%run_scoped3A_105 : memref<!tpu.dma_semaphore, #tpu.memory_space<semaphore_mem>>) src(%dma_wait3A_120 : memref<40x125xi32, #tpu.memory_space<hbm>>) dst(%arg6 : memref<40x125xi32, #tpu.memory_space<vmem>>)
      tpu.yield
    }) : () -> ()
    %dma_start3A = arith.constant 0 : i32
    %dma_start3A_4 = arith.constant 0 : i32
    %dma_start3A_5 = tpu.memref_slice %arg5[%dma_start3A, %dma_start3A_4] : memref<40x125xi32, #tpu.memory_space<vmem>> -> memref<1x125xi32, #tpu.memory_space<vmem>>
    %dma_start3A_6 = tpu.memref_squeeze %dma_start3A_5 : memref<1x125xi32, #tpu.memory_space<vmem>> -> memref<125xi32, #tpu.memory_space<vmem>>
    %dma_start3A_7 = arith.constant 0 : i32
    %dma_start3A_8 = arith.constant 0 : i32
    %dma_start3A_9 = tpu.memref_slice %arg2[%dma_start3A_7, %dma_start3A_8] : memref<10000x128xf32, #tpu.memory_space<hbm>> -> memref<10000x128xf32, #tpu.memory_space<hbm>>
    tpu.enqueue_indirect_dma source(%dma_start3A_9 : memref<10000x128xf32, #tpu.memory_space<hbm>>) target(%arg8 : memref<125x128xf32, #tpu.memory_space<vmem>>) offsets(%dma_start3A_6 : memref<125xi32, #tpu.memory_space<vmem>>) semaphore(%arg11 : memref<!tpu.dma_semaphore, #tpu.memory_space<semaphore_mem>>)
    %scan3A = arith.constant 0 : i32
    %scan3A_10 = arith.constant 0 : i32
    %scan3A_11 = arith.constant 48 : i32
    %scan3A_12 = arith.addi %scan3A_10, %scan3A_11 : i32
    %scan3A_13 = arith.constant 1 : i32
    %scan3A_14 = scf.for %scan3A_105 = %scan3A_10 to %scan3A_12 step %scan3A_13 iter_args(%scan3A_106 = %scan3A) -> (i32)  : i32 {
      %broadcast_in_dim3A = arith.constant 0.000000e+00 : f32
      %broadcast_in_dim3A_107 = vector.broadcast %broadcast_in_dim3A : f32 to vector<16xf32>
      %swap3A = arith.index_cast %scan3A_105 : i32 to index
      %swap3A_108 = arith.constant 0 : index
      %swap3A_109 = tpu.vector_load %arg7[%swap3A, %swap3A_108] {strides = array<i32>} : memref<125x128xf32, #tpu.memory_space<vmem>>, vector<1x16xf32>,
      %swap3A_110 = vector.shape_cast %swap3A_109 : vector<1x16xf32> to vector<16xf32>
      %swap3A_111 = vector.shape_cast %broadcast_in_dim3A_107 : vector<16xf32> to vector<1x16xf32>
      tpu.vector_store %arg7[%swap3A, %swap3A_108], %swap3A_111 {strides = array<i32>} : memref<125x128xf32, #tpu.memory_space<vmem>>, vector<1x16xf32>,
      %broadcast_in_dim3A_112 = arith.constant 0.000000e+00 : f32
      %broadcast_in_dim3A_113 = vector.broadcast %broadcast_in_dim3A_112 : f32 to vector<16xf32>
      %swap3A_114 = arith.index_cast %scan3A_105 : i32 to index
      %swap3A_115 = arith.constant 16 : index
      %swap3A_116 = tpu.vector_load %arg7[%swap3A_114, %swap3A_115] {strides = array<i32>} : memref<125x128xf32, #tpu.memory_space<vmem>>, vector<1x16xf32>,
      %swap3A_117 = vector.shape_cast %swap3A_116 : vector<1x16xf32> to vector<16xf32>
      %swap3A_118 = vector.shape_cast %broadcast_in_dim3A_113 : vector<16xf32> to vector<1x16xf32>
      tpu.vector_store %arg7[%swap3A_114, %swap3A_115], %swap3A_118 {strides = array<i32>} : memref<125x128xf32, #tpu.memory_space<vmem>>, vector<1x16xf32>,
      %broadcast_in_dim3A_119 = arith.constant 0.000000e+00 : f32
      %broadcast_in_dim3A_120 = vector.broadcast %broadcast_in_dim3A_119 : f32 to vector<16xf32>
      %swap3A_121 = arith.index_cast %scan3A_105 : i32 to index
      %swap3A_122 = arith.constant 32 : index
      %swap3A_123 = tpu.vector_load %arg7[%swap3A_121, %swap3A_122] {strides = array<i32>} : memref<125x128xf32, #tpu.memory_space<vmem>>, vector<1x16xf32>,
      %swap3A_124 = vector.shape_cast %swap3A_123 : vector<1x16xf32> to vector<16xf32>
      %swap3A_125 = vector.shape_cast %broadcast_in_dim3A_120 : vector<16xf32> to vector<1x16xf32>
      tpu.vector_store %arg7[%swap3A_121, %swap3A_122], %swap3A_125 {strides = array<i32>} : memref<125x128xf32, #tpu.memory_space<vmem>>, vector<1x16xf32>,
      %broadcast_in_dim3A_126 = arith.constant 0.000000e+00 : f32
      %broadcast_in_dim3A_127 = vector.broadcast %broadcast_in_dim3A_126 : f32 to vector<16xf32>
      %swap3A_128 = arith.index_cast %scan3A_105 : i32 to index
      %swap3A_129 = arith.constant 48 : index
      %swap3A_130 = tpu.vector_load %arg7[%swap3A_128, %swap3A_129] {strides = array<i32>} : memref<125x128xf32, #tpu.memory_space<vmem>>, vector<1x16xf32>,
      %swap3A_131 = vector.shape_cast %swap3A_130 : vector<1x16xf32> to vector<16xf32>
      %swap3A_132 = vector.shape_cast %broadcast_in_dim3A_127 : vector<16xf32> to vector<1x16xf32>
      tpu.vector_store %arg7[%swap3A_128, %swap3A_129], %swap3A_132 {strides = array<i32>} : memref<125x128xf32, #tpu.memory_space<vmem>>, vector<1x16xf32>,
      %broadcast_in_dim3A_133 = arith.constant 0.000000e+00 : f32
      %broadcast_in_dim3A_134 = vector.broadcast %broadcast_in_dim3A_133 : f32 to vector<16xf32>
      %swap3A_135 = arith.index_cast %scan3A_105 : i32 to index
      %swap3A_136 = arith.constant 64 : index
      %swap3A_137 = tpu.vector_load %arg7[%swap3A_135, %swap3A_136] {strides = array<i32>} : memref<125x128xf32, #tpu.memory_space<vmem>>, vector<1x16xf32>,
      %swap3A_138 = vector.shape_cast %swap3A_137 : vector<1x16xf32> to vector<16xf32>
      %swap3A_139 = vector.shape_cast %broadcast_in_dim3A_134 : vector<16xf32> to vector<1x16xf32>
      tpu.vector_store %arg7[%swap3A_135, %swap3A_136], %swap3A_139 {strides = array<i32>} : memref<125x128xf32, #tpu.memory_space<vmem>>, vector<1x16xf32>,
      %broadcast_in_dim3A_140 = arith.constant 0.000000e+00 : f32
      %broadcast_in_dim3A_141 = vector.broadcast %broadcast_in_dim3A_140 : f32 to vector<16xf32>
      %swap3A_142 = arith.index_cast %scan3A_105 : i32 to index
      %swap3A_143 = arith.constant 80 : index
      %swap3A_144 = tpu.vector_load %arg7[%swap3A_142, %swap3A_143] {strides = array<i32>} : memref<125x128xf32, #tpu.memory_space<vmem>>, vector<1x16xf32>,
      %swap3A_145 = vector.shape_cast %swap3A_144 : vector<1x16xf32> to vector<16xf32>
      %swap3A_146 = vector.shape_cast %broadcast_in_dim3A_141 : vector<16xf32> to vector<1x16xf32>
      tpu.vector_store %arg7[%swap3A_142, %swap3A_143], %swap3A_146 {strides = array<i32>} : memref<125x128xf32, #tpu.memory_space<vmem>>, vector<1x16xf32>,
      %broadcast_in_dim3A_147 = arith.constant 0.000000e+00 : f32
      %broadcast_in_dim3A_148 = vector.broadcast %broadcast_in_dim3A_147 : f32 to vector<16xf32>
      %swap3A_149 = arith.index_cast %scan3A_105 : i32 to index
      %swap3A_150 = arith.constant 96 : index
      %swap3A_151 = tpu.vector_load %arg7[%swap3A_149, %swap3A_150] {strides = array<i32>} : memref<125x128xf32, #tpu.memory_space<vmem>>, vector<1x16xf32>,
      %swap3A_152 = vector.shape_cast %swap3A_151 : vector<1x16xf32> to vector<16xf32>
      %swap3A_153 = vector.shape_cast %broadcast_in_dim3A_148 : vector<16xf32> to vector<1x16xf32>
      tpu.vector_store %arg7[%swap3A_149, %swap3A_150], %swap3A_153 {strides = array<i32>} : memref<125x128xf32, #tpu.memory_space<vmem>>, vector<1x16xf32>,
      %broadcast_in_dim3A_154 = arith.constant 0.000000e+00 : f32
      %broadcast_in_dim3A_155 = vector.broadcast %broadcast_in_dim3A_154 : f32 to vector<16xf32>
      %swap3A_156 = arith.index_cast %scan3A_105 : i32 to index
      %swap3A_157 = arith.constant 112 : index
      %swap3A_158 = tpu.vector_load %arg7[%swap3A_156, %swap3A_157] {strides = array<i32>} : memref<125x128xf32, #tpu.memory_space<vmem>>, vector<1x16xf32>,
      %swap3A_159 = vector.shape_cast %swap3A_158 : vector<1x16xf32> to vector<16xf32>
      %swap3A_160 = vector.shape_cast %broadcast_in_dim3A_155 : vector<16xf32> to vector<1x16xf32>
      tpu.vector_store %arg7[%swap3A_156, %swap3A_157], %swap3A_160 {strides = array<i32>} : memref<125x128xf32, #tpu.memory_space<vmem>>, vector<1x16xf32>,
      %scan3A_161 = arith.constant 0 : i32
      scf.yield %scan3A_161 : i32
    }
    %scan3A_15 = arith.constant 48 : i32
    %mul3A_16 = arith.constant 624 : i32
    %mul3A_17 = arith.muli %arg1, %mul3A_16 : i32
    %add3A_18 = arith.constant 0 : i32
    %add3A_19 = arith.addi %mul3A_17, %add3A_18 : i32
    "tpu.region"() ({
      %run_scoped3A_105 = tpu.sem_alloc : memref<!tpu.dma_semaphore, #tpu.memory_space<semaphore_mem>>
      %dma_start3A_106 = arith.constant 0 : i32
      %dma_start3A_107 = arith.constant 0 : i32
      %dma_start3A_108 = tpu.memref_slice %arg7[%dma_start3A_106, %dma_start3A_107] : memref<125x128xf32, #tpu.memory_space<vmem>> -> memref<48x128xf32, #tpu.memory_space<vmem>>
      %dma_start3A_109 = arith.constant 0 : i32
      %dma_start3A_110 = tpu.memref_slice %arg9[%add3A_19, %dma_start3A_109] : memref<10000x128xf32, #tpu.memory_space<vmem_shared>> -> memref<48x128xf32, #tpu.memory_space<vmem_shared>>
      %dma_start3A_111 = arith.constant 0 : i32
      %dma_start3A_112 = tpu.memref_slice %arg9[%add3A_19, %dma_start3A_111] : memref<10000x128xf32, #tpu.memory_space<vmem_shared>> -> memref<48x128xf32, #tpu.memory_space<vmem_shared>>
      %dma_start3A_113 = arith.constant 0 : i32
      %dma_start3A_114 = arith.constant 0 : i32
      %dma_start3A_115 = tpu.memref_slice %arg7[%dma_start3A_113, %dma_start3A_114] : memref<125x128xf32, #tpu.memory_space<vmem>> -> memref<48x128xf32, #tpu.memory_space<vmem>>
      tpu.enqueue_dma source(%dma_start3A_115 : memref<48x128xf32, #tpu.memory_space<vmem>>) target(%dma_start3A_112 : memref<48x128xf32, #tpu.memory_space<vmem_shared>>) target_semaphore(%run_scoped3A_105 : memref<!tpu.dma_semaphore, #tpu.memory_space<semaphore_mem>>)
      %dma_wait3A = arith.constant 0 : i32
      %dma_wait3A_116 = arith.constant 0 : i32
      %dma_wait3A_117 = tpu.memref_slice %arg7[%dma_wait3A, %dma_wait3A_116] : memref<125x128xf32, #tpu.memory_space<vmem>> -> memref<48x128xf32, #tpu.memory_space<vmem>>
      %dma_wait3A_118 = arith.constant 0 : i32
      %dma_wait3A_119 = tpu.memref_slice %arg9[%add3A_19, %dma_wait3A_118] : memref<10000x128xf32, #tpu.memory_space<vmem_shared>> -> memref<48x128xf32, #tpu.memory_space<vmem_shared>>
      %dma_wait3A_120 = arith.constant 0 : i32
      %dma_wait3A_121 = tpu.memref_slice %arg9[%add3A_19, %dma_wait3A_120] : memref<10000x128xf32, #tpu.memory_space<vmem_shared>> -> memref<48x128xf32, #tpu.memory_space<vmem_shared>>
      %dma_wait3A_122 = arith.constant 0 : i32
      %dma_wait3A_123 = arith.constant 0 : i32
      %dma_wait3A_124 = tpu.memref_slice %arg7[%dma_wait3A_122, %dma_wait3A_123] : memref<125x128xf32, #tpu.memory_space<vmem>> -> memref<48x128xf32, #tpu.memory_space<vmem>>
      tpu.wait_dma2 semaphore(%run_scoped3A_105 : memref<!tpu.dma_semaphore, #tpu.memory_space<semaphore_mem>>) src(%dma_wait3A_124 : memref<48x128xf32, #tpu.memory_space<vmem>>) dst(%dma_wait3A_121 : memref<48x128xf32, #tpu.memory_space<vmem_shared>>)
      tpu.yield
    }) : () -> ()
    %mul3A_20 = arith.constant 624 : i32
    %mul3A_21 = arith.muli %arg1, %mul3A_20 : i32
    %add3A_22 = arith.constant 48 : i32
    %add3A_23 = arith.addi %mul3A_21, %add3A_22 : i32
    "tpu.region"() ({
      %run_scoped3A_105 = tpu.sem_alloc : memref<!tpu.dma_semaphore, #tpu.memory_space<semaphore_mem>>
      %dma_start3A_106 = arith.constant 0 : i32
      %dma_start3A_107 = arith.constant 0 : i32
      %dma_start3A_108 = tpu.memref_slice %arg7[%dma_start3A_106, %dma_start3A_107] : memref<125x128xf32, #tpu.memory_space<vmem>> -> memref<48x128xf32, #tpu.memory_space<vmem>>
      %dma_start3A_109 = arith.constant 0 : i32
      %dma_start3A_110 = tpu.memref_slice %arg9[%add3A_23, %dma_start3A_109] : memref<10000x128xf32, #tpu.memory_space<vmem_shared>> -> memref<48x128xf32, #tpu.memory_space<vmem_shared>>
      %dma_start3A_111 = arith.constant 0 : i32
      %dma_start3A_112 = tpu.memref_slice %arg9[%add3A_23, %dma_start3A_111] : memref<10000x128xf32, #tpu.memory_space<vmem_shared>> -> memref<48x128xf32, #tpu.memory_space<vmem_shared>>
      %dma_start3A_113 = arith.constant 0 : i32
      %dma_start3A_114 = arith.constant 0 : i32
      %dma_start3A_115 = tpu.memref_slice %arg7[%dma_start3A_113, %dma_start3A_114] : memref<125x128xf32, #tpu.memory_space<vmem>> -> memref<48x128xf32, #tpu.memory_space<vmem>>
      tpu.enqueue_dma source(%dma_start3A_115 : memref<48x128xf32, #tpu.memory_space<vmem>>) target(%dma_start3A_112 : memref<48x128xf32, #tpu.memory_space<vmem_shared>>) target_semaphore(%run_scoped3A_105 : memref<!tpu.dma_semaphore, #tpu.memory_space<semaphore_mem>>)
      %dma_wait3A = arith.constant 0 : i32
      %dma_wait3A_116 = arith.constant 0 : i32
      %dma_wait3A_117 = tpu.memref_slice %arg7[%dma_wait3A, %dma_wait3A_116] : memref<125x128xf32, #tpu.memory_space<vmem>> -> memref<48x128xf32, #tpu.memory_space<vmem>>
      %dma_wait3A_118 = arith.constant 0 : i32
      %dma_wait3A_119 = tpu.memref_slice %arg9[%add3A_23, %dma_wait3A_118] : memref<10000x128xf32, #tpu.memory_space<vmem_shared>> -> memref<48x128xf32, #tpu.memory_space<vmem_shared>>
      %dma_wait3A_120 = arith.constant 0 : i32
      %dma_wait3A_121 = tpu.memref_slice %arg9[%add3A_23, %dma_wait3A_120] : memref<10000x128xf32, #tpu.memory_space<vmem_shared>> -> memref<48x128xf32, #tpu.memory_space<vmem_shared>>
      %dma_wait3A_122 = arith.constant 0 : i32
      %dma_wait3A_123 = arith.constant 0 : i32
      %dma_wait3A_124 = tpu.memref_slice %arg7[%dma_wait3A_122, %dma_wait3A_123] : memref<125x128xf32, #tpu.memory_space<vmem>> -> memref<48x128xf32, #tpu.memory_space<vmem>>
      tpu.wait_dma2 semaphore(%run_scoped3A_105 : memref<!tpu.dma_semaphore, #tpu.memory_space<semaphore_mem>>) src(%dma_wait3A_124 : memref<48x128xf32, #tpu.memory_space<vmem>>) dst(%dma_wait3A_121 : memref<48x128xf32, #tpu.memory_space<vmem_shared>>)
      tpu.yield
    }) : () -> ()
    %mul3A_24 = arith.constant 624 : i32
    %mul3A_25 = arith.muli %arg1, %mul3A_24 : i32
    %add3A_26 = arith.constant 96 : i32
    %add3A_27 = arith.addi %mul3A_25, %add3A_26 : i32
    "tpu.region"() ({
      %run_scoped3A_105 = tpu.sem_alloc : memref<!tpu.dma_semaphore, #tpu.memory_space<semaphore_mem>>
      %dma_start3A_106 = arith.constant 0 : i32
      %dma_start3A_107 = arith.constant 0 : i32
      %dma_start3A_108 = tpu.memref_slice %arg7[%dma_start3A_106, %dma_start3A_107] : memref<125x128xf32, #tpu.memory_space<vmem>> -> memref<48x128xf32, #tpu.memory_space<vmem>>
      %dma_start3A_109 = arith.constant 0 : i32
      %dma_start3A_110 = tpu.memref_slice %arg9[%add3A_27, %dma_start3A_109] : memref<10000x128xf32, #tpu.memory_space<vmem_shared>> -> memref<48x128xf32, #tpu.memory_space<vmem_shared>>
      %dma_start3A_111 = arith.constant 0 : i32
      %dma_start3A_112 = tpu.memref_slice %arg9[%add3A_27, %dma_start3A_111] : memref<10000x128xf32, #tpu.memory_space<vmem_shared>> -> memref<48x128xf32, #tpu.memory_space<vmem_shared>>
      %dma_start3A_113 = arith.constant 0 : i32
      %dma_start3A_114 = arith.constant 0 : i32
      %dma_start3A_115 = tpu.memref_slice %arg7[%dma_start3A_113, %dma_start3A_114] : memref<125x128xf32, #tpu.memory_space<vmem>> -> memref<48x128xf32, #tpu.memory_space<vmem>>
      tpu.enqueue_dma source(%dma_start3A_115 : memref<48x128xf32, #tpu.memory_space<vmem>>) target(%dma_start3A_112 : memref<48x128xf32, #tpu.memory_space<vmem_shared>>) target_semaphore(%run_scoped3A_105 : memref<!tpu.dma_semaphore, #tpu.memory_space<semaphore_mem>>)
      %dma_wait3A = arith.constant 0 : i32
      %dma_wait3A_116 = arith.constant 0 : i32
      %dma_wait3A_117 = tpu.memref_slice %arg7[%dma_wait3A, %dma_wait3A_116] : memref<125x128xf32, #tpu.memory_space<vmem>> -> memref<48x128xf32, #tpu.memory_space<vmem>>
      %dma_wait3A_118 = arith.constant 0 : i32
      %dma_wait3A_119 = tpu.memref_slice %arg9[%add3A_27, %dma_wait3A_118] : memref<10000x128xf32, #tpu.memory_space<vmem_shared>> -> memref<48x128xf32, #tpu.memory_space<vmem_shared>>
      %dma_wait3A_120 = arith.constant 0 : i32
      %dma_wait3A_121 = tpu.memref_slice %arg9[%add3A_27, %dma_wait3A_120] : memref<10000x128xf32, #tpu.memory_space<vmem_shared>> -> memref<48x128xf32, #tpu.memory_space<vmem_shared>>
      %dma_wait3A_122 = arith.constant 0 : i32
      %dma_wait3A_123 = arith.constant 0 : i32
      %dma_wait3A_124 = tpu.memref_slice %arg7[%dma_wait3A_122, %dma_wait3A_123] : memref<125x128xf32, #tpu.memory_space<vmem>> -> memref<48x128xf32, #tpu.memory_space<vmem>>
      tpu.wait_dma2 semaphore(%run_scoped3A_105 : memref<!tpu.dma_semaphore, #tpu.memory_space<semaphore_mem>>) src(%dma_wait3A_124 : memref<48x128xf32, #tpu.memory_space<vmem>>) dst(%dma_wait3A_121 : memref<48x128xf32, #tpu.memory_space<vmem_shared>>)
      tpu.yield
    }) : () -> ()
    %mul3A_28 = arith.constant 624 : i32
    %mul3A_29 = arith.muli %arg1, %mul3A_28 : i32
    %add3A_30 = arith.constant 144 : i32
    %add3A_31 = arith.addi %mul3A_29, %add3A_30 : i32
    "tpu.region"() ({
      %run_scoped3A_105 = tpu.sem_alloc : memref<!tpu.dma_semaphore, #tpu.memory_space<semaphore_mem>>
      %dma_start3A_106 = arith.constant 0 : i32
      %dma_start3A_107 = arith.constant 0 : i32
      %dma_start3A_108 = tpu.memref_slice %arg7[%dma_start3A_106, %dma_start3A_107] : memref<125x128xf32, #tpu.memory_space<vmem>> -> memref<48x128xf32, #tpu.memory_space<vmem>>
      %dma_start3A_109 = arith.constant 0 : i32
      %dma_start3A_110 = tpu.memref_slice %arg9[%add3A_31, %dma_start3A_109] : memref<10000x128xf32, #tpu.memory_space<vmem_shared>> -> memref<48x128xf32, #tpu.memory_space<vmem_shared>>
      %dma_start3A_111 = arith.constant 0 : i32
      %dma_start3A_112 = tpu.memref_slice %arg9[%add3A_31, %dma_start3A_111] : memref<10000x128xf32, #tpu.memory_space<vmem_shared>> -> memref<48x128xf32, #tpu.memory_space<vmem_shared>>
      %dma_start3A_113 = arith.constant 0 : i32
      %dma_start3A_114 = arith.constant 0 : i32
      %dma_start3A_115 = tpu.memref_slice %arg7[%dma_start3A_113, %dma_start3A_114] : memref<125x128xf32, #tpu.memory_space<vmem>> -> memref<48x128xf32, #tpu.memory_space<vmem>>
      tpu.enqueue_dma source(%dma_start3A_115 : memref<48x128xf32, #tpu.memory_space<vmem>>) target(%dma_start3A_112 : memref<48x128xf32, #tpu.memory_space<vmem_shared>>) target_semaphore(%run_scoped3A_105 : memref<!tpu.dma_semaphore, #tpu.memory_space<semaphore_mem>>)
      %dma_wait3A = arith.constant 0 : i32
      %dma_wait3A_116 = arith.constant 0 : i32
      %dma_wait3A_117 = tpu.memref_slice %arg7[%dma_wait3A, %dma_wait3A_116] : memref<125x128xf32, #tpu.memory_space<vmem>> -> memref<48x128xf32, #tpu.memory_space<vmem>>
      %dma_wait3A_118 = arith.constant 0 : i32
      %dma_wait3A_119 = tpu.memref_slice %arg9[%add3A_31, %dma_wait3A_118] : memref<10000x128xf32, #tpu.memory_space<vmem_shared>> -> memref<48x128xf32, #tpu.memory_space<vmem_shared>>
      %dma_wait3A_120 = arith.constant 0 : i32
      %dma_wait3A_121 = tpu.memref_slice %arg9[%add3A_31, %dma_wait3A_120] : memref<10000x128xf32, #tpu.memory_space<vmem_shared>> -> memref<48x128xf32, #tpu.memory_space<vmem_shared>>
      %dma_wait3A_122 = arith.constant 0 : i32
      %dma_wait3A_123 = arith.constant 0 : i32
      %dma_wait3A_124 = tpu.memref_slice %arg7[%dma_wait3A_122, %dma_wait3A_123] : memref<125x128xf32, #tpu.memory_space<vmem>> -> memref<48x128xf32, #tpu.memory_space<vmem>>
      tpu.wait_dma2 semaphore(%run_scoped3A_105 : memref<!tpu.dma_semaphore, #tpu.memory_space<semaphore_mem>>) src(%dma_wait3A_124 : memref<48x128xf32, #tpu.memory_space<vmem>>) dst(%dma_wait3A_121 : memref<48x128xf32, #tpu.memory_space<vmem_shared>>)
      tpu.yield
    }) : () -> ()
    %mul3A_32 = arith.constant 624 : i32
    %mul3A_33 = arith.muli %arg1, %mul3A_32 : i32
    %add3A_34 = arith.constant 192 : i32
    %add3A_35 = arith.addi %mul3A_33, %add3A_34 : i32
    "tpu.region"() ({
      %run_scoped3A_105 = tpu.sem_alloc : memref<!tpu.dma_semaphore, #tpu.memory_space<semaphore_mem>>
      %dma_start3A_106 = arith.constant 0 : i32
      %dma_start3A_107 = arith.constant 0 : i32
      %dma_start3A_108 = tpu.memref_slice %arg7[%dma_start3A_106, %dma_start3A_107] : memref<125x128xf32, #tpu.memory_space<vmem>> -> memref<48x128xf32, #tpu.memory_space<vmem>>
      %dma_start3A_109 = arith.constant 0 : i32
      %dma_start3A_110 = tpu.memref_slice %arg9[%add3A_35, %dma_start3A_109] : memref<10000x128xf32, #tpu.memory_space<vmem_shared>> -> memref<48x128xf32, #tpu.memory_space<vmem_shared>>
      %dma_start3A_111 = arith.constant 0 : i32
      %dma_start3A_112 = tpu.memref_slice %arg9[%add3A_35, %dma_start3A_111] : memref<10000x128xf32, #tpu.memory_space<vmem_shared>> -> memref<48x128xf32, #tpu.memory_space<vmem_shared>>
      %dma_start3A_113 = arith.constant 0 : i32
      %dma_start3A_114 = arith.constant 0 : i32
      %dma_start3A_115 = tpu.memref_slice %arg7[%dma_start3A_113, %dma_start3A_114] : memref<125x128xf32, #tpu.memory_space<vmem>> -> memref<48x128xf32, #tpu.memory_space<vmem>>
      tpu.enqueue_dma source(%dma_start3A_115 : memref<48x128xf32, #tpu.memory_space<vmem>>) target(%dma_start3A_112 : memref<48x128xf32, #tpu.memory_space<vmem_shared>>) target_semaphore(%run_scoped3A_105 : memref<!tpu.dma_semaphore, #tpu.memory_space<semaphore_mem>>)
      %dma_wait3A = arith.constant 0 : i32
      %dma_wait3A_116 = arith.constant 0 : i32
      %dma_wait3A_117 = tpu.memref_slice %arg7[%dma_wait3A, %dma_wait3A_116] : memref<125x128xf32, #tpu.memory_space<vmem>> -> memref<48x128xf32, #tpu.memory_space<vmem>>
      %dma_wait3A_118 = arith.constant 0 : i32
      %dma_wait3A_119 = tpu.memref_slice %arg9[%add3A_35, %dma_wait3A_118] : memref<10000x128xf32, #tpu.memory_space<vmem_shared>> -> memref<48x128xf32, #tpu.memory_space<vmem_shared>>
      %dma_wait3A_120 = arith.constant 0 : i32
      %dma_wait3A_121 = tpu.memref_slice %arg9[%add3A_35, %dma_wait3A_120] : memref<10000x128xf32, #tpu.memory_space<vmem_shared>> -> memref<48x128xf32, #tpu.memory_space<vmem_shared>>
      %dma_wait3A_122 = arith.constant 0 : i32
      %dma_wait3A_123 = arith.constant 0 : i32
      %dma_wait3A_124 = tpu.memref_slice %arg7[%dma_wait3A_122, %dma_wait3A_123] : memref<125x128xf32, #tpu.memory_space<vmem>> -> memref<48x128xf32, #tpu.memory_space<vmem>>
      tpu.wait_dma2 semaphore(%run_scoped3A_105 : memref<!tpu.dma_semaphore, #tpu.memory_space<semaphore_mem>>) src(%dma_wait3A_124 : memref<48x128xf32, #tpu.memory_space<vmem>>) dst(%dma_wait3A_121 : memref<48x128xf32, #tpu.memory_space<vmem_shared>>)
      tpu.yield
    }) : () -> ()
    %mul3A_36 = arith.constant 624 : i32
    %mul3A_37 = arith.muli %arg1, %mul3A_36 : i32
    %add3A_38 = arith.constant 240 : i32
    %add3A_39 = arith.addi %mul3A_37, %add3A_38 : i32
    "tpu.region"() ({
      %run_scoped3A_105 = tpu.sem_alloc : memref<!tpu.dma_semaphore, #tpu.memory_space<semaphore_mem>>
      %dma_start3A_106 = arith.constant 0 : i32
      %dma_start3A_107 = arith.constant 0 : i32
      %dma_start3A_108 = tpu.memref_slice %arg7[%dma_start3A_106, %dma_start3A_107] : memref<125x128xf32, #tpu.memory_space<vmem>> -> memref<48x128xf32, #tpu.memory_space<vmem>>
      %dma_start3A_109 = arith.constant 0 : i32
      %dma_start3A_110 = tpu.memref_slice %arg9[%add3A_39, %dma_start3A_109] : memref<10000x128xf32, #tpu.memory_space<vmem_shared>> -> memref<48x128xf32, #tpu.memory_space<vmem_shared>>
      %dma_start3A_111 = arith.constant 0 : i32
      %dma_start3A_112 = tpu.memref_slice %arg9[%add3A_39, %dma_start3A_111] : memref<10000x128xf32, #tpu.memory_space<vmem_shared>> -> memref<48x128xf32, #tpu.memory_space<vmem_shared>>
      %dma_start3A_113 = arith.constant 0 : i32
      %dma_start3A_114 = arith.constant 0 : i32
      %dma_start3A_115 = tpu.memref_slice %arg7[%dma_start3A_113, %dma_start3A_114] : memref<125x128xf32, #tpu.memory_space<vmem>> -> memref<48x128xf32, #tpu.memory_space<vmem>>
      tpu.enqueue_dma source(%dma_start3A_115 : memref<48x128xf32, #tpu.memory_space<vmem>>) target(%dma_start3A_112 : memref<48x128xf32, #tpu.memory_space<vmem_shared>>) target_semaphore(%run_scoped3A_105 : memref<!tpu.dma_semaphore, #tpu.memory_space<semaphore_mem>>)
      %dma_wait3A = arith.constant 0 : i32
      %dma_wait3A_116 = arith.constant 0 : i32
      %dma_wait3A_117 = tpu.memref_slice %arg7[%dma_wait3A, %dma_wait3A_116] : memref<125x128xf32, #tpu.memory_space<vmem>> -> memref<48x128xf32, #tpu.memory_space<vmem>>
      %dma_wait3A_118 = arith.constant 0 : i32
      %dma_wait3A_119 = tpu.memref_slice %arg9[%add3A_39, %dma_wait3A_118] : memref<10000x128xf32, #tpu.memory_space<vmem_shared>> -> memref<48x128xf32, #tpu.memory_space<vmem_shared>>
      %dma_wait3A_120 = arith.constant 0 : i32
      %dma_wait3A_121 = tpu.memref_slice %arg9[%add3A_39, %dma_wait3A_120] : memref<10000x128xf32, #tpu.memory_space<vmem_shared>> -> memref<48x128xf32, #tpu.memory_space<vmem_shared>>
      %dma_wait3A_122 = arith.constant 0 : i32
      %dma_wait3A_123 = arith.constant 0 : i32
      %dma_wait3A_124 = tpu.memref_slice %arg7[%dma_wait3A_122, %dma_wait3A_123] : memref<125x128xf32, #tpu.memory_space<vmem>> -> memref<48x128xf32, #tpu.memory_space<vmem>>
      tpu.wait_dma2 semaphore(%run_scoped3A_105 : memref<!tpu.dma_semaphore, #tpu.memory_space<semaphore_mem>>) src(%dma_wait3A_124 : memref<48x128xf32, #tpu.memory_space<vmem>>) dst(%dma_wait3A_121 : memref<48x128xf32, #tpu.memory_space<vmem_shared>>)
      tpu.yield
    }) : () -> ()
    %mul3A_40 = arith.constant 624 : i32
    %mul3A_41 = arith.muli %arg1, %mul3A_40 : i32
    %add3A_42 = arith.constant 288 : i32
    %add3A_43 = arith.addi %mul3A_41, %add3A_42 : i32
    "tpu.region"() ({
      %run_scoped3A_105 = tpu.sem_alloc : memref<!tpu.dma_semaphore, #tpu.memory_space<semaphore_mem>>
      %dma_start3A_106 = arith.constant 0 : i32
      %dma_start3A_107 = arith.constant 0 : i32
      %dma_start3A_108 = tpu.memref_slice %arg7[%dma_start3A_106, %dma_start3A_107] : memref<125x128xf32, #tpu.memory_space<vmem>> -> memref<48x128xf32, #tpu.memory_space<vmem>>
      %dma_start3A_109 = arith.constant 0 : i32
      %dma_start3A_110 = tpu.memref_slice %arg9[%add3A_43, %dma_start3A_109] : memref<10000x128xf32, #tpu.memory_space<vmem_shared>> -> memref<48x128xf32, #tpu.memory_space<vmem_shared>>
      %dma_start3A_111 = arith.constant 0 : i32
      %dma_start3A_112 = tpu.memref_slice %arg9[%add3A_43, %dma_start3A_111] : memref<10000x128xf32, #tpu.memory_space<vmem_shared>> -> memref<48x128xf32, #tpu.memory_space<vmem_shared>>
      %dma_start3A_113 = arith.constant 0 : i32
      %dma_start3A_114 = arith.constant 0 : i32
      %dma_start3A_115 = tpu.memref_slice %arg7[%dma_start3A_113, %dma_start3A_114] : memref<125x128xf32, #tpu.memory_space<vmem>> -> memref<48x128xf32, #tpu.memory_space<vmem>>
      tpu.enqueue_dma source(%dma_start3A_115 : memref<48x128xf32, #tpu.memory_space<vmem>>) target(%dma_start3A_112 : memref<48x128xf32, #tpu.memory_space<vmem_shared>>) target_semaphore(%run_scoped3A_105 : memref<!tpu.dma_semaphore, #tpu.memory_space<semaphore_mem>>)
      %dma_wait3A = arith.constant 0 : i32
      %dma_wait3A_116 = arith.constant 0 : i32
      %dma_wait3A_117 = tpu.memref_slice %arg7[%dma_wait3A, %dma_wait3A_116] : memref<125x128xf32, #tpu.memory_space<vmem>> -> memref<48x128xf32, #tpu.memory_space<vmem>>
      %dma_wait3A_118 = arith.constant 0 : i32
      %dma_wait3A_119 = tpu.memref_slice %arg9[%add3A_43, %dma_wait3A_118] : memref<10000x128xf32, #tpu.memory_space<vmem_shared>> -> memref<48x128xf32, #tpu.memory_space<vmem_shared>>
      %dma_wait3A_120 = arith.constant 0 : i32
      %dma_wait3A_121 = tpu.memref_slice %arg9[%add3A_43, %dma_wait3A_120] : memref<10000x128xf32, #tpu.memory_space<vmem_shared>> -> memref<48x128xf32, #tpu.memory_space<vmem_shared>>
      %dma_wait3A_122 = arith.constant 0 : i32
      %dma_wait3A_123 = arith.constant 0 : i32
      %dma_wait3A_124 = tpu.memref_slice %arg7[%dma_wait3A_122, %dma_wait3A_123] : memref<125x128xf32, #tpu.memory_space<vmem>> -> memref<48x128xf32, #tpu.memory_space<vmem>>
      tpu.wait_dma2 semaphore(%run_scoped3A_105 : memref<!tpu.dma_semaphore, #tpu.memory_space<semaphore_mem>>) src(%dma_wait3A_124 : memref<48x128xf32, #tpu.memory_space<vmem>>) dst(%dma_wait3A_121 : memref<48x128xf32, #tpu.memory_space<vmem_shared>>)
      tpu.yield
    }) : () -> ()
    %mul3A_44 = arith.constant 624 : i32
    %mul3A_45 = arith.muli %arg1, %mul3A_44 : i32
    %add3A_46 = arith.constant 336 : i32
    %add3A_47 = arith.addi %mul3A_45, %add3A_46 : i32
    "tpu.region"() ({
      %run_scoped3A_105 = tpu.sem_alloc : memref<!tpu.dma_semaphore, #tpu.memory_space<semaphore_mem>>
      %dma_start3A_106 = arith.constant 0 : i32
      %dma_start3A_107 = arith.constant 0 : i32
      %dma_start3A_108 = tpu.memref_slice %arg7[%dma_start3A_106, %dma_start3A_107] : memref<125x128xf32, #tpu.memory_space<vmem>> -> memref<48x128xf32, #tpu.memory_space<vmem>>
      %dma_start3A_109 = arith.constant 0 : i32
      %dma_start3A_110 = tpu.memref_slice %arg9[%add3A_47, %dma_start3A_109] : memref<10000x128xf32, #tpu.memory_space<vmem_shared>> -> memref<48x128xf32, #tpu.memory_space<vmem_shared>>
      %dma_start3A_111 = arith.constant 0 : i32
      %dma_start3A_112 = tpu.memref_slice %arg9[%add3A_47, %dma_start3A_111] : memref<10000x128xf32, #tpu.memory_space<vmem_shared>> -> memref<48x128xf32, #tpu.memory_space<vmem_shared>>
      %dma_start3A_113 = arith.constant 0 : i32
      %dma_start3A_114 = arith.constant 0 : i32
      %dma_start3A_115 = tpu.memref_slice %arg7[%dma_start3A_113, %dma_start3A_114] : memref<125x128xf32, #tpu.memory_space<vmem>> -> memref<48x128xf32, #tpu.memory_space<vmem>>
      tpu.enqueue_dma source(%dma_start3A_115 : memref<48x128xf32, #tpu.memory_space<vmem>>) target(%dma_start3A_112 : memref<48x128xf32, #tpu.memory_space<vmem_shared>>) target_semaphore(%run_scoped3A_105 : memref<!tpu.dma_semaphore, #tpu.memory_space<semaphore_mem>>)
      %dma_wait3A = arith.constant 0 : i32
      %dma_wait3A_116 = arith.constant 0 : i32
      %dma_wait3A_117 = tpu.memref_slice %arg7[%dma_wait3A, %dma_wait3A_116] : memref<125x128xf32, #tpu.memory_space<vmem>> -> memref<48x128xf32, #tpu.memory_space<vmem>>
      %dma_wait3A_118 = arith.constant 0 : i32
      %dma_wait3A_119 = tpu.memref_slice %arg9[%add3A_47, %dma_wait3A_118] : memref<10000x128xf32, #tpu.memory_space<vmem_shared>> -> memref<48x128xf32, #tpu.memory_space<vmem_shared>>
      %dma_wait3A_120 = arith.constant 0 : i32
      %dma_wait3A_121 = tpu.memref_slice %arg9[%add3A_47, %dma_wait3A_120] : memref<10000x128xf32, #tpu.memory_space<vmem_shared>> -> memref<48x128xf32, #tpu.memory_space<vmem_shared>>
      %dma_wait3A_122 = arith.constant 0 : i32
      %dma_wait3A_123 = arith.constant 0 : i32
      %dma_wait3A_124 = tpu.memref_slice %arg7[%dma_wait3A_122, %dma_wait3A_123] : memref<125x128xf32, #tpu.memory_space<vmem>> -> memref<48x128xf32, #tpu.memory_space<vmem>>
      tpu.wait_dma2 semaphore(%run_scoped3A_105 : memref<!tpu.dma_semaphore, #tpu.memory_space<semaphore_mem>>) src(%dma_wait3A_124 : memref<48x128xf32, #tpu.memory_space<vmem>>) dst(%dma_wait3A_121 : memref<48x128xf32, #tpu.memory_space<vmem_shared>>)
      tpu.yield
    }) : () -> ()
    %mul3A_48 = arith.constant 624 : i32
    %mul3A_49 = arith.muli %arg1, %mul3A_48 : i32
    %add3A_50 = arith.constant 384 : i32
    %add3A_51 = arith.addi %mul3A_49, %add3A_50 : i32
    "tpu.region"() ({
      %run_scoped3A_105 = tpu.sem_alloc : memref<!tpu.dma_semaphore, #tpu.memory_space<semaphore_mem>>
      %dma_start3A_106 = arith.constant 0 : i32
      %dma_start3A_107 = arith.constant 0 : i32
      %dma_start3A_108 = tpu.memref_slice %arg7[%dma_start3A_106, %dma_start3A_107] : memref<125x128xf32, #tpu.memory_space<vmem>> -> memref<48x128xf32, #tpu.memory_space<vmem>>
      %dma_start3A_109 = arith.constant 0 : i32
      %dma_start3A_110 = tpu.memref_slice %arg9[%add3A_51, %dma_start3A_109] : memref<10000x128xf32, #tpu.memory_space<vmem_shared>> -> memref<48x128xf32, #tpu.memory_space<vmem_shared>>
      %dma_start3A_111 = arith.constant 0 : i32
      %dma_start3A_112 = tpu.memref_slice %arg9[%add3A_51, %dma_start3A_111] : memref<10000x128xf32, #tpu.memory_space<vmem_shared>> -> memref<48x128xf32, #tpu.memory_space<vmem_shared>>
      %dma_start3A_113 = arith.constant 0 : i32
      %dma_start3A_114 = arith.constant 0 : i32
      %dma_start3A_115 = tpu.memref_slice %arg7[%dma_start3A_113, %dma_start3A_114] : memref<125x128xf32, #tpu.memory_space<vmem>> -> memref<48x128xf32, #tpu.memory_space<vmem>>
      tpu.enqueue_dma source(%dma_start3A_115 : memref<48x128xf32, #tpu.memory_space<vmem>>) target(%dma_start3A_112 : memref<48x128xf32, #tpu.memory_space<vmem_shared>>) target_semaphore(%run_scoped3A_105 : memref<!tpu.dma_semaphore, #tpu.memory_space<semaphore_mem>>)
      %dma_wait3A = arith.constant 0 : i32
      %dma_wait3A_116 = arith.constant 0 : i32
      %dma_wait3A_117 = tpu.memref_slice %arg7[%dma_wait3A, %dma_wait3A_116] : memref<125x128xf32, #tpu.memory_space<vmem>> -> memref<48x128xf32, #tpu.memory_space<vmem>>
      %dma_wait3A_118 = arith.constant 0 : i32
      %dma_wait3A_119 = tpu.memref_slice %arg9[%add3A_51, %dma_wait3A_118] : memref<10000x128xf32, #tpu.memory_space<vmem_shared>> -> memref<48x128xf32, #tpu.memory_space<vmem_shared>>
      %dma_wait3A_120 = arith.constant 0 : i32
      %dma_wait3A_121 = tpu.memref_slice %arg9[%add3A_51, %dma_wait3A_120] : memref<10000x128xf32, #tpu.memory_space<vmem_shared>> -> memref<48x128xf32, #tpu.memory_space<vmem_shared>>
      %dma_wait3A_122 = arith.constant 0 : i32
      %dma_wait3A_123 = arith.constant 0 : i32
      %dma_wait3A_124 = tpu.memref_slice %arg7[%dma_wait3A_122, %dma_wait3A_123] : memref<125x128xf32, #tpu.memory_space<vmem>> -> memref<48x128xf32, #tpu.memory_space<vmem>>
      tpu.wait_dma2 semaphore(%run_scoped3A_105 : memref<!tpu.dma_semaphore, #tpu.memory_space<semaphore_mem>>) src(%dma_wait3A_124 : memref<48x128xf32, #tpu.memory_space<vmem>>) dst(%dma_wait3A_121 : memref<48x128xf32, #tpu.memory_space<vmem_shared>>)
      tpu.yield
    }) : () -> ()
    %mul3A_52 = arith.constant 624 : i32
    %mul3A_53 = arith.muli %arg1, %mul3A_52 : i32
    %add3A_54 = arith.constant 432 : i32
    %add3A_55 = arith.addi %mul3A_53, %add3A_54 : i32
    "tpu.region"() ({
      %run_scoped3A_105 = tpu.sem_alloc : memref<!tpu.dma_semaphore, #tpu.memory_space<semaphore_mem>>
      %dma_start3A_106 = arith.constant 0 : i32
      %dma_start3A_107 = arith.constant 0 : i32
      %dma_start3A_108 = tpu.memref_slice %arg7[%dma_start3A_106, %dma_start3A_107] : memref<125x128xf32, #tpu.memory_space<vmem>> -> memref<48x128xf32, #tpu.memory_space<vmem>>
      %dma_start3A_109 = arith.constant 0 : i32
      %dma_start3A_110 = tpu.memref_slice %arg9[%add3A_55, %dma_start3A_109] : memref<10000x128xf32, #tpu.memory_space<vmem_shared>> -> memref<48x128xf32, #tpu.memory_space<vmem_shared>>
      %dma_start3A_111 = arith.constant 0 : i32
      %dma_start3A_112 = tpu.memref_slice %arg9[%add3A_55, %dma_start3A_111] : memref<10000x128xf32, #tpu.memory_space<vmem_shared>> -> memref<48x128xf32, #tpu.memory_space<vmem_shared>>
      %dma_start3A_113 = arith.constant 0 : i32
      %dma_start3A_114 = arith.constant 0 : i32
      %dma_start3A_115 = tpu.memref_slice %arg7[%dma_start3A_113, %dma_start3A_114] : memref<125x128xf32, #tpu.memory_space<vmem>> -> memref<48x128xf32, #tpu.memory_space<vmem>>
      tpu.enqueue_dma source(%dma_start3A_115 : memref<48x128xf32, #tpu.memory_space<vmem>>) target(%dma_start3A_112 : memref<48x128xf32, #tpu.memory_space<vmem_shared>>) target_semaphore(%run_scoped3A_105 : memref<!tpu.dma_semaphore, #tpu.memory_space<semaphore_mem>>)
      %dma_wait3A = arith.constant 0 : i32
      %dma_wait3A_116 = arith.constant 0 : i32
      %dma_wait3A_117 = tpu.memref_slice %arg7[%dma_wait3A, %dma_wait3A_116] : memref<125x128xf32, #tpu.memory_space<vmem>> -> memref<48x128xf32, #tpu.memory_space<vmem>>
      %dma_wait3A_118 = arith.constant 0 : i32
      %dma_wait3A_119 = tpu.memref_slice %arg9[%add3A_55, %dma_wait3A_118] : memref<10000x128xf32, #tpu.memory_space<vmem_shared>> -> memref<48x128xf32, #tpu.memory_space<vmem_shared>>
      %dma_wait3A_120 = arith.constant 0 : i32
      %dma_wait3A_121 = tpu.memref_slice %arg9[%add3A_55, %dma_wait3A_120] : memref<10000x128xf32, #tpu.memory_space<vmem_shared>> -> memref<48x128xf32, #tpu.memory_space<vmem_shared>>
      %dma_wait3A_122 = arith.constant 0 : i32
      %dma_wait3A_123 = arith.constant 0 : i32
      %dma_wait3A_124 = tpu.memref_slice %arg7[%dma_wait3A_122, %dma_wait3A_123] : memref<125x128xf32, #tpu.memory_space<vmem>> -> memref<48x128xf32, #tpu.memory_space<vmem>>
      tpu.wait_dma2 semaphore(%run_scoped3A_105 : memref<!tpu.dma_semaphore, #tpu.memory_space<semaphore_mem>>) src(%dma_wait3A_124 : memref<48x128xf32, #tpu.memory_space<vmem>>) dst(%dma_wait3A_121 : memref<48x128xf32, #tpu.memory_space<vmem_shared>>)
      tpu.yield
    }) : () -> ()
    %mul3A_56 = arith.constant 624 : i32
    %mul3A_57 = arith.muli %arg1, %mul3A_56 : i32
    %add3A_58 = arith.constant 480 : i32
    %add3A_59 = arith.addi %mul3A_57, %add3A_58 : i32
    "tpu.region"() ({
      %run_scoped3A_105 = tpu.sem_alloc : memref<!tpu.dma_semaphore, #tpu.memory_space<semaphore_mem>>
      %dma_start3A_106 = arith.constant 0 : i32
      %dma_start3A_107 = arith.constant 0 : i32
      %dma_start3A_108 = tpu.memref_slice %arg7[%dma_start3A_106, %dma_start3A_107] : memref<125x128xf32, #tpu.memory_space<vmem>> -> memref<48x128xf32, #tpu.memory_space<vmem>>
      %dma_start3A_109 = arith.constant 0 : i32
      %dma_start3A_110 = tpu.memref_slice %arg9[%add3A_59, %dma_start3A_109] : memref<10000x128xf32, #tpu.memory_space<vmem_shared>> -> memref<48x128xf32, #tpu.memory_space<vmem_shared>>
      %dma_start3A_111 = arith.constant 0 : i32
      %dma_start3A_112 = tpu.memref_slice %arg9[%add3A_59, %dma_start3A_111] : memref<10000x128xf32, #tpu.memory_space<vmem_shared>> -> memref<48x128xf32, #tpu.memory_space<vmem_shared>>
      %dma_start3A_113 = arith.constant 0 : i32
      %dma_start3A_114 = arith.constant 0 : i32
      %dma_start3A_115 = tpu.memref_slice %arg7[%dma_start3A_113, %dma_start3A_114] : memref<125x128xf32, #tpu.memory_space<vmem>> -> memref<48x128xf32, #tpu.memory_space<vmem>>
      tpu.enqueue_dma source(%dma_start3A_115 : memref<48x128xf32, #tpu.memory_space<vmem>>) target(%dma_start3A_112 : memref<48x128xf32, #tpu.memory_space<vmem_shared>>) target_semaphore(%run_scoped3A_105 : memref<!tpu.dma_semaphore, #tpu.memory_space<semaphore_mem>>)
      %dma_wait3A = arith.constant 0 : i32
      %dma_wait3A_116 = arith.constant 0 : i32
      %dma_wait3A_117 = tpu.memref_slice %arg7[%dma_wait3A, %dma_wait3A_116] : memref<125x128xf32, #tpu.memory_space<vmem>> -> memref<48x128xf32, #tpu.memory_space<vmem>>
      %dma_wait3A_118 = arith.constant 0 : i32
      %dma_wait3A_119 = tpu.memref_slice %arg9[%add3A_59, %dma_wait3A_118] : memref<10000x128xf32, #tpu.memory_space<vmem_shared>> -> memref<48x128xf32, #tpu.memory_space<vmem_shared>>
      %dma_wait3A_120 = arith.constant 0 : i32
      %dma_wait3A_121 = tpu.memref_slice %arg9[%add3A_59, %dma_wait3A_120] : memref<10000x128xf32, #tpu.memory_space<vmem_shared>> -> memref<48x128xf32, #tpu.memory_space<vmem_shared>>
      %dma_wait3A_122 = arith.constant 0 : i32
      %dma_wait3A_123 = arith.constant 0 : i32
      %dma_wait3A_124 = tpu.memref_slice %arg7[%dma_wait3A_122, %dma_wait3A_123] : memref<125x128xf32, #tpu.memory_space<vmem>> -> memref<48x128xf32, #tpu.memory_space<vmem>>
      tpu.wait_dma2 semaphore(%run_scoped3A_105 : memref<!tpu.dma_semaphore, #tpu.memory_space<semaphore_mem>>) src(%dma_wait3A_124 : memref<48x128xf32, #tpu.memory_space<vmem>>) dst(%dma_wait3A_121 : memref<48x128xf32, #tpu.memory_space<vmem_shared>>)
      tpu.yield
    }) : () -> ()
    %mul3A_60 = arith.constant 624 : i32
    %mul3A_61 = arith.muli %arg1, %mul3A_60 : i32
    %add3A_62 = arith.constant 528 : i32
    %add3A_63 = arith.addi %mul3A_61, %add3A_62 : i32
    "tpu.region"() ({
      %run_scoped3A_105 = tpu.sem_alloc : memref<!tpu.dma_semaphore, #tpu.memory_space<semaphore_mem>>
      %dma_start3A_106 = arith.constant 0 : i32
      %dma_start3A_107 = arith.constant 0 : i32
      %dma_start3A_108 = tpu.memref_slice %arg7[%dma_start3A_106, %dma_start3A_107] : memref<125x128xf32, #tpu.memory_space<vmem>> -> memref<48x128xf32, #tpu.memory_space<vmem>>
      %dma_start3A_109 = arith.constant 0 : i32
      %dma_start3A_110 = tpu.memref_slice %arg9[%add3A_63, %dma_start3A_109] : memref<10000x128xf32, #tpu.memory_space<vmem_shared>> -> memref<48x128xf32, #tpu.memory_space<vmem_shared>>
      %dma_start3A_111 = arith.constant 0 : i32
      %dma_start3A_112 = tpu.memref_slice %arg9[%add3A_63, %dma_start3A_111] : memref<10000x128xf32, #tpu.memory_space<vmem_shared>> -> memref<48x128xf32, #tpu.memory_space<vmem_shared>>
      %dma_start3A_113 = arith.constant 0 : i32
      %dma_start3A_114 = arith.constant 0 : i32
      %dma_start3A_115 = tpu.memref_slice %arg7[%dma_start3A_113, %dma_start3A_114] : memref<125x128xf32, #tpu.memory_space<vmem>> -> memref<48x128xf32, #tpu.memory_space<vmem>>
      tpu.enqueue_dma source(%dma_start3A_115 : memref<48x128xf32, #tpu.memory_space<vmem>>) target(%dma_start3A_112 : memref<48x128xf32, #tpu.memory_space<vmem_shared>>) target_semaphore(%run_scoped3A_105 : memref<!tpu.dma_semaphore, #tpu.memory_space<semaphore_mem>>)
      %dma_wait3A = arith.constant 0 : i32
      %dma_wait3A_116 = arith.constant 0 : i32
      %dma_wait3A_117 = tpu.memref_slice %arg7[%dma_wait3A, %dma_wait3A_116] : memref<125x128xf32, #tpu.memory_space<vmem>> -> memref<48x128xf32, #tpu.memory_space<vmem>>
      %dma_wait3A_118 = arith.constant 0 : i32
      %dma_wait3A_119 = tpu.memref_slice %arg9[%add3A_63, %dma_wait3A_118] : memref<10000x128xf32, #tpu.memory_space<vmem_shared>> -> memref<48x128xf32, #tpu.memory_space<vmem_shared>>
      %dma_wait3A_120 = arith.constant 0 : i32
      %dma_wait3A_121 = tpu.memref_slice %arg9[%add3A_63, %dma_wait3A_120] : memref<10000x128xf32, #tpu.memory_space<vmem_shared>> -> memref<48x128xf32, #tpu.memory_space<vmem_shared>>
      %dma_wait3A_122 = arith.constant 0 : i32
      %dma_wait3A_123 = arith.constant 0 : i32
      %dma_wait3A_124 = tpu.memref_slice %arg7[%dma_wait3A_122, %dma_wait3A_123] : memref<125x128xf32, #tpu.memory_space<vmem>> -> memref<48x128xf32, #tpu.memory_space<vmem>>
      tpu.wait_dma2 semaphore(%run_scoped3A_105 : memref<!tpu.dma_semaphore, #tpu.memory_space<semaphore_mem>>) src(%dma_wait3A_124 : memref<48x128xf32, #tpu.memory_space<vmem>>) dst(%dma_wait3A_121 : memref<48x128xf32, #tpu.memory_space<vmem_shared>>)
      tpu.yield
    }) : () -> ()
    %mul3A_64 = arith.constant 624 : i32
    %mul3A_65 = arith.muli %arg1, %mul3A_64 : i32
    %add3A_66 = arith.constant 576 : i32
    %add3A_67 = arith.addi %mul3A_65, %add3A_66 : i32
    "tpu.region"() ({
      %run_scoped3A_105 = tpu.sem_alloc : memref<!tpu.dma_semaphore, #tpu.memory_space<semaphore_mem>>
      %dma_start3A_106 = arith.constant 0 : i32
      %dma_start3A_107 = arith.constant 0 : i32
      %dma_start3A_108 = tpu.memref_slice %arg7[%dma_start3A_106, %dma_start3A_107] : memref<125x128xf32, #tpu.memory_space<vmem>> -> memref<48x128xf32, #tpu.memory_space<vmem>>
      %dma_start3A_109 = arith.constant 0 : i32
      %dma_start3A_110 = tpu.memref_slice %arg9[%add3A_67, %dma_start3A_109] : memref<10000x128xf32, #tpu.memory_space<vmem_shared>> -> memref<48x128xf32, #tpu.memory_space<vmem_shared>>
      %dma_start3A_111 = arith.constant 0 : i32
      %dma_start3A_112 = tpu.memref_slice %arg9[%add3A_67, %dma_start3A_111] : memref<10000x128xf32, #tpu.memory_space<vmem_shared>> -> memref<48x128xf32, #tpu.memory_space<vmem_shared>>
      %dma_start3A_113 = arith.constant 0 : i32
      %dma_start3A_114 = arith.constant 0 : i32
      %dma_start3A_115 = tpu.memref_slice %arg7[%dma_start3A_113, %dma_start3A_114] : memref<125x128xf32, #tpu.memory_space<vmem>> -> memref<48x128xf32, #tpu.memory_space<vmem>>
      tpu.enqueue_dma source(%dma_start3A_115 : memref<48x128xf32, #tpu.memory_space<vmem>>) target(%dma_start3A_112 : memref<48x128xf32, #tpu.memory_space<vmem_shared>>) target_semaphore(%run_scoped3A_105 : memref<!tpu.dma_semaphore, #tpu.memory_space<semaphore_mem>>)
      %dma_wait3A = arith.constant 0 : i32
      %dma_wait3A_116 = arith.constant 0 : i32
      %dma_wait3A_117 = tpu.memref_slice %arg7[%dma_wait3A, %dma_wait3A_116] : memref<125x128xf32, #tpu.memory_space<vmem>> -> memref<48x128xf32, #tpu.memory_space<vmem>>
      %dma_wait3A_118 = arith.constant 0 : i32
      %dma_wait3A_119 = tpu.memref_slice %arg9[%add3A_67, %dma_wait3A_118] : memref<10000x128xf32, #tpu.memory_space<vmem_shared>> -> memref<48x128xf32, #tpu.memory_space<vmem_shared>>
      %dma_wait3A_120 = arith.constant 0 : i32
      %dma_wait3A_121 = tpu.memref_slice %arg9[%add3A_67, %dma_wait3A_120] : memref<10000x128xf32, #tpu.memory_space<vmem_shared>> -> memref<48x128xf32, #tpu.memory_space<vmem_shared>>
      %dma_wait3A_122 = arith.constant 0 : i32
      %dma_wait3A_123 = arith.constant 0 : i32
      %dma_wait3A_124 = tpu.memref_slice %arg7[%dma_wait3A_122, %dma_wait3A_123] : memref<125x128xf32, #tpu.memory_space<vmem>> -> memref<48x128xf32, #tpu.memory_space<vmem>>
      tpu.wait_dma2 semaphore(%run_scoped3A_105 : memref<!tpu.dma_semaphore, #tpu.memory_space<semaphore_mem>>) src(%dma_wait3A_124 : memref<48x128xf32, #tpu.memory_space<vmem>>) dst(%dma_wait3A_121 : memref<48x128xf32, #tpu.memory_space<vmem_shared>>)
      tpu.yield
    }) : () -> ()
    %eq3A = arith.constant 15 : i32
    %eq3A_68 = arith.cmpi eq, %arg1, %eq3A : i32
    %convert_element_type3A = arith.extui %eq3A_68 : i1 to i32
    %cond3A = arith.constant 0 : i32
    %cond3A_69 = arith.cmpi ne, %convert_element_type3A, %cond3A : i32
    scf.if %cond3A_69 {
      "tpu.region"() ({
        %run_scoped3A_105 = tpu.sem_alloc : memref<!tpu.dma_semaphore, #tpu.memory_space<semaphore_mem>>
        %dma_start3A_106 = arith.constant 0 : i32
        %dma_start3A_107 = arith.constant 0 : i32
        %dma_start3A_108 = tpu.memref_slice %arg7[%dma_start3A_106, %dma_start3A_107] : memref<125x128xf32, #tpu.memory_space<vmem>> -> memref<16x128xf32, #tpu.memory_space<vmem>>
        %dma_start3A_109 = arith.constant 9984 : i32
        %dma_start3A_110 = arith.constant 0 : i32
        %dma_start3A_111 = tpu.memref_slice %arg9[%dma_start3A_109, %dma_start3A_110] : memref<10000x128xf32, #tpu.memory_space<vmem_shared>> -> memref<16x128xf32, #tpu.memory_space<vmem_shared>>
        %dma_start3A_112 = arith.constant 9984 : i32
        %dma_start3A_113 = arith.constant 0 : i32
        %dma_start3A_114 = tpu.memref_slice %arg9[%dma_start3A_112, %dma_start3A_113] : memref<10000x128xf32, #tpu.memory_space<vmem_shared>> -> memref<16x128xf32, #tpu.memory_space<vmem_shared>>
        %dma_start3A_115 = arith.constant 0 : i32
        %dma_start3A_116 = arith.constant 0 : i32
        %dma_start3A_117 = tpu.memref_slice %arg7[%dma_start3A_115, %dma_start3A_116] : memref<125x128xf32, #tpu.memory_space<vmem>> -> memref<16x128xf32, #tpu.memory_space<vmem>>
        tpu.enqueue_dma source(%dma_start3A_117 : memref<16x128xf32, #tpu.memory_space<vmem>>) target(%dma_start3A_114 : memref<16x128xf32, #tpu.memory_space<vmem_shared>>) target_semaphore(%run_scoped3A_105 : memref<!tpu.dma_semaphore, #tpu.memory_space<semaphore_mem>>)
        %dma_wait3A = arith.constant 0 : i32
        %dma_wait3A_118 = arith.constant 0 : i32
        %dma_wait3A_119 = tpu.memref_slice %arg7[%dma_wait3A, %dma_wait3A_118] : memref<125x128xf32, #tpu.memory_space<vmem>> -> memref<16x128xf32, #tpu.memory_space<vmem>>
        %dma_wait3A_120 = arith.constant 9984 : i32
        %dma_wait3A_121 = arith.constant 0 : i32
        %dma_wait3A_122 = tpu.memref_slice %arg9[%dma_wait3A_120, %dma_wait3A_121] : memref<10000x128xf32, #tpu.memory_space<vmem_shared>> -> memref<16x128xf32, #tpu.memory_space<vmem_shared>>
        %dma_wait3A_123 = arith.constant 9984 : i32
        %dma_wait3A_124 = arith.constant 0 : i32
        %dma_wait3A_125 = tpu.memref_slice %arg9[%dma_wait3A_123, %dma_wait3A_124] : memref<10000x128xf32, #tpu.memory_space<vmem_shared>> -> memref<16x128xf32, #tpu.memory_space<vmem_shared>>
        %dma_wait3A_126 = arith.constant 0 : i32
        %dma_wait3A_127 = arith.constant 0 : i32
        %dma_wait3A_128 = tpu.memref_slice %arg7[%dma_wait3A_126, %dma_wait3A_127] : memref<125x128xf32, #tpu.memory_space<vmem>> -> memref<16x128xf32, #tpu.memory_space<vmem>>
        tpu.wait_dma2 semaphore(%run_scoped3A_105 : memref<!tpu.dma_semaphore, #tpu.memory_space<semaphore_mem>>) src(%dma_wait3A_128 : memref<16x128xf32, #tpu.memory_space<vmem>>) dst(%dma_wait3A_125 : memref<16x128xf32, #tpu.memory_space<vmem_shared>>)
        tpu.yield
      }) : () -> ()
    } else {
    }
    %barrier3A = arith.constant 0 : index
    tpu.barrier barrier_id(%barrier3A)
    %scan3A_70 = arith.constant 0 : i32
    %scan3A_71 = arith.constant 0 : i32
    %scan3A_72 = arith.constant 20 : i32
    %scan3A_73 = arith.addi %scan3A_71, %scan3A_72 : i32
    %scan3A_74 = arith.constant 1 : i32
    %scan3A_75 = scf.for %scan3A_105 = %scan3A_71 to %scan3A_73 step %scan3A_74 iter_args(%scan3A_106 = %scan3A_70) -> (i32)  : i32 {
      %mul3A_107 = arith.constant 2 : i32
      %mul3A_108 = arith.muli %scan3A_105, %mul3A_107 : i32
      %add3A_109 = arith.constant 1 : i32
      %add3A_110 = arith.addi %mul3A_108, %add3A_109 : i32
      %dma_start3A_111 = arith.constant 0 : i32
      %dma_start3A_112 = tpu.memref_slice %arg5[%add3A_110, %dma_start3A_111] : memref<40x125xi32, #tpu.memory_space<vmem>> -> memref<1x125xi32, #tpu.memory_space<vmem>>
      %dma_start3A_113 = tpu.memref_squeeze %dma_start3A_112 : memref<1x125xi32, #tpu.memory_space<vmem>> -> memref<125xi32, #tpu.memory_space<vmem>>
      %dma_start3A_114 = arith.constant 0 : i32
      %dma_start3A_115 = arith.constant 0 : i32
      %dma_start3A_116 = tpu.memref_slice %arg2[%dma_start3A_114, %dma_start3A_115] : memref<10000x128xf32, #tpu.memory_space<hbm>> -> memref<10000x128xf32, #tpu.memory_space<hbm>>
      tpu.enqueue_indirect_dma source(%dma_start3A_116 : memref<10000x128xf32, #tpu.memory_space<hbm>>) target(%arg7 : memref<125x128xf32, #tpu.memory_space<vmem>>) offsets(%dma_start3A_113 : memref<125xi32, #tpu.memory_space<vmem>>) semaphore(%arg10 : memref<!tpu.dma_semaphore, #tpu.memory_space<semaphore_mem>>)
      %dma_wait3A = arith.constant 0 : i32
      %dma_wait3A_117 = tpu.memref_slice %arg5[%mul3A_108, %dma_wait3A] : memref<40x125xi32, #tpu.memory_space<vmem>> -> memref<1x125xi32, #tpu.memory_space<vmem>>
      %dma_wait3A_118 = tpu.memref_squeeze %dma_wait3A_117 : memref<1x125xi32, #tpu.memory_space<vmem>> -> memref<125xi32, #tpu.memory_space<vmem>>
      %dma_wait3A_119 = arith.constant 0 : i32
      %dma_wait3A_120 = arith.constant 0 : i32
      %dma_wait3A_121 = tpu.memref_slice %arg2[%dma_wait3A_119, %dma_wait3A_120] : memref<10000x128xf32, #tpu.memory_space<hbm>> -> memref<10000x128xf32, #tpu.memory_space<hbm>>
      tpu.wait_indirect_dma semaphore(%arg11 : memref<!tpu.dma_semaphore, #tpu.memory_space<semaphore_mem>>) src(%dma_wait3A_121 : memref<10000x128xf32, #tpu.memory_space<hbm>>) dst(%arg8 : memref<125x128xf32, #tpu.memory_space<vmem>>)
      "tpu.region"() ({
        %run_scoped3A_137 = tpu.sem_alloc : memref<!tpu.dma_semaphore, #tpu.memory_space<semaphore_mem>>
        %dma_start3A_138 = arith.constant 0 : i32
        %dma_start3A_139 = tpu.memref_slice %arg6[%mul3A_108, %dma_start3A_138] : memref<40x125xi32, #tpu.memory_space<vmem>> -> memref<1x125xi32, #tpu.memory_space<vmem>>
        %dma_start3A_140 = tpu.memref_squeeze %dma_start3A_139 : memref<1x125xi32, #tpu.memory_space<vmem>> -> memref<125xi32, #tpu.memory_space<vmem>>
        %dma_start3A_141 = arith.constant 0 : i32
        %dma_start3A_142 = arith.constant 0 : i32
        %dma_start3A_143 = tpu.memref_slice %arg9[%dma_start3A_141, %dma_start3A_142] : memref<10000x128xf32, #tpu.memory_space<vmem_shared>> -> memref<10000x128xf32, #tpu.memory_space<vmem_shared>>
        tpu.enqueue_indirect_dma source(%arg8 : memref<125x128xf32, #tpu.memory_space<vmem>>) target(%dma_start3A_143 : memref<10000x128xf32, #tpu.memory_space<vmem_shared>>) offsets(%dma_start3A_140 : memref<125xi32, #tpu.memory_space<vmem>>) semaphore(%run_scoped3A_137 : memref<!tpu.dma_semaphore, #tpu.memory_space<semaphore_mem>>) {add = true}
        %dma_wait3A_144 = arith.constant 0 : i32
        %dma_wait3A_145 = tpu.memref_slice %arg6[%mul3A_108, %dma_wait3A_144] : memref<40x125xi32, #tpu.memory_space<vmem>> -> memref<1x125xi32, #tpu.memory_space<vmem>>
        %dma_wait3A_146 = tpu.memref_squeeze %dma_wait3A_145 : memref<1x125xi32, #tpu.memory_space<vmem>> -> memref<125xi32, #tpu.memory_space<vmem>>
        %dma_wait3A_147 = arith.constant 0 : i32
        %dma_wait3A_148 = arith.constant 0 : i32
        %dma_wait3A_149 = tpu.memref_slice %arg9[%dma_wait3A_147, %dma_wait3A_148] : memref<10000x128xf32, #tpu.memory_space<vmem_shared>> -> memref<10000x128xf32, #tpu.memory_space<vmem_shared>>
        tpu.wait_indirect_dma semaphore(%run_scoped3A_137 : memref<!tpu.dma_semaphore, #tpu.memory_space<semaphore_mem>>) src(%arg8 : memref<125x128xf32, #tpu.memory_space<vmem>>) dst(%dma_wait3A_149 : memref<10000x128xf32, #tpu.memory_space<vmem_shared>>)
        tpu.yield
      }) : () -> ()
      %lt3A = arith.constant 19 : i32
      %lt3A_122 = arith.cmpi slt, %scan3A_105, %lt3A : i32
      %convert_element_type3A_123 = arith.extui %lt3A_122 : i1 to i32
      %cond3A_124 = arith.constant 0 : i32
      %cond3A_125 = arith.cmpi ne, %convert_element_type3A_123, %cond3A_124 : i32
      scf.if %cond3A_125 {
        %add3A_137 = arith.constant 2 : i32
        %add3A_138 = arith.addi %mul3A_108, %add3A_137 : i32
        %dma_start3A_139 = arith.constant 0 : i32
        %dma_start3A_140 = tpu.memref_slice %arg5[%add3A_138, %dma_start3A_139] : memref<40x125xi32, #tpu.memory_space<vmem>> -> memref<1x125xi32, #tpu.memory_space<vmem>>
        %dma_start3A_141 = tpu.memref_squeeze %dma_start3A_140 : memref<1x125xi32, #tpu.memory_space<vmem>> -> memref<125xi32, #tpu.memory_space<vmem>>
        %dma_start3A_142 = arith.constant 0 : i32
        %dma_start3A_143 = arith.constant 0 : i32
        %dma_start3A_144 = tpu.memref_slice %arg2[%dma_start3A_142, %dma_start3A_143] : memref<10000x128xf32, #tpu.memory_space<hbm>> -> memref<10000x128xf32, #tpu.memory_space<hbm>>
        tpu.enqueue_indirect_dma source(%dma_start3A_144 : memref<10000x128xf32, #tpu.memory_space<hbm>>) target(%arg8 : memref<125x128xf32, #tpu.memory_space<vmem>>) offsets(%dma_start3A_141 : memref<125xi32, #tpu.memory_space<vmem>>) semaphore(%arg11 : memref<!tpu.dma_semaphore, #tpu.memory_space<semaphore_mem>>)
      } else {
      }
      %add3A_126 = arith.constant 1 : i32
      %add3A_127 = arith.addi %mul3A_108, %add3A_126 : i32
      %dma_wait3A_128 = arith.constant 0 : i32
      %dma_wait3A_129 = tpu.memref_slice %arg5[%add3A_127, %dma_wait3A_128] : memref<40x125xi32, #tpu.memory_space<vmem>> -> memref<1x125xi32, #tpu.memory_space<vmem>>
      %dma_wait3A_130 = tpu.memref_squeeze %dma_wait3A_129 : memref<1x125xi32, #tpu.memory_space<vmem>> -> memref<125xi32, #tpu.memory_space<vmem>>
      %dma_wait3A_131 = arith.constant 0 : i32
      %dma_wait3A_132 = arith.constant 0 : i32
      %dma_wait3A_133 = tpu.memref_slice %arg2[%dma_wait3A_131, %dma_wait3A_132] : memref<10000x128xf32, #tpu.memory_space<hbm>> -> memref<10000x128xf32, #tpu.memory_space<hbm>>
      tpu.wait_indirect_dma semaphore(%arg10 : memref<!tpu.dma_semaphore, #tpu.memory_space<semaphore_mem>>) src(%dma_wait3A_133 : memref<10000x128xf32, #tpu.memory_space<hbm>>) dst(%arg7 : memref<125x128xf32, #tpu.memory_space<vmem>>)
      %add3A_134 = arith.constant 1 : i32
      %add3A_135 = arith.addi %mul3A_108, %add3A_134 : i32
      "tpu.region"() ({
        %run_scoped3A_137 = tpu.sem_alloc : memref<!tpu.dma_semaphore, #tpu.memory_space<semaphore_mem>>
        %dma_start3A_138 = arith.constant 0 : i32
        %dma_start3A_139 = tpu.memref_slice %arg6[%add3A_135, %dma_start3A_138] : memref<40x125xi32, #tpu.memory_space<vmem>> -> memref<1x125xi32, #tpu.memory_space<vmem>>
        %dma_start3A_140 = tpu.memref_squeeze %dma_start3A_139 : memref<1x125xi32, #tpu.memory_space<vmem>> -> memref<125xi32, #tpu.memory_space<vmem>>
        %dma_start3A_141 = arith.constant 0 : i32
        %dma_start3A_142 = arith.constant 0 : i32
        %dma_start3A_143 = tpu.memref_slice %arg9[%dma_start3A_141, %dma_start3A_142] : memref<10000x128xf32, #tpu.memory_space<vmem_shared>> -> memref<10000x128xf32, #tpu.memory_space<vmem_shared>>
        tpu.enqueue_indirect_dma source(%arg7 : memref<125x128xf32, #tpu.memory_space<vmem>>) target(%dma_start3A_143 : memref<10000x128xf32, #tpu.memory_space<vmem_shared>>) offsets(%dma_start3A_140 : memref<125xi32, #tpu.memory_space<vmem>>) semaphore(%run_scoped3A_137 : memref<!tpu.dma_semaphore, #tpu.memory_space<semaphore_mem>>) {add = true}
        %dma_wait3A_144 = arith.constant 0 : i32
        %dma_wait3A_145 = tpu.memref_slice %arg6[%add3A_135, %dma_wait3A_144] : memref<40x125xi32, #tpu.memory_space<vmem>> -> memref<1x125xi32, #tpu.memory_space<vmem>>
        %dma_wait3A_146 = tpu.memref_squeeze %dma_wait3A_145 : memref<1x125xi32, #tpu.memory_space<vmem>> -> memref<125xi32, #tpu.memory_space<vmem>>
        %dma_wait3A_147 = arith.constant 0 : i32
        %dma_wait3A_148 = arith.constant 0 : i32
        %dma_wait3A_149 = tpu.memref_slice %arg9[%dma_wait3A_147, %dma_wait3A_148] : memref<10000x128xf32, #tpu.memory_space<vmem_shared>> -> memref<10000x128xf32, #tpu.memory_space<vmem_shared>>
        tpu.wait_indirect_dma semaphore(%run_scoped3A_137 : memref<!tpu.dma_semaphore, #tpu.memory_space<semaphore_mem>>) src(%arg7 : memref<125x128xf32, #tpu.memory_space<vmem>>) dst(%dma_wait3A_149 : memref<10000x128xf32, #tpu.memory_space<vmem_shared>>)
        tpu.yield
      }) : () -> ()
      %scan3A_136 = arith.constant 0 : i32
      scf.yield %scan3A_136 : i32
    }
    %scan3A_76 = arith.constant 20 : i32
    %run_scoped3A_77 = arith.constant 0 : i32
    %run_scoped3A_78 = arith.constant 1 : i32
    "tpu.region"() ({
      %run_scoped3A_105 = tpu.sem_alloc : memref<!tpu.dma_semaphore, #tpu.memory_space<semaphore_mem>>
      %dma_start3A_106 = arith.constant 0 : i32
      %dma_start3A_107 = arith.constant 0 : i32
      %dma_start3A_108 = tpu.memref_slice %arg3[%run_scoped3A_77, %add3A, %run_scoped3A_78, %dma_start3A_106, %dma_start3A_107] : memref<2x32x2x40x125xi32, #tpu.memory_space<hbm>> -> memref<1x1x1x40x125xi32, #tpu.memory_space<hbm>>
      %dma_start3A_109 = tpu.memref_squeeze %dma_start3A_108 : memref<1x1x1x40x125xi32, #tpu.memory_space<hbm>> -> memref<40x125xi32, #tpu.memory_space<hbm>>
      %dma_start3A_110 = arith.constant 0 : i32
      %dma_start3A_111 = arith.constant 0 : i32
      %dma_start3A_112 = tpu.memref_slice %arg3[%run_scoped3A_77, %add3A, %run_scoped3A_78, %dma_start3A_110, %dma_start3A_111] : memref<2x32x2x40x125xi32, #tpu.memory_space<hbm>> -> memref<1x1x1x40x125xi32, #tpu.memory_space<hbm>>
      %dma_start3A_113 = tpu.memref_squeeze %dma_start3A_112 : memref<1x1x1x40x125xi32, #tpu.memory_space<hbm>> -> memref<40x125xi32, #tpu.memory_space<hbm>>
      tpu.enqueue_dma source(%dma_start3A_113 : memref<40x125xi32, #tpu.memory_space<hbm>>) target(%arg5 : memref<40x125xi32, #tpu.memory_space<vmem>>) target_semaphore(%run_scoped3A_105 : memref<!tpu.dma_semaphore, #tpu.memory_space<semaphore_mem>>)
      %dma_wait3A = arith.constant 0 : i32
      %dma_wait3A_114 = arith.constant 0 : i32
      %dma_wait3A_115 = tpu.memref_slice %arg3[%run_scoped3A_77, %add3A, %run_scoped3A_78, %dma_wait3A, %dma_wait3A_114] : memref<2x32x2x40x125xi32, #tpu.memory_space<hbm>> -> memref<1x1x1x40x125xi32, #tpu.memory_space<hbm>>
      %dma_wait3A_116 = tpu.memref_squeeze %dma_wait3A_115 : memref<1x1x1x40x125xi32, #tpu.memory_space<hbm>> -> memref<40x125xi32, #tpu.memory_space<hbm>>
      %dma_wait3A_117 = arith.constant 0 : i32
      %dma_wait3A_118 = arith.constant 0 : i32
      %dma_wait3A_119 = tpu.memref_slice %arg3[%run_scoped3A_77, %add3A, %run_scoped3A_78, %dma_wait3A_117, %dma_wait3A_118] : memref<2x32x2x40x125xi32, #tpu.memory_space<hbm>> -> memref<1x1x1x40x125xi32, #tpu.memory_space<hbm>>
      %dma_wait3A_120 = tpu.memref_squeeze %dma_wait3A_119 : memref<1x1x1x40x125xi32, #tpu.memory_space<hbm>> -> memref<40x125xi32, #tpu.memory_space<hbm>>
      tpu.wait_dma2 semaphore(%run_scoped3A_105 : memref<!tpu.dma_semaphore, #tpu.memory_space<semaphore_mem>>) src(%dma_wait3A_120 : memref<40x125xi32, #tpu.memory_space<hbm>>) dst(%arg5 : memref<40x125xi32, #tpu.memory_space<vmem>>)
      tpu.yield
    }) : () -> ()
    %run_scoped3A_79 = arith.constant 1 : i32
    %run_scoped3A_80 = arith.constant 1 : i32
    "tpu.region"() ({
      %run_scoped3A_105 = tpu.sem_alloc : memref<!tpu.dma_semaphore, #tpu.memory_space<semaphore_mem>>
      %dma_start3A_106 = arith.constant 0 : i32
      %dma_start3A_107 = arith.constant 0 : i32
      %dma_start3A_108 = tpu.memref_slice %arg3[%run_scoped3A_79, %add3A, %run_scoped3A_80, %dma_start3A_106, %dma_start3A_107] : memref<2x32x2x40x125xi32, #tpu.memory_space<hbm>> -> memref<1x1x1x40x125xi32, #tpu.memory_space<hbm>>
      %dma_start3A_109 = tpu.memref_squeeze %dma_start3A_108 : memref<1x1x1x40x125xi32, #tpu.memory_space<hbm>> -> memref<40x125xi32, #tpu.memory_space<hbm>>
      %dma_start3A_110 = arith.constant 0 : i32
      %dma_start3A_111 = arith.constant 0 : i32
      %dma_start3A_112 = tpu.memref_slice %arg3[%run_scoped3A_79, %add3A, %run_scoped3A_80, %dma_start3A_110, %dma_start3A_111] : memref<2x32x2x40x125xi32, #tpu.memory_space<hbm>> -> memref<1x1x1x40x125xi32, #tpu.memory_space<hbm>>
      %dma_start3A_113 = tpu.memref_squeeze %dma_start3A_112 : memref<1x1x1x40x125xi32, #tpu.memory_space<hbm>> -> memref<40x125xi32, #tpu.memory_space<hbm>>
      tpu.enqueue_dma source(%dma_start3A_113 : memref<40x125xi32, #tpu.memory_space<hbm>>) target(%arg6 : memref<40x125xi32, #tpu.memory_space<vmem>>) target_semaphore(%run_scoped3A_105 : memref<!tpu.dma_semaphore, #tpu.memory_space<semaphore_mem>>)
      %dma_wait3A = arith.constant 0 : i32
      %dma_wait3A_114 = arith.constant 0 : i32
      %dma_wait3A_115 = tpu.memref_slice %arg3[%run_scoped3A_79, %add3A, %run_scoped3A_80, %dma_wait3A, %dma_wait3A_114] : memref<2x32x2x40x125xi32, #tpu.memory_space<hbm>> -> memref<1x1x1x40x125xi32, #tpu.memory_space<hbm>>
      %dma_wait3A_116 = tpu.memref_squeeze %dma_wait3A_115 : memref<1x1x1x40x125xi32, #tpu.memory_space<hbm>> -> memref<40x125xi32, #tpu.memory_space<hbm>>
      %dma_wait3A_117 = arith.constant 0 : i32
      %dma_wait3A_118 = arith.constant 0 : i32
      %dma_wait3A_119 = tpu.memref_slice %arg3[%run_scoped3A_79, %add3A, %run_scoped3A_80, %dma_wait3A_117, %dma_wait3A_118] : memref<2x32x2x40x125xi32, #tpu.memory_space<hbm>> -> memref<1x1x1x40x125xi32, #tpu.memory_space<hbm>>
      %dma_wait3A_120 = tpu.memref_squeeze %dma_wait3A_119 : memref<1x1x1x40x125xi32, #tpu.memory_space<hbm>> -> memref<40x125xi32, #tpu.memory_space<hbm>>
      tpu.wait_dma2 semaphore(%run_scoped3A_105 : memref<!tpu.dma_semaphore, #tpu.memory_space<semaphore_mem>>) src(%dma_wait3A_120 : memref<40x125xi32, #tpu.memory_space<hbm>>) dst(%arg6 : memref<40x125xi32, #tpu.memory_space<vmem>>)
      tpu.yield
    }) : () -> ()
    %dma_start3A_81 = arith.constant 0 : i32
    %dma_start3A_82 = arith.constant 0 : i32
    %dma_start3A_83 = tpu.memref_slice %arg5[%dma_start3A_81, %dma_start3A_82] : memref<40x125xi32, #tpu.memory_space<vmem>> -> memref<1x125xi32, #tpu.memory_space<vmem>>
    %dma_start3A_84 = tpu.memref_squeeze %dma_start3A_83 : memref<1x125xi32, #tpu.memory_space<vmem>> -> memref<125xi32, #tpu.memory_space<vmem>>
    %dma_start3A_85 = arith.constant 0 : i32
    %dma_start3A_86 = arith.constant 0 : i32
    %dma_start3A_87 = tpu.memref_slice %arg2[%dma_start3A_85, %dma_start3A_86] : memref<10000x128xf32, #tpu.memory_space<hbm>> -> memref<10000x128xf32, #tpu.memory_space<hbm>>
    tpu.enqueue_indirect_dma source(%dma_start3A_87 : memref<10000x128xf32, #tpu.memory_space<hbm>>) target(%arg8 : memref<125x128xf32, #tpu.memory_space<vmem>>) offsets(%dma_start3A_84 : memref<125xi32, #tpu.memory_space<vmem>>) semaphore(%arg11 : memref<!tpu.dma_semaphore, #tpu.memory_space<semaphore_mem>>)
    %scan3A_88 = arith.constant 0 : i32
    %scan3A_89 = arith.constant 0 : i32
    %scan3A_90 = arith.constant 20 : i32
    %scan3A_91 = arith.addi %scan3A_89, %scan3A_90 : i32
    %scan3A_92 = arith.constant 1 : i32
    %scan3A_93 = scf.for %scan3A_105 = %scan3A_89 to %scan3A_91 step %scan3A_92 iter_args(%scan3A_106 = %scan3A_88) -> (i32)  : i32 {
      %mul3A_107 = arith.constant 2 : i32
      %mul3A_108 = arith.muli %scan3A_105, %mul3A_107 : i32
      %add3A_109 = arith.constant 1 : i32
      %add3A_110 = arith.addi %mul3A_108, %add3A_109 : i32
      %dma_start3A_111 = arith.constant 0 : i32
      %dma_start3A_112 = tpu.memref_slice %arg5[%add3A_110, %dma_start3A_111] : memref<40x125xi32, #tpu.memory_space<vmem>> -> memref<1x125xi32, #tpu.memory_space<vmem>>
      %dma_start3A_113 = tpu.memref_squeeze %dma_start3A_112 : memref<1x125xi32, #tpu.memory_space<vmem>> -> memref<125xi32, #tpu.memory_space<vmem>>
      %dma_start3A_114 = arith.constant 0 : i32
      %dma_start3A_115 = arith.constant 0 : i32
      %dma_start3A_116 = tpu.memref_slice %arg2[%dma_start3A_114, %dma_start3A_115] : memref<10000x128xf32, #tpu.memory_space<hbm>> -> memref<10000x128xf32, #tpu.memory_space<hbm>>
      tpu.enqueue_indirect_dma source(%dma_start3A_116 : memref<10000x128xf32, #tpu.memory_space<hbm>>) target(%arg7 : memref<125x128xf32, #tpu.memory_space<vmem>>) offsets(%dma_start3A_113 : memref<125xi32, #tpu.memory_space<vmem>>) semaphore(%arg10 : memref<!tpu.dma_semaphore, #tpu.memory_space<semaphore_mem>>)
      %dma_wait3A = arith.constant 0 : i32
      %dma_wait3A_117 = tpu.memref_slice %arg5[%mul3A_108, %dma_wait3A] : memref<40x125xi32, #tpu.memory_space<vmem>> -> memref<1x125xi32, #tpu.memory_space<vmem>>
      %dma_wait3A_118 = tpu.memref_squeeze %dma_wait3A_117 : memref<1x125xi32, #tpu.memory_space<vmem>> -> memref<125xi32, #tpu.memory_space<vmem>>
      %dma_wait3A_119 = arith.constant 0 : i32
      %dma_wait3A_120 = arith.constant 0 : i32
      %dma_wait3A_121 = tpu.memref_slice %arg2[%dma_wait3A_119, %dma_wait3A_120] : memref<10000x128xf32, #tpu.memory_space<hbm>> -> memref<10000x128xf32, #tpu.memory_space<hbm>>
      tpu.wait_indirect_dma semaphore(%arg11 : memref<!tpu.dma_semaphore, #tpu.memory_space<semaphore_mem>>) src(%dma_wait3A_121 : memref<10000x128xf32, #tpu.memory_space<hbm>>) dst(%arg8 : memref<125x128xf32, #tpu.memory_space<vmem>>)
      "tpu.region"() ({
        %run_scoped3A_137 = tpu.sem_alloc : memref<!tpu.dma_semaphore, #tpu.memory_space<semaphore_mem>>
        %dma_start3A_138 = arith.constant 0 : i32
        %dma_start3A_139 = tpu.memref_slice %arg6[%mul3A_108, %dma_start3A_138] : memref<40x125xi32, #tpu.memory_space<vmem>> -> memref<1x125xi32, #tpu.memory_space<vmem>>
        %dma_start3A_140 = tpu.memref_squeeze %dma_start3A_139 : memref<1x125xi32, #tpu.memory_space<vmem>> -> memref<125xi32, #tpu.memory_space<vmem>>
        %dma_start3A_141 = arith.constant 0 : i32
        %dma_start3A_142 = arith.constant 0 : i32
        %dma_start3A_143 = tpu.memref_slice %arg9[%dma_start3A_141, %dma_start3A_142] : memref<10000x128xf32, #tpu.memory_space<vmem_shared>> -> memref<10000x128xf32, #tpu.memory_space<vmem_shared>>
        tpu.enqueue_indirect_dma source(%arg8 : memref<125x128xf32, #tpu.memory_space<vmem>>) target(%dma_start3A_143 : memref<10000x128xf32, #tpu.memory_space<vmem_shared>>) offsets(%dma_start3A_140 : memref<125xi32, #tpu.memory_space<vmem>>) semaphore(%run_scoped3A_137 : memref<!tpu.dma_semaphore, #tpu.memory_space<semaphore_mem>>) {add = true}
        %dma_wait3A_144 = arith.constant 0 : i32
        %dma_wait3A_145 = tpu.memref_slice %arg6[%mul3A_108, %dma_wait3A_144] : memref<40x125xi32, #tpu.memory_space<vmem>> -> memref<1x125xi32, #tpu.memory_space<vmem>>
        %dma_wait3A_146 = tpu.memref_squeeze %dma_wait3A_145 : memref<1x125xi32, #tpu.memory_space<vmem>> -> memref<125xi32, #tpu.memory_space<vmem>>
        %dma_wait3A_147 = arith.constant 0 : i32
        %dma_wait3A_148 = arith.constant 0 : i32
        %dma_wait3A_149 = tpu.memref_slice %arg9[%dma_wait3A_147, %dma_wait3A_148] : memref<10000x128xf32, #tpu.memory_space<vmem_shared>> -> memref<10000x128xf32, #tpu.memory_space<vmem_shared>>
        tpu.wait_indirect_dma semaphore(%run_scoped3A_137 : memref<!tpu.dma_semaphore, #tpu.memory_space<semaphore_mem>>) src(%arg8 : memref<125x128xf32, #tpu.memory_space<vmem>>) dst(%dma_wait3A_149 : memref<10000x128xf32, #tpu.memory_space<vmem_shared>>)
        tpu.yield
      }) : () -> ()
      %lt3A = arith.constant 19 : i32
      %lt3A_122 = arith.cmpi slt, %scan3A_105, %lt3A : i32
      %convert_element_type3A_123 = arith.extui %lt3A_122 : i1 to i32
      %cond3A_124 = arith.constant 0 : i32
      %cond3A_125 = arith.cmpi ne, %convert_element_type3A_123, %cond3A_124 : i32
      scf.if %cond3A_125 {
        %add3A_137 = arith.constant 2 : i32
        %add3A_138 = arith.addi %mul3A_108, %add3A_137 : i32
        %dma_start3A_139 = arith.constant 0 : i32
        %dma_start3A_140 = tpu.memref_slice %arg5[%add3A_138, %dma_start3A_139] : memref<40x125xi32, #tpu.memory_space<vmem>> -> memref<1x125xi32, #tpu.memory_space<vmem>>
        %dma_start3A_141 = tpu.memref_squeeze %dma_start3A_140 : memref<1x125xi32, #tpu.memory_space<vmem>> -> memref<125xi32, #tpu.memory_space<vmem>>
        %dma_start3A_142 = arith.constant 0 : i32
        %dma_start3A_143 = arith.constant 0 : i32
        %dma_start3A_144 = tpu.memref_slice %arg2[%dma_start3A_142, %dma_start3A_143] : memref<10000x128xf32, #tpu.memory_space<hbm>> -> memref<10000x128xf32, #tpu.memory_space<hbm>>
        tpu.enqueue_indirect_dma source(%dma_start3A_144 : memref<10000x128xf32, #tpu.memory_space<hbm>>) target(%arg8 : memref<125x128xf32, #tpu.memory_space<vmem>>) offsets(%dma_start3A_141 : memref<125xi32, #tpu.memory_space<vmem>>) semaphore(%arg11 : memref<!tpu.dma_semaphore, #tpu.memory_space<semaphore_mem>>)
      } else {
      }
      %add3A_126 = arith.constant 1 : i32
      %add3A_127 = arith.addi %mul3A_108, %add3A_126 : i32
      %dma_wait3A_128 = arith.constant 0 : i32
      %dma_wait3A_129 = tpu.memref_slice %arg5[%add3A_127, %dma_wait3A_128] : memref<40x125xi32, #tpu.memory_space<vmem>> -> memref<1x125xi32, #tpu.memory_space<vmem>>
      %dma_wait3A_130 = tpu.memref_squeeze %dma_wait3A_129 : memref<1x125xi32, #tpu.memory_space<vmem>> -> memref<125xi32, #tpu.memory_space<vmem>>
      %dma_wait3A_131 = arith.constant 0 : i32
      %dma_wait3A_132 = arith.constant 0 : i32
      %dma_wait3A_133 = tpu.memref_slice %arg2[%dma_wait3A_131, %dma_wait3A_132] : memref<10000x128xf32, #tpu.memory_space<hbm>> -> memref<10000x128xf32, #tpu.memory_space<hbm>>
      tpu.wait_indirect_dma semaphore(%arg10 : memref<!tpu.dma_semaphore, #tpu.memory_space<semaphore_mem>>) src(%dma_wait3A_133 : memref<10000x128xf32, #tpu.memory_space<hbm>>) dst(%arg7 : memref<125x128xf32, #tpu.memory_space<vmem>>)
      %add3A_134 = arith.constant 1 : i32
      %add3A_135 = arith.addi %mul3A_108, %add3A_134 : i32
      "tpu.region"() ({
        %run_scoped3A_137 = tpu.sem_alloc : memref<!tpu.dma_semaphore, #tpu.memory_space<semaphore_mem>>
        %dma_start3A_138 = arith.constant 0 : i32
        %dma_start3A_139 = tpu.memref_slice %arg6[%add3A_135, %dma_start3A_138] : memref<40x125xi32, #tpu.memory_space<vmem>> -> memref<1x125xi32, #tpu.memory_space<vmem>>
        %dma_start3A_140 = tpu.memref_squeeze %dma_start3A_139 : memref<1x125xi32, #tpu.memory_space<vmem>> -> memref<125xi32, #tpu.memory_space<vmem>>
        %dma_start3A_141 = arith.constant 0 : i32
        %dma_start3A_142 = arith.constant 0 : i32
        %dma_start3A_143 = tpu.memref_slice %arg9[%dma_start3A_141, %dma_start3A_142] : memref<10000x128xf32, #tpu.memory_space<vmem_shared>> -> memref<10000x128xf32, #tpu.memory_space<vmem_shared>>
        tpu.enqueue_indirect_dma source(%arg7 : memref<125x128xf32, #tpu.memory_space<vmem>>) target(%dma_start3A_143 : memref<10000x128xf32, #tpu.memory_space<vmem_shared>>) offsets(%dma_start3A_140 : memref<125xi32, #tpu.memory_space<vmem>>) semaphore(%run_scoped3A_137 : memref<!tpu.dma_semaphore, #tpu.memory_space<semaphore_mem>>) {add = true}
        %dma_wait3A_144 = arith.constant 0 : i32
        %dma_wait3A_145 = tpu.memref_slice %arg6[%add3A_135, %dma_wait3A_144] : memref<40x125xi32, #tpu.memory_space<vmem>> -> memref<1x125xi32, #tpu.memory_space<vmem>>
        %dma_wait3A_146 = tpu.memref_squeeze %dma_wait3A_145 : memref<1x125xi32, #tpu.memory_space<vmem>> -> memref<125xi32, #tpu.memory_space<vmem>>
        %dma_wait3A_147 = arith.constant 0 : i32
        %dma_wait3A_148 = arith.constant 0 : i32
        %dma_wait3A_149 = tpu.memref_slice %arg9[%dma_wait3A_147, %dma_wait3A_148] : memref<10000x128xf32, #tpu.memory_space<vmem_shared>> -> memref<10000x128xf32, #tpu.memory_space<vmem_shared>>
        tpu.wait_indirect_dma semaphore(%run_scoped3A_137 : memref<!tpu.dma_semaphore, #tpu.memory_space<semaphore_mem>>) src(%arg7 : memref<125x128xf32, #tpu.memory_space<vmem>>) dst(%dma_wait3A_149 : memref<10000x128xf32, #tpu.memory_space<vmem_shared>>)
        tpu.yield
      }) : () -> ()
      %scan3A_136 = arith.constant 0 : i32
      scf.yield %scan3A_136 : i32
    }
    %scan3A_94 = arith.constant 20 : i32
    %barrier3A_95 = arith.constant 0 : index
    tpu.barrier barrier_id(%barrier3A_95)
    %mul3A_96 = arith.constant 624 : i32
    %mul3A_97 = arith.muli %arg1, %mul3A_96 : i32
    %mul3A_98 = arith.constant 624 : i32
    %mul3A_99 = arith.muli %arg1, %mul3A_98 : i32
    "tpu.region"() ({
      %run_scoped3A_105 = tpu.sem_alloc : memref<!tpu.dma_semaphore, #tpu.memory_space<semaphore_mem>>
      %dma_start3A_106 = arith.constant 0 : i32
      %dma_start3A_107 = tpu.memref_slice %arg4[%arg0, %mul3A_99, %dma_start3A_106] : memref<2x10000x128xf32, #tpu.memory_space<hbm>> -> memref<1x624x128xf32, #tpu.memory_space<hbm>>
      %dma_start3A_108 = tpu.memref_squeeze %dma_start3A_107 : memref<1x624x128xf32, #tpu.memory_space<hbm>> -> memref<624x128xf32, #tpu.memory_space<hbm>>
      %dma_start3A_109 = arith.constant 0 : i32
      %dma_start3A_110 = tpu.memref_slice %arg9[%mul3A_97, %dma_start3A_109] : memref<10000x128xf32, #tpu.memory_space<vmem_shared>> -> memref<624x128xf32, #tpu.memory_space<vmem_shared>>
      tpu.enqueue_dma source(%dma_start3A_110 : memref<624x128xf32, #tpu.memory_space<vmem_shared>>) target(%dma_start3A_108 : memref<624x128xf32, #tpu.memory_space<hbm>>) target_semaphore(%run_scoped3A_105 : memref<!tpu.dma_semaphore, #tpu.memory_space<semaphore_mem>>)
      %dma_wait3A = arith.constant 0 : i32
      %dma_wait3A_111 = tpu.memref_slice %arg4[%arg0, %mul3A_99, %dma_wait3A] : memref<2x10000x128xf32, #tpu.memory_space<hbm>> -> memref<1x624x128xf32, #tpu.memory_space<hbm>>
      %dma_wait3A_112 = tpu.memref_squeeze %dma_wait3A_111 : memref<1x624x128xf32, #tpu.memory_space<hbm>> -> memref<624x128xf32, #tpu.memory_space<hbm>>
      %dma_wait3A_113 = arith.constant 0 : i32
      %dma_wait3A_114 = tpu.memref_slice %arg9[%mul3A_97, %dma_wait3A_113] : memref<10000x128xf32, #tpu.memory_space<vmem_shared>> -> memref<624x128xf32, #tpu.memory_space<vmem_shared>>
      tpu.wait_dma2 semaphore(%run_scoped3A_105 : memref<!tpu.dma_semaphore, #tpu.memory_space<semaphore_mem>>) src(%dma_wait3A_114 : memref<624x128xf32, #tpu.memory_space<vmem_shared>>) dst(%dma_wait3A_112 : memref<624x128xf32, #tpu.memory_space<hbm>>)
      tpu.yield
    }) : () -> ()
    %eq3A_100 = arith.constant 15 : i32
    %eq3A_101 = arith.cmpi eq, %arg1, %eq3A_100 : i32
    %convert_element_type3A_102 = arith.extui %eq3A_101 : i1 to i32
    %cond3A_103 = arith.constant 0 : i32
    %cond3A_104 = arith.cmpi ne, %convert_element_type3A_102, %cond3A_103 : i32
    scf.if %cond3A_104 {
      "tpu.region"() ({
        %run_scoped3A_105 = tpu.sem_alloc : memref<!tpu.dma_semaphore, #tpu.memory_space<semaphore_mem>>
        %dma_start3A_106 = arith.constant 9984 : i32
        %dma_start3A_107 = arith.constant 0 : i32
        %dma_start3A_108 = tpu.memref_slice %arg4[%arg0, %dma_start3A_106, %dma_start3A_107] : memref<2x10000x128xf32, #tpu.memory_space<hbm>> -> memref<1x16x128xf32, #tpu.memory_space<hbm>>
        %dma_start3A_109 = tpu.memref_squeeze %dma_start3A_108 : memref<1x16x128xf32, #tpu.memory_space<hbm>> -> memref<16x128xf32, #tpu.memory_space<hbm>>
        %dma_start3A_110 = arith.constant 9984 : i32
        %dma_start3A_111 = arith.constant 0 : i32
        %dma_start3A_112 = tpu.memref_slice %arg9[%dma_start3A_110, %dma_start3A_111] : memref<10000x128xf32, #tpu.memory_space<vmem_shared>> -> memref<16x128xf32, #tpu.memory_space<vmem_shared>>
        tpu.enqueue_dma source(%dma_start3A_112 : memref<16x128xf32, #tpu.memory_space<vmem_shared>>) target(%dma_start3A_109 : memref<16x128xf32, #tpu.memory_space<hbm>>) target_semaphore(%run_scoped3A_105 : memref<!tpu.dma_semaphore, #tpu.memory_space<semaphore_mem>>)
        %dma_wait3A = arith.constant 9984 : i32
        %dma_wait3A_113 = arith.constant 0 : i32
        %dma_wait3A_114 = tpu.memref_slice %arg4[%arg0, %dma_wait3A, %dma_wait3A_113] : memref<2x10000x128xf32, #tpu.memory_space<hbm>> -> memref<1x16x128xf32, #tpu.memory_space<hbm>>
        %dma_wait3A_115 = tpu.memref_squeeze %dma_wait3A_114 : memref<1x16x128xf32, #tpu.memory_space<hbm>> -> memref<16x128xf32, #tpu.memory_space<hbm>>
        %dma_wait3A_116 = arith.constant 9984 : i32
        %dma_wait3A_117 = arith.constant 0 : i32
        %dma_wait3A_118 = tpu.memref_slice %arg9[%dma_wait3A_116, %dma_wait3A_117] : memref<10000x128xf32, #tpu.memory_space<vmem_shared>> -> memref<16x128xf32, #tpu.memory_space<vmem_shared>>
        tpu.wait_dma2 semaphore(%run_scoped3A_105 : memref<!tpu.dma_semaphore, #tpu.memory_space<semaphore_mem>>) src(%dma_wait3A_118 : memref<16x128xf32, #tpu.memory_space<vmem_shared>>) dst(%dma_wait3A_115 : memref<16x128xf32, #tpu.memory_space<hbm>>)
        tpu.yield
      }) : () -> ()
    } else {
    }
    return
  }
}

#map = affine_map<(d0, d1) -> (0, 0)>
#map1 = affine_map<(d0, d1) -> (0, 0, 0, 0, 0)>
#map2 = affine_map<(d0, d1) -> (0, 0, 0)>
module attributes {stable_mosaic.version = 14 : i64} {
  func.func @_sc_agg_body(%arg0: i32, %arg1: i32, %arg2: memref<10000x128xf32, #tpu.memory_space<hbm>>, %arg3: memref<2x32x2x40x125xi32, #tpu.memory_space<hbm>>, %arg4: memref<2x10000x128xf32, #tpu.memory_space<hbm>>, %arg5: memref<40x125xi32, #tpu.memory_space<vmem>>, %arg6: memref<40x125xi32, #tpu.memory_space<vmem>>, %arg7: memref<125x128xf32, #tpu.memory_space<vmem>>, %arg8: memref<125x128xf32, #tpu.memory_space<vmem>>, %arg9: memref<10000x128xf32, #tpu.memory_space<vmem_shared>>, %arg10: memref<!tpu.dma_semaphore, #tpu.memory_space<semaphore_mem>>, %arg11: memref<!tpu.dma_semaphore, #tpu.memory_space<semaphore_mem>>) attributes {dimension_semantics = [#tpu.dimension_semantics<core_parallel>, #tpu.dimension_semantics<subcore_parallel>], iteration_bounds = array<i64: 2, 16>, scalar_prefetch = 0 : i64, scratch_operands = 7 : i64, tpu.core_type = #tpu.core_type<sc_vector_subcore>, window_params = [{transform_indices = #map}, {transform_indices = #map1}, {transform_indices = #map2}]} {
    %mul3A = arith.constant 2 : i32
    %mul3A_0 = arith.muli %arg1, %mul3A : i32
    %add3A = arith.addi %mul3A_0, %arg0 : i32
    %run_scoped3A = arith.constant 0 : i32
    %run_scoped3A_1 = arith.constant 0 : i32
    "tpu.region"() ({
      %run_scoped3A_105 = tpu.sem_alloc : memref<!tpu.dma_semaphore, #tpu.memory_space<semaphore_mem>>
      %dma_start3A_106 = arith.constant 0 : i32
      %dma_start3A_107 = arith.constant 0 : i32
      %dma_start3A_108 = tpu.memref_slice %arg3[%run_scoped3A, %add3A, %run_scoped3A_1, %dma_start3A_106, %dma_start3A_107] : memref<2x32x2x40x125xi32, #tpu.memory_space<hbm>> -> memref<1x1x1x40x125xi32, #tpu.memory_space<hbm>>
      %dma_start3A_109 = tpu.memref_squeeze %dma_start3A_108 : memref<1x1x1x40x125xi32, #tpu.memory_space<hbm>> -> memref<40x125xi32, #tpu.memory_space<hbm>>
      %dma_start3A_110 = arith.constant 0 : i32
      %dma_start3A_111 = arith.constant 0 : i32
      %dma_start3A_112 = tpu.memref_slice %arg3[%run_scoped3A, %add3A, %run_scoped3A_1, %dma_start3A_110, %dma_start3A_111] : memref<2x32x2x40x125xi32, #tpu.memory_space<hbm>> -> memref<1x1x1x40x125xi32, #tpu.memory_space<hbm>>
      %dma_start3A_113 = tpu.memref_squeeze %dma_start3A_112 : memref<1x1x1x40x125xi32, #tpu.memory_space<hbm>> -> memref<40x125xi32, #tpu.memory_space<hbm>>
      tpu.enqueue_dma source(%dma_start3A_113 : memref<40x125xi32, #tpu.memory_space<hbm>>) target(%arg5 : memref<40x125xi32, #tpu.memory_space<vmem>>) target_semaphore(%run_scoped3A_105 : memref<!tpu.dma_semaphore, #tpu.memory_space<semaphore_mem>>)
      %dma_wait3A = arith.constant 0 : i32
      %dma_wait3A_114 = arith.constant 0 : i32
      %dma_wait3A_115 = tpu.memref_slice %arg3[%run_scoped3A, %add3A, %run_scoped3A_1, %dma_wait3A, %dma_wait3A_114] : memref<2x32x2x40x125xi32, #tpu.memory_space<hbm>> -> memref<1x1x1x40x125xi32, #tpu.memory_space<hbm>>
      %dma_wait3A_116 = tpu.memref_squeeze %dma_wait3A_115 : memref<1x1x1x40x125xi32, #tpu.memory_space<hbm>> -> memref<40x125xi32, #tpu.memory_space<hbm>>
      %dma_wait3A_117 = arith.constant 0 : i32
      %dma_wait3A_118 = arith.constant 0 : i32
      %dma_wait3A_119 = tpu.memref_slice %arg3[%run_scoped3A, %add3A, %run_scoped3A_1, %dma_wait3A_117, %dma_wait3A_118] : memref<2x32x2x40x125xi32, #tpu.memory_space<hbm>> -> memref<1x1x1x40x125xi32, #tpu.memory_space<hbm>>
      %dma_wait3A_120 = tpu.memref_squeeze %dma_wait3A_119 : memref<1x1x1x40x125xi32, #tpu.memory_space<hbm>> -> memref<40x125xi32, #tpu.memory_space<hbm>>
      tpu.wait_dma2 semaphore(%run_scoped3A_105 : memref<!tpu.dma_semaphore, #tpu.memory_space<semaphore_mem>>) src(%dma_wait3A_120 : memref<40x125xi32, #tpu.memory_space<hbm>>) dst(%arg5 : memref<40x125xi32, #tpu.memory_space<vmem>>)
      tpu.yield
    }) : () -> ()
    %run_scoped3A_2 = arith.constant 1 : i32
    %run_scoped3A_3 = arith.constant 0 : i32
    "tpu.region"() ({
      %run_scoped3A_105 = tpu.sem_alloc : memref<!tpu.dma_semaphore, #tpu.memory_space<semaphore_mem>>
      %dma_start3A_106 = arith.constant 0 : i32
      %dma_start3A_107 = arith.constant 0 : i32
      %dma_start3A_108 = tpu.memref_slice %arg3[%run_scoped3A_2, %add3A, %run_scoped3A_3, %dma_start3A_106, %dma_start3A_107] : memref<2x32x2x40x125xi32, #tpu.memory_space<hbm>> -> memref<1x1x1x40x125xi32, #tpu.memory_space<hbm>>
      %dma_start3A_109 = tpu.memref_squeeze %dma_start3A_108 : memref<1x1x1x40x125xi32, #tpu.memory_space<hbm>> -> memref<40x125xi32, #tpu.memory_space<hbm>>
      %dma_start3A_110 = arith.constant 0 : i32
      %dma_start3A_111 = arith.constant 0 : i32
      %dma_start3A_112 = tpu.memref_slice %arg3[%run_scoped3A_2, %add3A, %run_scoped3A_3, %dma_start3A_110, %dma_start3A_111] : memref<2x32x2x40x125xi32, #tpu.memory_space<hbm>> -> memref<1x1x1x40x125xi32, #tpu.memory_space<hbm>>
      %dma_start3A_113 = tpu.memref_squeeze %dma_start3A_112 : memref<1x1x1x40x125xi32, #tpu.memory_space<hbm>> -> memref<40x125xi32, #tpu.memory_space<hbm>>
      tpu.enqueue_dma source(%dma_start3A_113 : memref<40x125xi32, #tpu.memory_space<hbm>>) target(%arg6 : memref<40x125xi32, #tpu.memory_space<vmem>>) target_semaphore(%run_scoped3A_105 : memref<!tpu.dma_semaphore, #tpu.memory_space<semaphore_mem>>)
      %dma_wait3A = arith.constant 0 : i32
      %dma_wait3A_114 = arith.constant 0 : i32
      %dma_wait3A_115 = tpu.memref_slice %arg3[%run_scoped3A_2, %add3A, %run_scoped3A_3, %dma_wait3A, %dma_wait3A_114] : memref<2x32x2x40x125xi32, #tpu.memory_space<hbm>> -> memref<1x1x1x40x125xi32, #tpu.memory_space<hbm>>
      %dma_wait3A_116 = tpu.memref_squeeze %dma_wait3A_115 : memref<1x1x1x40x125xi32, #tpu.memory_space<hbm>> -> memref<40x125xi32, #tpu.memory_space<hbm>>
      %dma_wait3A_117 = arith.constant 0 : i32
      %dma_wait3A_118 = arith.constant 0 : i32
      %dma_wait3A_119 = tpu.memref_slice %arg3[%run_scoped3A_2, %add3A, %run_scoped3A_3, %dma_wait3A_117, %dma_wait3A_118] : memref<2x32x2x40x125xi32, #tpu.memory_space<hbm>> -> memref<1x1x1x40x125xi32, #tpu.memory_space<hbm>>
      %dma_wait3A_120 = tpu.memref_squeeze %dma_wait3A_119 : memref<1x1x1x40x125xi32, #tpu.memory_space<hbm>> -> memref<40x125xi32, #tpu.memory_space<hbm>>
      tpu.wait_dma2 semaphore(%run_scoped3A_105 : memref<!tpu.dma_semaphore, #tpu.memory_space<semaphore_mem>>) src(%dma_wait3A_120 : memref<40x125xi32, #tpu.memory_space<hbm>>) dst(%arg6 : memref<40x125xi32, #tpu.memory_space<vmem>>)
      tpu.yield
    }) : () -> ()
    %dma_start3A = arith.constant 0 : i32
    %dma_start3A_4 = arith.constant 0 : i32
    %dma_start3A_5 = tpu.memref_slice %arg5[%dma_start3A, %dma_start3A_4] : memref<40x125xi32, #tpu.memory_space<vmem>> -> memref<1x125xi32, #tpu.memory_space<vmem>>
    %dma_start3A_6 = tpu.memref_squeeze %dma_start3A_5 : memref<1x125xi32, #tpu.memory_space<vmem>> -> memref<125xi32, #tpu.memory_space<vmem>>
    %dma_start3A_7 = arith.constant 0 : i32
    %dma_start3A_8 = arith.constant 0 : i32
    %dma_start3A_9 = tpu.memref_slice %arg2[%dma_start3A_7, %dma_start3A_8] : memref<10000x128xf32, #tpu.memory_space<hbm>> -> memref<10000x128xf32, #tpu.memory_space<hbm>>
    tpu.enqueue_indirect_dma source(%dma_start3A_9 : memref<10000x128xf32, #tpu.memory_space<hbm>>) target(%arg8 : memref<125x128xf32, #tpu.memory_space<vmem>>) offsets(%dma_start3A_6 : memref<125xi32, #tpu.memory_space<vmem>>) semaphore(%arg11 : memref<!tpu.dma_semaphore, #tpu.memory_space<semaphore_mem>>)
    %scan3A = arith.constant 0 : i32
    %scan3A_10 = arith.constant 0 : i32
    %scan3A_11 = arith.constant 48 : i32
    %scan3A_12 = arith.addi %scan3A_10, %scan3A_11 : i32
    %scan3A_13 = arith.constant 1 : i32
    %scan3A_14 = scf.for %scan3A_105 = %scan3A_10 to %scan3A_12 step %scan3A_13 iter_args(%scan3A_106 = %scan3A) -> (i32)  : i32 {
      %broadcast_in_dim3A = arith.constant 0.000000e+00 : f32
      %broadcast_in_dim3A_107 = vector.broadcast %broadcast_in_dim3A : f32 to vector<16xf32>
      %swap3A = arith.index_cast %scan3A_105 : i32 to index
      %swap3A_108 = arith.constant 0 : index
      %swap3A_109 = tpu.vector_load %arg7[%swap3A, %swap3A_108] {strides = array<i32>} : memref<125x128xf32, #tpu.memory_space<vmem>>, vector<1x16xf32>,
      %swap3A_110 = vector.shape_cast %swap3A_109 : vector<1x16xf32> to vector<16xf32>
      %swap3A_111 = vector.shape_cast %broadcast_in_dim3A_107 : vector<16xf32> to vector<1x16xf32>
      tpu.vector_store %arg7[%swap3A, %swap3A_108], %swap3A_111 {strides = array<i32>} : memref<125x128xf32, #tpu.memory_space<vmem>>, vector<1x16xf32>,
      %broadcast_in_dim3A_112 = arith.constant 0.000000e+00 : f32
      %broadcast_in_dim3A_113 = vector.broadcast %broadcast_in_dim3A_112 : f32 to vector<16xf32>
      %swap3A_114 = arith.index_cast %scan3A_105 : i32 to index
      %swap3A_115 = arith.constant 16 : index
      %swap3A_116 = tpu.vector_load %arg7[%swap3A_114, %swap3A_115] {strides = array<i32>} : memref<125x128xf32, #tpu.memory_space<vmem>>, vector<1x16xf32>,
      %swap3A_117 = vector.shape_cast %swap3A_116 : vector<1x16xf32> to vector<16xf32>
      %swap3A_118 = vector.shape_cast %broadcast_in_dim3A_113 : vector<16xf32> to vector<1x16xf32>
      tpu.vector_store %arg7[%swap3A_114, %swap3A_115], %swap3A_118 {strides = array<i32>} : memref<125x128xf32, #tpu.memory_space<vmem>>, vector<1x16xf32>,
      %broadcast_in_dim3A_119 = arith.constant 0.000000e+00 : f32
      %broadcast_in_dim3A_120 = vector.broadcast %broadcast_in_dim3A_119 : f32 to vector<16xf32>
      %swap3A_121 = arith.index_cast %scan3A_105 : i32 to index
      %swap3A_122 = arith.constant 32 : index
      %swap3A_123 = tpu.vector_load %arg7[%swap3A_121, %swap3A_122] {strides = array<i32>} : memref<125x128xf32, #tpu.memory_space<vmem>>, vector<1x16xf32>,
      %swap3A_124 = vector.shape_cast %swap3A_123 : vector<1x16xf32> to vector<16xf32>
      %swap3A_125 = vector.shape_cast %broadcast_in_dim3A_120 : vector<16xf32> to vector<1x16xf32>
      tpu.vector_store %arg7[%swap3A_121, %swap3A_122], %swap3A_125 {strides = array<i32>} : memref<125x128xf32, #tpu.memory_space<vmem>>, vector<1x16xf32>,
      %broadcast_in_dim3A_126 = arith.constant 0.000000e+00 : f32
      %broadcast_in_dim3A_127 = vector.broadcast %broadcast_in_dim3A_126 : f32 to vector<16xf32>
      %swap3A_128 = arith.index_cast %scan3A_105 : i32 to index
      %swap3A_129 = arith.constant 48 : index
      %swap3A_130 = tpu.vector_load %arg7[%swap3A_128, %swap3A_129] {strides = array<i32>} : memref<125x128xf32, #tpu.memory_space<vmem>>, vector<1x16xf32>,
      %swap3A_131 = vector.shape_cast %swap3A_130 : vector<1x16xf32> to vector<16xf32>
      %swap3A_132 = vector.shape_cast %broadcast_in_dim3A_127 : vector<16xf32> to vector<1x16xf32>
      tpu.vector_store %arg7[%swap3A_128, %swap3A_129], %swap3A_132 {strides = array<i32>} : memref<125x128xf32, #tpu.memory_space<vmem>>, vector<1x16xf32>,
      %broadcast_in_dim3A_133 = arith.constant 0.000000e+00 : f32
      %broadcast_in_dim3A_134 = vector.broadcast %broadcast_in_dim3A_133 : f32 to vector<16xf32>
      %swap3A_135 = arith.index_cast %scan3A_105 : i32 to index
      %swap3A_136 = arith.constant 64 : index
      %swap3A_137 = tpu.vector_load %arg7[%swap3A_135, %swap3A_136] {strides = array<i32>} : memref<125x128xf32, #tpu.memory_space<vmem>>, vector<1x16xf32>,
      %swap3A_138 = vector.shape_cast %swap3A_137 : vector<1x16xf32> to vector<16xf32>
      %swap3A_139 = vector.shape_cast %broadcast_in_dim3A_134 : vector<16xf32> to vector<1x16xf32>
      tpu.vector_store %arg7[%swap3A_135, %swap3A_136], %swap3A_139 {strides = array<i32>} : memref<125x128xf32, #tpu.memory_space<vmem>>, vector<1x16xf32>,
      %broadcast_in_dim3A_140 = arith.constant 0.000000e+00 : f32
      %broadcast_in_dim3A_141 = vector.broadcast %broadcast_in_dim3A_140 : f32 to vector<16xf32>
      %swap3A_142 = arith.index_cast %scan3A_105 : i32 to index
      %swap3A_143 = arith.constant 80 : index
      %swap3A_144 = tpu.vector_load %arg7[%swap3A_142, %swap3A_143] {strides = array<i32>} : memref<125x128xf32, #tpu.memory_space<vmem>>, vector<1x16xf32>,
      %swap3A_145 = vector.shape_cast %swap3A_144 : vector<1x16xf32> to vector<16xf32>
      %swap3A_146 = vector.shape_cast %broadcast_in_dim3A_141 : vector<16xf32> to vector<1x16xf32>
      tpu.vector_store %arg7[%swap3A_142, %swap3A_143], %swap3A_146 {strides = array<i32>} : memref<125x128xf32, #tpu.memory_space<vmem>>, vector<1x16xf32>,
      %broadcast_in_dim3A_147 = arith.constant 0.000000e+00 : f32
      %broadcast_in_dim3A_148 = vector.broadcast %broadcast_in_dim3A_147 : f32 to vector<16xf32>
      %swap3A_149 = arith.index_cast %scan3A_105 : i32 to index
      %swap3A_150 = arith.constant 96 : index
      %swap3A_151 = tpu.vector_load %arg7[%swap3A_149, %swap3A_150] {strides = array<i32>} : memref<125x128xf32, #tpu.memory_space<vmem>>, vector<1x16xf32>,
      %swap3A_152 = vector.shape_cast %swap3A_151 : vector<1x16xf32> to vector<16xf32>
      %swap3A_153 = vector.shape_cast %broadcast_in_dim3A_148 : vector<16xf32> to vector<1x16xf32>
      tpu.vector_store %arg7[%swap3A_149, %swap3A_150], %swap3A_153 {strides = array<i32>} : memref<125x128xf32, #tpu.memory_space<vmem>>, vector<1x16xf32>,
      %broadcast_in_dim3A_154 = arith.constant 0.000000e+00 : f32
      %broadcast_in_dim3A_155 = vector.broadcast %broadcast_in_dim3A_154 : f32 to vector<16xf32>
      %swap3A_156 = arith.index_cast %scan3A_105 : i32 to index
      %swap3A_157 = arith.constant 112 : index
      %swap3A_158 = tpu.vector_load %arg7[%swap3A_156, %swap3A_157] {strides = array<i32>} : memref<125x128xf32, #tpu.memory_space<vmem>>, vector<1x16xf32>,
      %swap3A_159 = vector.shape_cast %swap3A_158 : vector<1x16xf32> to vector<16xf32>
      %swap3A_160 = vector.shape_cast %broadcast_in_dim3A_155 : vector<16xf32> to vector<1x16xf32>
      tpu.vector_store %arg7[%swap3A_156, %swap3A_157], %swap3A_160 {strides = array<i32>} : memref<125x128xf32, #tpu.memory_space<vmem>>, vector<1x16xf32>,
      %scan3A_161 = arith.constant 0 : i32
      scf.yield %scan3A_161 : i32
    }
    %scan3A_15 = arith.constant 48 : i32
    %mul3A_16 = arith.constant 624 : i32
    %mul3A_17 = arith.muli %arg1, %mul3A_16 : i32
    %add3A_18 = arith.constant 0 : i32
    %add3A_19 = arith.addi %mul3A_17, %add3A_18 : i32
    "tpu.region"() ({
      %run_scoped3A_105 = tpu.sem_alloc : memref<!tpu.dma_semaphore, #tpu.memory_space<semaphore_mem>>
      %dma_start3A_106 = arith.constant 0 : i32
      %dma_start3A_107 = arith.constant 0 : i32
      %dma_start3A_108 = tpu.memref_slice %arg7[%dma_start3A_106, %dma_start3A_107] : memref<125x128xf32, #tpu.memory_space<vmem>> -> memref<48x128xf32, #tpu.memory_space<vmem>>
      %dma_start3A_109 = arith.constant 0 : i32
      %dma_start3A_110 = tpu.memref_slice %arg9[%add3A_19, %dma_start3A_109] : memref<10000x128xf32, #tpu.memory_space<vmem_shared>> -> memref<48x128xf32, #tpu.memory_space<vmem_shared>>
      %dma_start3A_111 = arith.constant 0 : i32
      %dma_start3A_112 = tpu.memref_slice %arg9[%add3A_19, %dma_start3A_111] : memref<10000x128xf32, #tpu.memory_space<vmem_shared>> -> memref<48x128xf32, #tpu.memory_space<vmem_shared>>
      %dma_start3A_113 = arith.constant 0 : i32
      %dma_start3A_114 = arith.constant 0 : i32
      %dma_start3A_115 = tpu.memref_slice %arg7[%dma_start3A_113, %dma_start3A_114] : memref<125x128xf32, #tpu.memory_space<vmem>> -> memref<48x128xf32, #tpu.memory_space<vmem>>
      tpu.enqueue_dma source(%dma_start3A_115 : memref<48x128xf32, #tpu.memory_space<vmem>>) target(%dma_start3A_112 : memref<48x128xf32, #tpu.memory_space<vmem_shared>>) target_semaphore(%run_scoped3A_105 : memref<!tpu.dma_semaphore, #tpu.memory_space<semaphore_mem>>)
      %dma_wait3A = arith.constant 0 : i32
      %dma_wait3A_116 = arith.constant 0 : i32
      %dma_wait3A_117 = tpu.memref_slice %arg7[%dma_wait3A, %dma_wait3A_116] : memref<125x128xf32, #tpu.memory_space<vmem>> -> memref<48x128xf32, #tpu.memory_space<vmem>>
      %dma_wait3A_118 = arith.constant 0 : i32
      %dma_wait3A_119 = tpu.memref_slice %arg9[%add3A_19, %dma_wait3A_118] : memref<10000x128xf32, #tpu.memory_space<vmem_shared>> -> memref<48x128xf32, #tpu.memory_space<vmem_shared>>
      %dma_wait3A_120 = arith.constant 0 : i32
      %dma_wait3A_121 = tpu.memref_slice %arg9[%add3A_19, %dma_wait3A_120] : memref<10000x128xf32, #tpu.memory_space<vmem_shared>> -> memref<48x128xf32, #tpu.memory_space<vmem_shared>>
      %dma_wait3A_122 = arith.constant 0 : i32
      %dma_wait3A_123 = arith.constant 0 : i32
      %dma_wait3A_124 = tpu.memref_slice %arg7[%dma_wait3A_122, %dma_wait3A_123] : memref<125x128xf32, #tpu.memory_space<vmem>> -> memref<48x128xf32, #tpu.memory_space<vmem>>
      tpu.wait_dma2 semaphore(%run_scoped3A_105 : memref<!tpu.dma_semaphore, #tpu.memory_space<semaphore_mem>>) src(%dma_wait3A_124 : memref<48x128xf32, #tpu.memory_space<vmem>>) dst(%dma_wait3A_121 : memref<48x128xf32, #tpu.memory_space<vmem_shared>>)
      tpu.yield
    }) : () -> ()
    %mul3A_20 = arith.constant 624 : i32
    %mul3A_21 = arith.muli %arg1, %mul3A_20 : i32
    %add3A_22 = arith.constant 48 : i32
    %add3A_23 = arith.addi %mul3A_21, %add3A_22 : i32
    "tpu.region"() ({
      %run_scoped3A_105 = tpu.sem_alloc : memref<!tpu.dma_semaphore, #tpu.memory_space<semaphore_mem>>
      %dma_start3A_106 = arith.constant 0 : i32
      %dma_start3A_107 = arith.constant 0 : i32
      %dma_start3A_108 = tpu.memref_slice %arg7[%dma_start3A_106, %dma_start3A_107] : memref<125x128xf32, #tpu.memory_space<vmem>> -> memref<48x128xf32, #tpu.memory_space<vmem>>
      %dma_start3A_109 = arith.constant 0 : i32
      %dma_start3A_110 = tpu.memref_slice %arg9[%add3A_23, %dma_start3A_109] : memref<10000x128xf32, #tpu.memory_space<vmem_shared>> -> memref<48x128xf32, #tpu.memory_space<vmem_shared>>
      %dma_start3A_111 = arith.constant 0 : i32
      %dma_start3A_112 = tpu.memref_slice %arg9[%add3A_23, %dma_start3A_111] : memref<10000x128xf32, #tpu.memory_space<vmem_shared>> -> memref<48x128xf32, #tpu.memory_space<vmem_shared>>
      %dma_start3A_113 = arith.constant 0 : i32
      %dma_start3A_114 = arith.constant 0 : i32
      %dma_start3A_115 = tpu.memref_slice %arg7[%dma_start3A_113, %dma_start3A_114] : memref<125x128xf32, #tpu.memory_space<vmem>> -> memref<48x128xf32, #tpu.memory_space<vmem>>
      tpu.enqueue_dma source(%dma_start3A_115 : memref<48x128xf32, #tpu.memory_space<vmem>>) target(%dma_start3A_112 : memref<48x128xf32, #tpu.memory_space<vmem_shared>>) target_semaphore(%run_scoped3A_105 : memref<!tpu.dma_semaphore, #tpu.memory_space<semaphore_mem>>)
      %dma_wait3A = arith.constant 0 : i32
      %dma_wait3A_116 = arith.constant 0 : i32
      %dma_wait3A_117 = tpu.memref_slice %arg7[%dma_wait3A, %dma_wait3A_116] : memref<125x128xf32, #tpu.memory_space<vmem>> -> memref<48x128xf32, #tpu.memory_space<vmem>>
      %dma_wait3A_118 = arith.constant 0 : i32
      %dma_wait3A_119 = tpu.memref_slice %arg9[%add3A_23, %dma_wait3A_118] : memref<10000x128xf32, #tpu.memory_space<vmem_shared>> -> memref<48x128xf32, #tpu.memory_space<vmem_shared>>
      %dma_wait3A_120 = arith.constant 0 : i32
      %dma_wait3A_121 = tpu.memref_slice %arg9[%add3A_23, %dma_wait3A_120] : memref<10000x128xf32, #tpu.memory_space<vmem_shared>> -> memref<48x128xf32, #tpu.memory_space<vmem_shared>>
      %dma_wait3A_122 = arith.constant 0 : i32
      %dma_wait3A_123 = arith.constant 0 : i32
      %dma_wait3A_124 = tpu.memref_slice %arg7[%dma_wait3A_122, %dma_wait3A_123] : memref<125x128xf32, #tpu.memory_space<vmem>> -> memref<48x128xf32, #tpu.memory_space<vmem>>
      tpu.wait_dma2 semaphore(%run_scoped3A_105 : memref<!tpu.dma_semaphore, #tpu.memory_space<semaphore_mem>>) src(%dma_wait3A_124 : memref<48x128xf32, #tpu.memory_space<vmem>>) dst(%dma_wait3A_121 : memref<48x128xf32, #tpu.memory_space<vmem_shared>>)
      tpu.yield
    }) : () -> ()
    %mul3A_24 = arith.constant 624 : i32
    %mul3A_25 = arith.muli %arg1, %mul3A_24 : i32
    %add3A_26 = arith.constant 96 : i32
    %add3A_27 = arith.addi %mul3A_25, %add3A_26 : i32
    "tpu.region"() ({
      %run_scoped3A_105 = tpu.sem_alloc : memref<!tpu.dma_semaphore, #tpu.memory_space<semaphore_mem>>
      %dma_start3A_106 = arith.constant 0 : i32
      %dma_start3A_107 = arith.constant 0 : i32
      %dma_start3A_108 = tpu.memref_slice %arg7[%dma_start3A_106, %dma_start3A_107] : memref<125x128xf32, #tpu.memory_space<vmem>> -> memref<48x128xf32, #tpu.memory_space<vmem>>
      %dma_start3A_109 = arith.constant 0 : i32
      %dma_start3A_110 = tpu.memref_slice %arg9[%add3A_27, %dma_start3A_109] : memref<10000x128xf32, #tpu.memory_space<vmem_shared>> -> memref<48x128xf32, #tpu.memory_space<vmem_shared>>
      %dma_start3A_111 = arith.constant 0 : i32
      %dma_start3A_112 = tpu.memref_slice %arg9[%add3A_27, %dma_start3A_111] : memref<10000x128xf32, #tpu.memory_space<vmem_shared>> -> memref<48x128xf32, #tpu.memory_space<vmem_shared>>
      %dma_start3A_113 = arith.constant 0 : i32
      %dma_start3A_114 = arith.constant 0 : i32
      %dma_start3A_115 = tpu.memref_slice %arg7[%dma_start3A_113, %dma_start3A_114] : memref<125x128xf32, #tpu.memory_space<vmem>> -> memref<48x128xf32, #tpu.memory_space<vmem>>
      tpu.enqueue_dma source(%dma_start3A_115 : memref<48x128xf32, #tpu.memory_space<vmem>>) target(%dma_start3A_112 : memref<48x128xf32, #tpu.memory_space<vmem_shared>>) target_semaphore(%run_scoped3A_105 : memref<!tpu.dma_semaphore, #tpu.memory_space<semaphore_mem>>)
      %dma_wait3A = arith.constant 0 : i32
      %dma_wait3A_116 = arith.constant 0 : i32
      %dma_wait3A_117 = tpu.memref_slice %arg7[%dma_wait3A, %dma_wait3A_116] : memref<125x128xf32, #tpu.memory_space<vmem>> -> memref<48x128xf32, #tpu.memory_space<vmem>>
      %dma_wait3A_118 = arith.constant 0 : i32
      %dma_wait3A_119 = tpu.memref_slice %arg9[%add3A_27, %dma_wait3A_118] : memref<10000x128xf32, #tpu.memory_space<vmem_shared>> -> memref<48x128xf32, #tpu.memory_space<vmem_shared>>
      %dma_wait3A_120 = arith.constant 0 : i32
      %dma_wait3A_121 = tpu.memref_slice %arg9[%add3A_27, %dma_wait3A_120] : memref<10000x128xf32, #tpu.memory_space<vmem_shared>> -> memref<48x128xf32, #tpu.memory_space<vmem_shared>>
      %dma_wait3A_122 = arith.constant 0 : i32
      %dma_wait3A_123 = arith.constant 0 : i32
      %dma_wait3A_124 = tpu.memref_slice %arg7[%dma_wait3A_122, %dma_wait3A_123] : memref<125x128xf32, #tpu.memory_space<vmem>> -> memref<48x128xf32, #tpu.memory_space<vmem>>
      tpu.wait_dma2 semaphore(%run_scoped3A_105 : memref<!tpu.dma_semaphore, #tpu.memory_space<semaphore_mem>>) src(%dma_wait3A_124 : memref<48x128xf32, #tpu.memory_space<vmem>>) dst(%dma_wait3A_121 : memref<48x128xf32, #tpu.memory_space<vmem_shared>>)
      tpu.yield
    }) : () -> ()
    %mul3A_28 = arith.constant 624 : i32
    %mul3A_29 = arith.muli %arg1, %mul3A_28 : i32
    %add3A_30 = arith.constant 144 : i32
    %add3A_31 = arith.addi %mul3A_29, %add3A_30 : i32
    "tpu.region"() ({
      %run_scoped3A_105 = tpu.sem_alloc : memref<!tpu.dma_semaphore, #tpu.memory_space<semaphore_mem>>
      %dma_start3A_106 = arith.constant 0 : i32
      %dma_start3A_107 = arith.constant 0 : i32
      %dma_start3A_108 = tpu.memref_slice %arg7[%dma_start3A_106, %dma_start3A_107] : memref<125x128xf32, #tpu.memory_space<vmem>> -> memref<48x128xf32, #tpu.memory_space<vmem>>
      %dma_start3A_109 = arith.constant 0 : i32
      %dma_start3A_110 = tpu.memref_slice %arg9[%add3A_31, %dma_start3A_109] : memref<10000x128xf32, #tpu.memory_space<vmem_shared>> -> memref<48x128xf32, #tpu.memory_space<vmem_shared>>
      %dma_start3A_111 = arith.constant 0 : i32
      %dma_start3A_112 = tpu.memref_slice %arg9[%add3A_31, %dma_start3A_111] : memref<10000x128xf32, #tpu.memory_space<vmem_shared>> -> memref<48x128xf32, #tpu.memory_space<vmem_shared>>
      %dma_start3A_113 = arith.constant 0 : i32
      %dma_start3A_114 = arith.constant 0 : i32
      %dma_start3A_115 = tpu.memref_slice %arg7[%dma_start3A_113, %dma_start3A_114] : memref<125x128xf32, #tpu.memory_space<vmem>> -> memref<48x128xf32, #tpu.memory_space<vmem>>
      tpu.enqueue_dma source(%dma_start3A_115 : memref<48x128xf32, #tpu.memory_space<vmem>>) target(%dma_start3A_112 : memref<48x128xf32, #tpu.memory_space<vmem_shared>>) target_semaphore(%run_scoped3A_105 : memref<!tpu.dma_semaphore, #tpu.memory_space<semaphore_mem>>)
      %dma_wait3A = arith.constant 0 : i32
      %dma_wait3A_116 = arith.constant 0 : i32
      %dma_wait3A_117 = tpu.memref_slice %arg7[%dma_wait3A, %dma_wait3A_116] : memref<125x128xf32, #tpu.memory_space<vmem>> -> memref<48x128xf32, #tpu.memory_space<vmem>>
      %dma_wait3A_118 = arith.constant 0 : i32
      %dma_wait3A_119 = tpu.memref_slice %arg9[%add3A_31, %dma_wait3A_118] : memref<10000x128xf32, #tpu.memory_space<vmem_shared>> -> memref<48x128xf32, #tpu.memory_space<vmem_shared>>
      %dma_wait3A_120 = arith.constant 0 : i32
      %dma_wait3A_121 = tpu.memref_slice %arg9[%add3A_31, %dma_wait3A_120] : memref<10000x128xf32, #tpu.memory_space<vmem_shared>> -> memref<48x128xf32, #tpu.memory_space<vmem_shared>>
      %dma_wait3A_122 = arith.constant 0 : i32
      %dma_wait3A_123 = arith.constant 0 : i32
      %dma_wait3A_124 = tpu.memref_slice %arg7[%dma_wait3A_122, %dma_wait3A_123] : memref<125x128xf32, #tpu.memory_space<vmem>> -> memref<48x128xf32, #tpu.memory_space<vmem>>
      tpu.wait_dma2 semaphore(%run_scoped3A_105 : memref<!tpu.dma_semaphore, #tpu.memory_space<semaphore_mem>>) src(%dma_wait3A_124 : memref<48x128xf32, #tpu.memory_space<vmem>>) dst(%dma_wait3A_121 : memref<48x128xf32, #tpu.memory_space<vmem_shared>>)
      tpu.yield
    }) : () -> ()
    %mul3A_32 = arith.constant 624 : i32
    %mul3A_33 = arith.muli %arg1, %mul3A_32 : i32
    %add3A_34 = arith.constant 192 : i32
    %add3A_35 = arith.addi %mul3A_33, %add3A_34 : i32
    "tpu.region"() ({
      %run_scoped3A_105 = tpu.sem_alloc : memref<!tpu.dma_semaphore, #tpu.memory_space<semaphore_mem>>
      %dma_start3A_106 = arith.constant 0 : i32
      %dma_start3A_107 = arith.constant 0 : i32
      %dma_start3A_108 = tpu.memref_slice %arg7[%dma_start3A_106, %dma_start3A_107] : memref<125x128xf32, #tpu.memory_space<vmem>> -> memref<48x128xf32, #tpu.memory_space<vmem>>
      %dma_start3A_109 = arith.constant 0 : i32
      %dma_start3A_110 = tpu.memref_slice %arg9[%add3A_35, %dma_start3A_109] : memref<10000x128xf32, #tpu.memory_space<vmem_shared>> -> memref<48x128xf32, #tpu.memory_space<vmem_shared>>
      %dma_start3A_111 = arith.constant 0 : i32
      %dma_start3A_112 = tpu.memref_slice %arg9[%add3A_35, %dma_start3A_111] : memref<10000x128xf32, #tpu.memory_space<vmem_shared>> -> memref<48x128xf32, #tpu.memory_space<vmem_shared>>
      %dma_start3A_113 = arith.constant 0 : i32
      %dma_start3A_114 = arith.constant 0 : i32
      %dma_start3A_115 = tpu.memref_slice %arg7[%dma_start3A_113, %dma_start3A_114] : memref<125x128xf32, #tpu.memory_space<vmem>> -> memref<48x128xf32, #tpu.memory_space<vmem>>
      tpu.enqueue_dma source(%dma_start3A_115 : memref<48x128xf32, #tpu.memory_space<vmem>>) target(%dma_start3A_112 : memref<48x128xf32, #tpu.memory_space<vmem_shared>>) target_semaphore(%run_scoped3A_105 : memref<!tpu.dma_semaphore, #tpu.memory_space<semaphore_mem>>)
      %dma_wait3A = arith.constant 0 : i32
      %dma_wait3A_116 = arith.constant 0 : i32
      %dma_wait3A_117 = tpu.memref_slice %arg7[%dma_wait3A, %dma_wait3A_116] : memref<125x128xf32, #tpu.memory_space<vmem>> -> memref<48x128xf32, #tpu.memory_space<vmem>>
      %dma_wait3A_118 = arith.constant 0 : i32
      %dma_wait3A_119 = tpu.memref_slice %arg9[%add3A_35, %dma_wait3A_118] : memref<10000x128xf32, #tpu.memory_space<vmem_shared>> -> memref<48x128xf32, #tpu.memory_space<vmem_shared>>
      %dma_wait3A_120 = arith.constant 0 : i32
      %dma_wait3A_121 = tpu.memref_slice %arg9[%add3A_35, %dma_wait3A_120] : memref<10000x128xf32, #tpu.memory_space<vmem_shared>> -> memref<48x128xf32, #tpu.memory_space<vmem_shared>>
      %dma_wait3A_122 = arith.constant 0 : i32
      %dma_wait3A_123 = arith.constant 0 : i32
      %dma_wait3A_124 = tpu.memref_slice %arg7[%dma_wait3A_122, %dma_wait3A_123] : memref<125x128xf32, #tpu.memory_space<vmem>> -> memref<48x128xf32, #tpu.memory_space<vmem>>
      tpu.wait_dma2 semaphore(%run_scoped3A_105 : memref<!tpu.dma_semaphore, #tpu.memory_space<semaphore_mem>>) src(%dma_wait3A_124 : memref<48x128xf32, #tpu.memory_space<vmem>>) dst(%dma_wait3A_121 : memref<48x128xf32, #tpu.memory_space<vmem_shared>>)
      tpu.yield
    }) : () -> ()
    %mul3A_36 = arith.constant 624 : i32
    %mul3A_37 = arith.muli %arg1, %mul3A_36 : i32
    %add3A_38 = arith.constant 240 : i32
    %add3A_39 = arith.addi %mul3A_37, %add3A_38 : i32
    "tpu.region"() ({
      %run_scoped3A_105 = tpu.sem_alloc : memref<!tpu.dma_semaphore, #tpu.memory_space<semaphore_mem>>
      %dma_start3A_106 = arith.constant 0 : i32
      %dma_start3A_107 = arith.constant 0 : i32
      %dma_start3A_108 = tpu.memref_slice %arg7[%dma_start3A_106, %dma_start3A_107] : memref<125x128xf32, #tpu.memory_space<vmem>> -> memref<48x128xf32, #tpu.memory_space<vmem>>
      %dma_start3A_109 = arith.constant 0 : i32
      %dma_start3A_110 = tpu.memref_slice %arg9[%add3A_39, %dma_start3A_109] : memref<10000x128xf32, #tpu.memory_space<vmem_shared>> -> memref<48x128xf32, #tpu.memory_space<vmem_shared>>
      %dma_start3A_111 = arith.constant 0 : i32
      %dma_start3A_112 = tpu.memref_slice %arg9[%add3A_39, %dma_start3A_111] : memref<10000x128xf32, #tpu.memory_space<vmem_shared>> -> memref<48x128xf32, #tpu.memory_space<vmem_shared>>
      %dma_start3A_113 = arith.constant 0 : i32
      %dma_start3A_114 = arith.constant 0 : i32
      %dma_start3A_115 = tpu.memref_slice %arg7[%dma_start3A_113, %dma_start3A_114] : memref<125x128xf32, #tpu.memory_space<vmem>> -> memref<48x128xf32, #tpu.memory_space<vmem>>
      tpu.enqueue_dma source(%dma_start3A_115 : memref<48x128xf32, #tpu.memory_space<vmem>>) target(%dma_start3A_112 : memref<48x128xf32, #tpu.memory_space<vmem_shared>>) target_semaphore(%run_scoped3A_105 : memref<!tpu.dma_semaphore, #tpu.memory_space<semaphore_mem>>)
      %dma_wait3A = arith.constant 0 : i32
      %dma_wait3A_116 = arith.constant 0 : i32
      %dma_wait3A_117 = tpu.memref_slice %arg7[%dma_wait3A, %dma_wait3A_116] : memref<125x128xf32, #tpu.memory_space<vmem>> -> memref<48x128xf32, #tpu.memory_space<vmem>>
      %dma_wait3A_118 = arith.constant 0 : i32
      %dma_wait3A_119 = tpu.memref_slice %arg9[%add3A_39, %dma_wait3A_118] : memref<10000x128xf32, #tpu.memory_space<vmem_shared>> -> memref<48x128xf32, #tpu.memory_space<vmem_shared>>
      %dma_wait3A_120 = arith.constant 0 : i32
      %dma_wait3A_121 = tpu.memref_slice %arg9[%add3A_39, %dma_wait3A_120] : memref<10000x128xf32, #tpu.memory_space<vmem_shared>> -> memref<48x128xf32, #tpu.memory_space<vmem_shared>>
      %dma_wait3A_122 = arith.constant 0 : i32
      %dma_wait3A_123 = arith.constant 0 : i32
      %dma_wait3A_124 = tpu.memref_slice %arg7[%dma_wait3A_122, %dma_wait3A_123] : memref<125x128xf32, #tpu.memory_space<vmem>> -> memref<48x128xf32, #tpu.memory_space<vmem>>
      tpu.wait_dma2 semaphore(%run_scoped3A_105 : memref<!tpu.dma_semaphore, #tpu.memory_space<semaphore_mem>>) src(%dma_wait3A_124 : memref<48x128xf32, #tpu.memory_space<vmem>>) dst(%dma_wait3A_121 : memref<48x128xf32, #tpu.memory_space<vmem_shared>>)
      tpu.yield
    }) : () -> ()
    %mul3A_40 = arith.constant 624 : i32
    %mul3A_41 = arith.muli %arg1, %mul3A_40 : i32
    %add3A_42 = arith.constant 288 : i32
    %add3A_43 = arith.addi %mul3A_41, %add3A_42 : i32
    "tpu.region"() ({
      %run_scoped3A_105 = tpu.sem_alloc : memref<!tpu.dma_semaphore, #tpu.memory_space<semaphore_mem>>
      %dma_start3A_106 = arith.constant 0 : i32
      %dma_start3A_107 = arith.constant 0 : i32
      %dma_start3A_108 = tpu.memref_slice %arg7[%dma_start3A_106, %dma_start3A_107] : memref<125x128xf32, #tpu.memory_space<vmem>> -> memref<48x128xf32, #tpu.memory_space<vmem>>
      %dma_start3A_109 = arith.constant 0 : i32
      %dma_start3A_110 = tpu.memref_slice %arg9[%add3A_43, %dma_start3A_109] : memref<10000x128xf32, #tpu.memory_space<vmem_shared>> -> memref<48x128xf32, #tpu.memory_space<vmem_shared>>
      %dma_start3A_111 = arith.constant 0 : i32
      %dma_start3A_112 = tpu.memref_slice %arg9[%add3A_43, %dma_start3A_111] : memref<10000x128xf32, #tpu.memory_space<vmem_shared>> -> memref<48x128xf32, #tpu.memory_space<vmem_shared>>
      %dma_start3A_113 = arith.constant 0 : i32
      %dma_start3A_114 = arith.constant 0 : i32
      %dma_start3A_115 = tpu.memref_slice %arg7[%dma_start3A_113, %dma_start3A_114] : memref<125x128xf32, #tpu.memory_space<vmem>> -> memref<48x128xf32, #tpu.memory_space<vmem>>
      tpu.enqueue_dma source(%dma_start3A_115 : memref<48x128xf32, #tpu.memory_space<vmem>>) target(%dma_start3A_112 : memref<48x128xf32, #tpu.memory_space<vmem_shared>>) target_semaphore(%run_scoped3A_105 : memref<!tpu.dma_semaphore, #tpu.memory_space<semaphore_mem>>)
      %dma_wait3A = arith.constant 0 : i32
      %dma_wait3A_116 = arith.constant 0 : i32
      %dma_wait3A_117 = tpu.memref_slice %arg7[%dma_wait3A, %dma_wait3A_116] : memref<125x128xf32, #tpu.memory_space<vmem>> -> memref<48x128xf32, #tpu.memory_space<vmem>>
      %dma_wait3A_118 = arith.constant 0 : i32
      %dma_wait3A_119 = tpu.memref_slice %arg9[%add3A_43, %dma_wait3A_118] : memref<10000x128xf32, #tpu.memory_space<vmem_shared>> -> memref<48x128xf32, #tpu.memory_space<vmem_shared>>
      %dma_wait3A_120 = arith.constant 0 : i32
      %dma_wait3A_121 = tpu.memref_slice %arg9[%add3A_43, %dma_wait3A_120] : memref<10000x128xf32, #tpu.memory_space<vmem_shared>> -> memref<48x128xf32, #tpu.memory_space<vmem_shared>>
      %dma_wait3A_122 = arith.constant 0 : i32
      %dma_wait3A_123 = arith.constant 0 : i32
      %dma_wait3A_124 = tpu.memref_slice %arg7[%dma_wait3A_122, %dma_wait3A_123] : memref<125x128xf32, #tpu.memory_space<vmem>> -> memref<48x128xf32, #tpu.memory_space<vmem>>
      tpu.wait_dma2 semaphore(%run_scoped3A_105 : memref<!tpu.dma_semaphore, #tpu.memory_space<semaphore_mem>>) src(%dma_wait3A_124 : memref<48x128xf32, #tpu.memory_space<vmem>>) dst(%dma_wait3A_121 : memref<48x128xf32, #tpu.memory_space<vmem_shared>>)
      tpu.yield
    }) : () -> ()
    %mul3A_44 = arith.constant 624 : i32
    %mul3A_45 = arith.muli %arg1, %mul3A_44 : i32
    %add3A_46 = arith.constant 336 : i32
    %add3A_47 = arith.addi %mul3A_45, %add3A_46 : i32
    "tpu.region"() ({
      %run_scoped3A_105 = tpu.sem_alloc : memref<!tpu.dma_semaphore, #tpu.memory_space<semaphore_mem>>
      %dma_start3A_106 = arith.constant 0 : i32
      %dma_start3A_107 = arith.constant 0 : i32
      %dma_start3A_108 = tpu.memref_slice %arg7[%dma_start3A_106, %dma_start3A_107] : memref<125x128xf32, #tpu.memory_space<vmem>> -> memref<48x128xf32, #tpu.memory_space<vmem>>
      %dma_start3A_109 = arith.constant 0 : i32
      %dma_start3A_110 = tpu.memref_slice %arg9[%add3A_47, %dma_start3A_109] : memref<10000x128xf32, #tpu.memory_space<vmem_shared>> -> memref<48x128xf32, #tpu.memory_space<vmem_shared>>
      %dma_start3A_111 = arith.constant 0 : i32
      %dma_start3A_112 = tpu.memref_slice %arg9[%add3A_47, %dma_start3A_111] : memref<10000x128xf32, #tpu.memory_space<vmem_shared>> -> memref<48x128xf32, #tpu.memory_space<vmem_shared>>
      %dma_start3A_113 = arith.constant 0 : i32
      %dma_start3A_114 = arith.constant 0 : i32
      %dma_start3A_115 = tpu.memref_slice %arg7[%dma_start3A_113, %dma_start3A_114] : memref<125x128xf32, #tpu.memory_space<vmem>> -> memref<48x128xf32, #tpu.memory_space<vmem>>
      tpu.enqueue_dma source(%dma_start3A_115 : memref<48x128xf32, #tpu.memory_space<vmem>>) target(%dma_start3A_112 : memref<48x128xf32, #tpu.memory_space<vmem_shared>>) target_semaphore(%run_scoped3A_105 : memref<!tpu.dma_semaphore, #tpu.memory_space<semaphore_mem>>)
      %dma_wait3A = arith.constant 0 : i32
      %dma_wait3A_116 = arith.constant 0 : i32
      %dma_wait3A_117 = tpu.memref_slice %arg7[%dma_wait3A, %dma_wait3A_116] : memref<125x128xf32, #tpu.memory_space<vmem>> -> memref<48x128xf32, #tpu.memory_space<vmem>>
      %dma_wait3A_118 = arith.constant 0 : i32
      %dma_wait3A_119 = tpu.memref_slice %arg9[%add3A_47, %dma_wait3A_118] : memref<10000x128xf32, #tpu.memory_space<vmem_shared>> -> memref<48x128xf32, #tpu.memory_space<vmem_shared>>
      %dma_wait3A_120 = arith.constant 0 : i32
      %dma_wait3A_121 = tpu.memref_slice %arg9[%add3A_47, %dma_wait3A_120] : memref<10000x128xf32, #tpu.memory_space<vmem_shared>> -> memref<48x128xf32, #tpu.memory_space<vmem_shared>>
      %dma_wait3A_122 = arith.constant 0 : i32
      %dma_wait3A_123 = arith.constant 0 : i32
      %dma_wait3A_124 = tpu.memref_slice %arg7[%dma_wait3A_122, %dma_wait3A_123] : memref<125x128xf32, #tpu.memory_space<vmem>> -> memref<48x128xf32, #tpu.memory_space<vmem>>
      tpu.wait_dma2 semaphore(%run_scoped3A_105 : memref<!tpu.dma_semaphore, #tpu.memory_space<semaphore_mem>>) src(%dma_wait3A_124 : memref<48x128xf32, #tpu.memory_space<vmem>>) dst(%dma_wait3A_121 : memref<48x128xf32, #tpu.memory_space<vmem_shared>>)
      tpu.yield
    }) : () -> ()
    %mul3A_48 = arith.constant 624 : i32
    %mul3A_49 = arith.muli %arg1, %mul3A_48 : i32
    %add3A_50 = arith.constant 384 : i32
    %add3A_51 = arith.addi %mul3A_49, %add3A_50 : i32
    "tpu.region"() ({
      %run_scoped3A_105 = tpu.sem_alloc : memref<!tpu.dma_semaphore, #tpu.memory_space<semaphore_mem>>
      %dma_start3A_106 = arith.constant 0 : i32
      %dma_start3A_107 = arith.constant 0 : i32
      %dma_start3A_108 = tpu.memref_slice %arg7[%dma_start3A_106, %dma_start3A_107] : memref<125x128xf32, #tpu.memory_space<vmem>> -> memref<48x128xf32, #tpu.memory_space<vmem>>
      %dma_start3A_109 = arith.constant 0 : i32
      %dma_start3A_110 = tpu.memref_slice %arg9[%add3A_51, %dma_start3A_109] : memref<10000x128xf32, #tpu.memory_space<vmem_shared>> -> memref<48x128xf32, #tpu.memory_space<vmem_shared>>
      %dma_start3A_111 = arith.constant 0 : i32
      %dma_start3A_112 = tpu.memref_slice %arg9[%add3A_51, %dma_start3A_111] : memref<10000x128xf32, #tpu.memory_space<vmem_shared>> -> memref<48x128xf32, #tpu.memory_space<vmem_shared>>
      %dma_start3A_113 = arith.constant 0 : i32
      %dma_start3A_114 = arith.constant 0 : i32
      %dma_start3A_115 = tpu.memref_slice %arg7[%dma_start3A_113, %dma_start3A_114] : memref<125x128xf32, #tpu.memory_space<vmem>> -> memref<48x128xf32, #tpu.memory_space<vmem>>
      tpu.enqueue_dma source(%dma_start3A_115 : memref<48x128xf32, #tpu.memory_space<vmem>>) target(%dma_start3A_112 : memref<48x128xf32, #tpu.memory_space<vmem_shared>>) target_semaphore(%run_scoped3A_105 : memref<!tpu.dma_semaphore, #tpu.memory_space<semaphore_mem>>)
      %dma_wait3A = arith.constant 0 : i32
      %dma_wait3A_116 = arith.constant 0 : i32
      %dma_wait3A_117 = tpu.memref_slice %arg7[%dma_wait3A, %dma_wait3A_116] : memref<125x128xf32, #tpu.memory_space<vmem>> -> memref<48x128xf32, #tpu.memory_space<vmem>>
      %dma_wait3A_118 = arith.constant 0 : i32
      %dma_wait3A_119 = tpu.memref_slice %arg9[%add3A_51, %dma_wait3A_118] : memref<10000x128xf32, #tpu.memory_space<vmem_shared>> -> memref<48x128xf32, #tpu.memory_space<vmem_shared>>
      %dma_wait3A_120 = arith.constant 0 : i32
      %dma_wait3A_121 = tpu.memref_slice %arg9[%add3A_51, %dma_wait3A_120] : memref<10000x128xf32, #tpu.memory_space<vmem_shared>> -> memref<48x128xf32, #tpu.memory_space<vmem_shared>>
      %dma_wait3A_122 = arith.constant 0 : i32
      %dma_wait3A_123 = arith.constant 0 : i32
      %dma_wait3A_124 = tpu.memref_slice %arg7[%dma_wait3A_122, %dma_wait3A_123] : memref<125x128xf32, #tpu.memory_space<vmem>> -> memref<48x128xf32, #tpu.memory_space<vmem>>
      tpu.wait_dma2 semaphore(%run_scoped3A_105 : memref<!tpu.dma_semaphore, #tpu.memory_space<semaphore_mem>>) src(%dma_wait3A_124 : memref<48x128xf32, #tpu.memory_space<vmem>>) dst(%dma_wait3A_121 : memref<48x128xf32, #tpu.memory_space<vmem_shared>>)
      tpu.yield
    }) : () -> ()
    %mul3A_52 = arith.constant 624 : i32
    %mul3A_53 = arith.muli %arg1, %mul3A_52 : i32
    %add3A_54 = arith.constant 432 : i32
    %add3A_55 = arith.addi %mul3A_53, %add3A_54 : i32
    "tpu.region"() ({
      %run_scoped3A_105 = tpu.sem_alloc : memref<!tpu.dma_semaphore, #tpu.memory_space<semaphore_mem>>
      %dma_start3A_106 = arith.constant 0 : i32
      %dma_start3A_107 = arith.constant 0 : i32
      %dma_start3A_108 = tpu.memref_slice %arg7[%dma_start3A_106, %dma_start3A_107] : memref<125x128xf32, #tpu.memory_space<vmem>> -> memref<48x128xf32, #tpu.memory_space<vmem>>
      %dma_start3A_109 = arith.constant 0 : i32
      %dma_start3A_110 = tpu.memref_slice %arg9[%add3A_55, %dma_start3A_109] : memref<10000x128xf32, #tpu.memory_space<vmem_shared>> -> memref<48x128xf32, #tpu.memory_space<vmem_shared>>
      %dma_start3A_111 = arith.constant 0 : i32
      %dma_start3A_112 = tpu.memref_slice %arg9[%add3A_55, %dma_start3A_111] : memref<10000x128xf32, #tpu.memory_space<vmem_shared>> -> memref<48x128xf32, #tpu.memory_space<vmem_shared>>
      %dma_start3A_113 = arith.constant 0 : i32
      %dma_start3A_114 = arith.constant 0 : i32
      %dma_start3A_115 = tpu.memref_slice %arg7[%dma_start3A_113, %dma_start3A_114] : memref<125x128xf32, #tpu.memory_space<vmem>> -> memref<48x128xf32, #tpu.memory_space<vmem>>
      tpu.enqueue_dma source(%dma_start3A_115 : memref<48x128xf32, #tpu.memory_space<vmem>>) target(%dma_start3A_112 : memref<48x128xf32, #tpu.memory_space<vmem_shared>>) target_semaphore(%run_scoped3A_105 : memref<!tpu.dma_semaphore, #tpu.memory_space<semaphore_mem>>)
      %dma_wait3A = arith.constant 0 : i32
      %dma_wait3A_116 = arith.constant 0 : i32
      %dma_wait3A_117 = tpu.memref_slice %arg7[%dma_wait3A, %dma_wait3A_116] : memref<125x128xf32, #tpu.memory_space<vmem>> -> memref<48x128xf32, #tpu.memory_space<vmem>>
      %dma_wait3A_118 = arith.constant 0 : i32
      %dma_wait3A_119 = tpu.memref_slice %arg9[%add3A_55, %dma_wait3A_118] : memref<10000x128xf32, #tpu.memory_space<vmem_shared>> -> memref<48x128xf32, #tpu.memory_space<vmem_shared>>
      %dma_wait3A_120 = arith.constant 0 : i32
      %dma_wait3A_121 = tpu.memref_slice %arg9[%add3A_55, %dma_wait3A_120] : memref<10000x128xf32, #tpu.memory_space<vmem_shared>> -> memref<48x128xf32, #tpu.memory_space<vmem_shared>>
      %dma_wait3A_122 = arith.constant 0 : i32
      %dma_wait3A_123 = arith.constant 0 : i32
      %dma_wait3A_124 = tpu.memref_slice %arg7[%dma_wait3A_122, %dma_wait3A_123] : memref<125x128xf32, #tpu.memory_space<vmem>> -> memref<48x128xf32, #tpu.memory_space<vmem>>
      tpu.wait_dma2 semaphore(%run_scoped3A_105 : memref<!tpu.dma_semaphore, #tpu.memory_space<semaphore_mem>>) src(%dma_wait3A_124 : memref<48x128xf32, #tpu.memory_space<vmem>>) dst(%dma_wait3A_121 : memref<48x128xf32, #tpu.memory_space<vmem_shared>>)
      tpu.yield
    }) : () -> ()
    %mul3A_56 = arith.constant 624 : i32
    %mul3A_57 = arith.muli %arg1, %mul3A_56 : i32
    %add3A_58 = arith.constant 480 : i32
    %add3A_59 = arith.addi %mul3A_57, %add3A_58 : i32
    "tpu.region"() ({
      %run_scoped3A_105 = tpu.sem_alloc : memref<!tpu.dma_semaphore, #tpu.memory_space<semaphore_mem>>
      %dma_start3A_106 = arith.constant 0 : i32
      %dma_start3A_107 = arith.constant 0 : i32
      %dma_start3A_108 = tpu.memref_slice %arg7[%dma_start3A_106, %dma_start3A_107] : memref<125x128xf32, #tpu.memory_space<vmem>> -> memref<48x128xf32, #tpu.memory_space<vmem>>
      %dma_start3A_109 = arith.constant 0 : i32
      %dma_start3A_110 = tpu.memref_slice %arg9[%add3A_59, %dma_start3A_109] : memref<10000x128xf32, #tpu.memory_space<vmem_shared>> -> memref<48x128xf32, #tpu.memory_space<vmem_shared>>
      %dma_start3A_111 = arith.constant 0 : i32
      %dma_start3A_112 = tpu.memref_slice %arg9[%add3A_59, %dma_start3A_111] : memref<10000x128xf32, #tpu.memory_space<vmem_shared>> -> memref<48x128xf32, #tpu.memory_space<vmem_shared>>
      %dma_start3A_113 = arith.constant 0 : i32
      %dma_start3A_114 = arith.constant 0 : i32
      %dma_start3A_115 = tpu.memref_slice %arg7[%dma_start3A_113, %dma_start3A_114] : memref<125x128xf32, #tpu.memory_space<vmem>> -> memref<48x128xf32, #tpu.memory_space<vmem>>
      tpu.enqueue_dma source(%dma_start3A_115 : memref<48x128xf32, #tpu.memory_space<vmem>>) target(%dma_start3A_112 : memref<48x128xf32, #tpu.memory_space<vmem_shared>>) target_semaphore(%run_scoped3A_105 : memref<!tpu.dma_semaphore, #tpu.memory_space<semaphore_mem>>)
      %dma_wait3A = arith.constant 0 : i32
      %dma_wait3A_116 = arith.constant 0 : i32
      %dma_wait3A_117 = tpu.memref_slice %arg7[%dma_wait3A, %dma_wait3A_116] : memref<125x128xf32, #tpu.memory_space<vmem>> -> memref<48x128xf32, #tpu.memory_space<vmem>>
      %dma_wait3A_118 = arith.constant 0 : i32
      %dma_wait3A_119 = tpu.memref_slice %arg9[%add3A_59, %dma_wait3A_118] : memref<10000x128xf32, #tpu.memory_space<vmem_shared>> -> memref<48x128xf32, #tpu.memory_space<vmem_shared>>
      %dma_wait3A_120 = arith.constant 0 : i32
      %dma_wait3A_121 = tpu.memref_slice %arg9[%add3A_59, %dma_wait3A_120] : memref<10000x128xf32, #tpu.memory_space<vmem_shared>> -> memref<48x128xf32, #tpu.memory_space<vmem_shared>>
      %dma_wait3A_122 = arith.constant 0 : i32
      %dma_wait3A_123 = arith.constant 0 : i32
      %dma_wait3A_124 = tpu.memref_slice %arg7[%dma_wait3A_122, %dma_wait3A_123] : memref<125x128xf32, #tpu.memory_space<vmem>> -> memref<48x128xf32, #tpu.memory_space<vmem>>
      tpu.wait_dma2 semaphore(%run_scoped3A_105 : memref<!tpu.dma_semaphore, #tpu.memory_space<semaphore_mem>>) src(%dma_wait3A_124 : memref<48x128xf32, #tpu.memory_space<vmem>>) dst(%dma_wait3A_121 : memref<48x128xf32, #tpu.memory_space<vmem_shared>>)
      tpu.yield
    }) : () -> ()
    %mul3A_60 = arith.constant 624 : i32
    %mul3A_61 = arith.muli %arg1, %mul3A_60 : i32
    %add3A_62 = arith.constant 528 : i32
    %add3A_63 = arith.addi %mul3A_61, %add3A_62 : i32
    "tpu.region"() ({
      %run_scoped3A_105 = tpu.sem_alloc : memref<!tpu.dma_semaphore, #tpu.memory_space<semaphore_mem>>
      %dma_start3A_106 = arith.constant 0 : i32
      %dma_start3A_107 = arith.constant 0 : i32
      %dma_start3A_108 = tpu.memref_slice %arg7[%dma_start3A_106, %dma_start3A_107] : memref<125x128xf32, #tpu.memory_space<vmem>> -> memref<48x128xf32, #tpu.memory_space<vmem>>
      %dma_start3A_109 = arith.constant 0 : i32
      %dma_start3A_110 = tpu.memref_slice %arg9[%add3A_63, %dma_start3A_109] : memref<10000x128xf32, #tpu.memory_space<vmem_shared>> -> memref<48x128xf32, #tpu.memory_space<vmem_shared>>
      %dma_start3A_111 = arith.constant 0 : i32
      %dma_start3A_112 = tpu.memref_slice %arg9[%add3A_63, %dma_start3A_111] : memref<10000x128xf32, #tpu.memory_space<vmem_shared>> -> memref<48x128xf32, #tpu.memory_space<vmem_shared>>
      %dma_start3A_113 = arith.constant 0 : i32
      %dma_start3A_114 = arith.constant 0 : i32
      %dma_start3A_115 = tpu.memref_slice %arg7[%dma_start3A_113, %dma_start3A_114] : memref<125x128xf32, #tpu.memory_space<vmem>> -> memref<48x128xf32, #tpu.memory_space<vmem>>
      tpu.enqueue_dma source(%dma_start3A_115 : memref<48x128xf32, #tpu.memory_space<vmem>>) target(%dma_start3A_112 : memref<48x128xf32, #tpu.memory_space<vmem_shared>>) target_semaphore(%run_scoped3A_105 : memref<!tpu.dma_semaphore, #tpu.memory_space<semaphore_mem>>)
      %dma_wait3A = arith.constant 0 : i32
      %dma_wait3A_116 = arith.constant 0 : i32
      %dma_wait3A_117 = tpu.memref_slice %arg7[%dma_wait3A, %dma_wait3A_116] : memref<125x128xf32, #tpu.memory_space<vmem>> -> memref<48x128xf32, #tpu.memory_space<vmem>>
      %dma_wait3A_118 = arith.constant 0 : i32
      %dma_wait3A_119 = tpu.memref_slice %arg9[%add3A_63, %dma_wait3A_118] : memref<10000x128xf32, #tpu.memory_space<vmem_shared>> -> memref<48x128xf32, #tpu.memory_space<vmem_shared>>
      %dma_wait3A_120 = arith.constant 0 : i32
      %dma_wait3A_121 = tpu.memref_slice %arg9[%add3A_63, %dma_wait3A_120] : memref<10000x128xf32, #tpu.memory_space<vmem_shared>> -> memref<48x128xf32, #tpu.memory_space<vmem_shared>>
      %dma_wait3A_122 = arith.constant 0 : i32
      %dma_wait3A_123 = arith.constant 0 : i32
      %dma_wait3A_124 = tpu.memref_slice %arg7[%dma_wait3A_122, %dma_wait3A_123] : memref<125x128xf32, #tpu.memory_space<vmem>> -> memref<48x128xf32, #tpu.memory_space<vmem>>
      tpu.wait_dma2 semaphore(%run_scoped3A_105 : memref<!tpu.dma_semaphore, #tpu.memory_space<semaphore_mem>>) src(%dma_wait3A_124 : memref<48x128xf32, #tpu.memory_space<vmem>>) dst(%dma_wait3A_121 : memref<48x128xf32, #tpu.memory_space<vmem_shared>>)
      tpu.yield
    }) : () -> ()
    %mul3A_64 = arith.constant 624 : i32
    %mul3A_65 = arith.muli %arg1, %mul3A_64 : i32
    %add3A_66 = arith.constant 576 : i32
    %add3A_67 = arith.addi %mul3A_65, %add3A_66 : i32
    "tpu.region"() ({
      %run_scoped3A_105 = tpu.sem_alloc : memref<!tpu.dma_semaphore, #tpu.memory_space<semaphore_mem>>
      %dma_start3A_106 = arith.constant 0 : i32
      %dma_start3A_107 = arith.constant 0 : i32
      %dma_start3A_108 = tpu.memref_slice %arg7[%dma_start3A_106, %dma_start3A_107] : memref<125x128xf32, #tpu.memory_space<vmem>> -> memref<48x128xf32, #tpu.memory_space<vmem>>
      %dma_start3A_109 = arith.constant 0 : i32
      %dma_start3A_110 = tpu.memref_slice %arg9[%add3A_67, %dma_start3A_109] : memref<10000x128xf32, #tpu.memory_space<vmem_shared>> -> memref<48x128xf32, #tpu.memory_space<vmem_shared>>
      %dma_start3A_111 = arith.constant 0 : i32
      %dma_start3A_112 = tpu.memref_slice %arg9[%add3A_67, %dma_start3A_111] : memref<10000x128xf32, #tpu.memory_space<vmem_shared>> -> memref<48x128xf32, #tpu.memory_space<vmem_shared>>
      %dma_start3A_113 = arith.constant 0 : i32
      %dma_start3A_114 = arith.constant 0 : i32
      %dma_start3A_115 = tpu.memref_slice %arg7[%dma_start3A_113, %dma_start3A_114] : memref<125x128xf32, #tpu.memory_space<vmem>> -> memref<48x128xf32, #tpu.memory_space<vmem>>
      tpu.enqueue_dma source(%dma_start3A_115 : memref<48x128xf32, #tpu.memory_space<vmem>>) target(%dma_start3A_112 : memref<48x128xf32, #tpu.memory_space<vmem_shared>>) target_semaphore(%run_scoped3A_105 : memref<!tpu.dma_semaphore, #tpu.memory_space<semaphore_mem>>)
      %dma_wait3A = arith.constant 0 : i32
      %dma_wait3A_116 = arith.constant 0 : i32
      %dma_wait3A_117 = tpu.memref_slice %arg7[%dma_wait3A, %dma_wait3A_116] : memref<125x128xf32, #tpu.memory_space<vmem>> -> memref<48x128xf32, #tpu.memory_space<vmem>>
      %dma_wait3A_118 = arith.constant 0 : i32
      %dma_wait3A_119 = tpu.memref_slice %arg9[%add3A_67, %dma_wait3A_118] : memref<10000x128xf32, #tpu.memory_space<vmem_shared>> -> memref<48x128xf32, #tpu.memory_space<vmem_shared>>
      %dma_wait3A_120 = arith.constant 0 : i32
      %dma_wait3A_121 = tpu.memref_slice %arg9[%add3A_67, %dma_wait3A_120] : memref<10000x128xf32, #tpu.memory_space<vmem_shared>> -> memref<48x128xf32, #tpu.memory_space<vmem_shared>>
      %dma_wait3A_122 = arith.constant 0 : i32
      %dma_wait3A_123 = arith.constant 0 : i32
      %dma_wait3A_124 = tpu.memref_slice %arg7[%dma_wait3A_122, %dma_wait3A_123] : memref<125x128xf32, #tpu.memory_space<vmem>> -> memref<48x128xf32, #tpu.memory_space<vmem>>
      tpu.wait_dma2 semaphore(%run_scoped3A_105 : memref<!tpu.dma_semaphore, #tpu.memory_space<semaphore_mem>>) src(%dma_wait3A_124 : memref<48x128xf32, #tpu.memory_space<vmem>>) dst(%dma_wait3A_121 : memref<48x128xf32, #tpu.memory_space<vmem_shared>>)
      tpu.yield
    }) : () -> ()
    %eq3A = arith.constant 15 : i32
    %eq3A_68 = arith.cmpi eq, %arg1, %eq3A : i32
    %convert_element_type3A = arith.extui %eq3A_68 : i1 to i32
    %cond3A = arith.constant 0 : i32
    %cond3A_69 = arith.cmpi ne, %convert_element_type3A, %cond3A : i32
    scf.if %cond3A_69 {
      "tpu.region"() ({
        %run_scoped3A_105 = tpu.sem_alloc : memref<!tpu.dma_semaphore, #tpu.memory_space<semaphore_mem>>
        %dma_start3A_106 = arith.constant 0 : i32
        %dma_start3A_107 = arith.constant 0 : i32
        %dma_start3A_108 = tpu.memref_slice %arg7[%dma_start3A_106, %dma_start3A_107] : memref<125x128xf32, #tpu.memory_space<vmem>> -> memref<16x128xf32, #tpu.memory_space<vmem>>
        %dma_start3A_109 = arith.constant 9984 : i32
        %dma_start3A_110 = arith.constant 0 : i32
        %dma_start3A_111 = tpu.memref_slice %arg9[%dma_start3A_109, %dma_start3A_110] : memref<10000x128xf32, #tpu.memory_space<vmem_shared>> -> memref<16x128xf32, #tpu.memory_space<vmem_shared>>
        %dma_start3A_112 = arith.constant 9984 : i32
        %dma_start3A_113 = arith.constant 0 : i32
        %dma_start3A_114 = tpu.memref_slice %arg9[%dma_start3A_112, %dma_start3A_113] : memref<10000x128xf32, #tpu.memory_space<vmem_shared>> -> memref<16x128xf32, #tpu.memory_space<vmem_shared>>
        %dma_start3A_115 = arith.constant 0 : i32
        %dma_start3A_116 = arith.constant 0 : i32
        %dma_start3A_117 = tpu.memref_slice %arg7[%dma_start3A_115, %dma_start3A_116] : memref<125x128xf32, #tpu.memory_space<vmem>> -> memref<16x128xf32, #tpu.memory_space<vmem>>
        tpu.enqueue_dma source(%dma_start3A_117 : memref<16x128xf32, #tpu.memory_space<vmem>>) target(%dma_start3A_114 : memref<16x128xf32, #tpu.memory_space<vmem_shared>>) target_semaphore(%run_scoped3A_105 : memref<!tpu.dma_semaphore, #tpu.memory_space<semaphore_mem>>)
        %dma_wait3A = arith.constant 0 : i32
        %dma_wait3A_118 = arith.constant 0 : i32
        %dma_wait3A_119 = tpu.memref_slice %arg7[%dma_wait3A, %dma_wait3A_118] : memref<125x128xf32, #tpu.memory_space<vmem>> -> memref<16x128xf32, #tpu.memory_space<vmem>>
        %dma_wait3A_120 = arith.constant 9984 : i32
        %dma_wait3A_121 = arith.constant 0 : i32
        %dma_wait3A_122 = tpu.memref_slice %arg9[%dma_wait3A_120, %dma_wait3A_121] : memref<10000x128xf32, #tpu.memory_space<vmem_shared>> -> memref<16x128xf32, #tpu.memory_space<vmem_shared>>
        %dma_wait3A_123 = arith.constant 9984 : i32
        %dma_wait3A_124 = arith.constant 0 : i32
        %dma_wait3A_125 = tpu.memref_slice %arg9[%dma_wait3A_123, %dma_wait3A_124] : memref<10000x128xf32, #tpu.memory_space<vmem_shared>> -> memref<16x128xf32, #tpu.memory_space<vmem_shared>>
        %dma_wait3A_126 = arith.constant 0 : i32
        %dma_wait3A_127 = arith.constant 0 : i32
        %dma_wait3A_128 = tpu.memref_slice %arg7[%dma_wait3A_126, %dma_wait3A_127] : memref<125x128xf32, #tpu.memory_space<vmem>> -> memref<16x128xf32, #tpu.memory_space<vmem>>
        tpu.wait_dma2 semaphore(%run_scoped3A_105 : memref<!tpu.dma_semaphore, #tpu.memory_space<semaphore_mem>>) src(%dma_wait3A_128 : memref<16x128xf32, #tpu.memory_space<vmem>>) dst(%dma_wait3A_125 : memref<16x128xf32, #tpu.memory_space<vmem_shared>>)
        tpu.yield
      }) : () -> ()
    } else {
    }
    %barrier3A = arith.constant 0 : index
    tpu.barrier barrier_id(%barrier3A)
    %scan3A_70 = arith.constant 0 : i32
    %scan3A_71 = arith.constant 0 : i32
    %scan3A_72 = arith.constant 20 : i32
    %scan3A_73 = arith.addi %scan3A_71, %scan3A_72 : i32
    %scan3A_74 = arith.constant 1 : i32
    %scan3A_75 = scf.for %scan3A_105 = %scan3A_71 to %scan3A_73 step %scan3A_74 iter_args(%scan3A_106 = %scan3A_70) -> (i32)  : i32 {
      %mul3A_107 = arith.constant 2 : i32
      %mul3A_108 = arith.muli %scan3A_105, %mul3A_107 : i32
      %add3A_109 = arith.constant 1 : i32
      %add3A_110 = arith.addi %mul3A_108, %add3A_109 : i32
      %dma_start3A_111 = arith.constant 0 : i32
      %dma_start3A_112 = tpu.memref_slice %arg5[%add3A_110, %dma_start3A_111] : memref<40x125xi32, #tpu.memory_space<vmem>> -> memref<1x125xi32, #tpu.memory_space<vmem>>
      %dma_start3A_113 = tpu.memref_squeeze %dma_start3A_112 : memref<1x125xi32, #tpu.memory_space<vmem>> -> memref<125xi32, #tpu.memory_space<vmem>>
      %dma_start3A_114 = arith.constant 0 : i32
      %dma_start3A_115 = arith.constant 0 : i32
      %dma_start3A_116 = tpu.memref_slice %arg2[%dma_start3A_114, %dma_start3A_115] : memref<10000x128xf32, #tpu.memory_space<hbm>> -> memref<10000x128xf32, #tpu.memory_space<hbm>>
      tpu.enqueue_indirect_dma source(%dma_start3A_116 : memref<10000x128xf32, #tpu.memory_space<hbm>>) target(%arg7 : memref<125x128xf32, #tpu.memory_space<vmem>>) offsets(%dma_start3A_113 : memref<125xi32, #tpu.memory_space<vmem>>) semaphore(%arg10 : memref<!tpu.dma_semaphore, #tpu.memory_space<semaphore_mem>>)
      %dma_wait3A = arith.constant 0 : i32
      %dma_wait3A_117 = tpu.memref_slice %arg5[%mul3A_108, %dma_wait3A] : memref<40x125xi32, #tpu.memory_space<vmem>> -> memref<1x125xi32, #tpu.memory_space<vmem>>
      %dma_wait3A_118 = tpu.memref_squeeze %dma_wait3A_117 : memref<1x125xi32, #tpu.memory_space<vmem>> -> memref<125xi32, #tpu.memory_space<vmem>>
      %dma_wait3A_119 = arith.constant 0 : i32
      %dma_wait3A_120 = arith.constant 0 : i32
      %dma_wait3A_121 = tpu.memref_slice %arg2[%dma_wait3A_119, %dma_wait3A_120] : memref<10000x128xf32, #tpu.memory_space<hbm>> -> memref<10000x128xf32, #tpu.memory_space<hbm>>
      tpu.wait_indirect_dma semaphore(%arg11 : memref<!tpu.dma_semaphore, #tpu.memory_space<semaphore_mem>>) src(%dma_wait3A_121 : memref<10000x128xf32, #tpu.memory_space<hbm>>) dst(%arg8 : memref<125x128xf32, #tpu.memory_space<vmem>>)
      "tpu.region"() ({
        %run_scoped3A_137 = tpu.sem_alloc : memref<!tpu.dma_semaphore, #tpu.memory_space<semaphore_mem>>
        %dma_start3A_138 = arith.constant 0 : i32
        %dma_start3A_139 = tpu.memref_slice %arg6[%mul3A_108, %dma_start3A_138] : memref<40x125xi32, #tpu.memory_space<vmem>> -> memref<1x125xi32, #tpu.memory_space<vmem>>
        %dma_start3A_140 = tpu.memref_squeeze %dma_start3A_139 : memref<1x125xi32, #tpu.memory_space<vmem>> -> memref<125xi32, #tpu.memory_space<vmem>>
        %dma_start3A_141 = arith.constant 0 : i32
        %dma_start3A_142 = arith.constant 0 : i32
        %dma_start3A_143 = tpu.memref_slice %arg9[%dma_start3A_141, %dma_start3A_142] : memref<10000x128xf32, #tpu.memory_space<vmem_shared>> -> memref<10000x128xf32, #tpu.memory_space<vmem_shared>>
        tpu.enqueue_indirect_dma source(%arg8 : memref<125x128xf32, #tpu.memory_space<vmem>>) target(%dma_start3A_143 : memref<10000x128xf32, #tpu.memory_space<vmem_shared>>) offsets(%dma_start3A_140 : memref<125xi32, #tpu.memory_space<vmem>>) semaphore(%run_scoped3A_137 : memref<!tpu.dma_semaphore, #tpu.memory_space<semaphore_mem>>) {add = true}
        %dma_wait3A_144 = arith.constant 0 : i32
        %dma_wait3A_145 = tpu.memref_slice %arg6[%mul3A_108, %dma_wait3A_144] : memref<40x125xi32, #tpu.memory_space<vmem>> -> memref<1x125xi32, #tpu.memory_space<vmem>>
        %dma_wait3A_146 = tpu.memref_squeeze %dma_wait3A_145 : memref<1x125xi32, #tpu.memory_space<vmem>> -> memref<125xi32, #tpu.memory_space<vmem>>
        %dma_wait3A_147 = arith.constant 0 : i32
        %dma_wait3A_148 = arith.constant 0 : i32
        %dma_wait3A_149 = tpu.memref_slice %arg9[%dma_wait3A_147, %dma_wait3A_148] : memref<10000x128xf32, #tpu.memory_space<vmem_shared>> -> memref<10000x128xf32, #tpu.memory_space<vmem_shared>>
        tpu.wait_indirect_dma semaphore(%run_scoped3A_137 : memref<!tpu.dma_semaphore, #tpu.memory_space<semaphore_mem>>) src(%arg8 : memref<125x128xf32, #tpu.memory_space<vmem>>) dst(%dma_wait3A_149 : memref<10000x128xf32, #tpu.memory_space<vmem_shared>>)
        tpu.yield
      }) : () -> ()
      %lt3A = arith.constant 19 : i32
      %lt3A_122 = arith.cmpi slt, %scan3A_105, %lt3A : i32
      %convert_element_type3A_123 = arith.extui %lt3A_122 : i1 to i32
      %cond3A_124 = arith.constant 0 : i32
      %cond3A_125 = arith.cmpi ne, %convert_element_type3A_123, %cond3A_124 : i32
      scf.if %cond3A_125 {
        %add3A_137 = arith.constant 2 : i32
        %add3A_138 = arith.addi %mul3A_108, %add3A_137 : i32
        %dma_start3A_139 = arith.constant 0 : i32
        %dma_start3A_140 = tpu.memref_slice %arg5[%add3A_138, %dma_start3A_139] : memref<40x125xi32, #tpu.memory_space<vmem>> -> memref<1x125xi32, #tpu.memory_space<vmem>>
        %dma_start3A_141 = tpu.memref_squeeze %dma_start3A_140 : memref<1x125xi32, #tpu.memory_space<vmem>> -> memref<125xi32, #tpu.memory_space<vmem>>
        %dma_start3A_142 = arith.constant 0 : i32
        %dma_start3A_143 = arith.constant 0 : i32
        %dma_start3A_144 = tpu.memref_slice %arg2[%dma_start3A_142, %dma_start3A_143] : memref<10000x128xf32, #tpu.memory_space<hbm>> -> memref<10000x128xf32, #tpu.memory_space<hbm>>
        tpu.enqueue_indirect_dma source(%dma_start3A_144 : memref<10000x128xf32, #tpu.memory_space<hbm>>) target(%arg8 : memref<125x128xf32, #tpu.memory_space<vmem>>) offsets(%dma_start3A_141 : memref<125xi32, #tpu.memory_space<vmem>>) semaphore(%arg11 : memref<!tpu.dma_semaphore, #tpu.memory_space<semaphore_mem>>)
      } else {
      }
      %add3A_126 = arith.constant 1 : i32
      %add3A_127 = arith.addi %mul3A_108, %add3A_126 : i32
      %dma_wait3A_128 = arith.constant 0 : i32
      %dma_wait3A_129 = tpu.memref_slice %arg5[%add3A_127, %dma_wait3A_128] : memref<40x125xi32, #tpu.memory_space<vmem>> -> memref<1x125xi32, #tpu.memory_space<vmem>>
      %dma_wait3A_130 = tpu.memref_squeeze %dma_wait3A_129 : memref<1x125xi32, #tpu.memory_space<vmem>> -> memref<125xi32, #tpu.memory_space<vmem>>
      %dma_wait3A_131 = arith.constant 0 : i32
      %dma_wait3A_132 = arith.constant 0 : i32
      %dma_wait3A_133 = tpu.memref_slice %arg2[%dma_wait3A_131, %dma_wait3A_132] : memref<10000x128xf32, #tpu.memory_space<hbm>> -> memref<10000x128xf32, #tpu.memory_space<hbm>>
      tpu.wait_indirect_dma semaphore(%arg10 : memref<!tpu.dma_semaphore, #tpu.memory_space<semaphore_mem>>) src(%dma_wait3A_133 : memref<10000x128xf32, #tpu.memory_space<hbm>>) dst(%arg7 : memref<125x128xf32, #tpu.memory_space<vmem>>)
      %add3A_134 = arith.constant 1 : i32
      %add3A_135 = arith.addi %mul3A_108, %add3A_134 : i32
      "tpu.region"() ({
        %run_scoped3A_137 = tpu.sem_alloc : memref<!tpu.dma_semaphore, #tpu.memory_space<semaphore_mem>>
        %dma_start3A_138 = arith.constant 0 : i32
        %dma_start3A_139 = tpu.memref_slice %arg6[%add3A_135, %dma_start3A_138] : memref<40x125xi32, #tpu.memory_space<vmem>> -> memref<1x125xi32, #tpu.memory_space<vmem>>
        %dma_start3A_140 = tpu.memref_squeeze %dma_start3A_139 : memref<1x125xi32, #tpu.memory_space<vmem>> -> memref<125xi32, #tpu.memory_space<vmem>>
        %dma_start3A_141 = arith.constant 0 : i32
        %dma_start3A_142 = arith.constant 0 : i32
        %dma_start3A_143 = tpu.memref_slice %arg9[%dma_start3A_141, %dma_start3A_142] : memref<10000x128xf32, #tpu.memory_space<vmem_shared>> -> memref<10000x128xf32, #tpu.memory_space<vmem_shared>>
        tpu.enqueue_indirect_dma source(%arg7 : memref<125x128xf32, #tpu.memory_space<vmem>>) target(%dma_start3A_143 : memref<10000x128xf32, #tpu.memory_space<vmem_shared>>) offsets(%dma_start3A_140 : memref<125xi32, #tpu.memory_space<vmem>>) semaphore(%run_scoped3A_137 : memref<!tpu.dma_semaphore, #tpu.memory_space<semaphore_mem>>) {add = true}
        %dma_wait3A_144 = arith.constant 0 : i32
        %dma_wait3A_145 = tpu.memref_slice %arg6[%add3A_135, %dma_wait3A_144] : memref<40x125xi32, #tpu.memory_space<vmem>> -> memref<1x125xi32, #tpu.memory_space<vmem>>
        %dma_wait3A_146 = tpu.memref_squeeze %dma_wait3A_145 : memref<1x125xi32, #tpu.memory_space<vmem>> -> memref<125xi32, #tpu.memory_space<vmem>>
        %dma_wait3A_147 = arith.constant 0 : i32
        %dma_wait3A_148 = arith.constant 0 : i32
        %dma_wait3A_149 = tpu.memref_slice %arg9[%dma_wait3A_147, %dma_wait3A_148] : memref<10000x128xf32, #tpu.memory_space<vmem_shared>> -> memref<10000x128xf32, #tpu.memory_space<vmem_shared>>
        tpu.wait_indirect_dma semaphore(%run_scoped3A_137 : memref<!tpu.dma_semaphore, #tpu.memory_space<semaphore_mem>>) src(%arg7 : memref<125x128xf32, #tpu.memory_space<vmem>>) dst(%dma_wait3A_149 : memref<10000x128xf32, #tpu.memory_space<vmem_shared>>)
        tpu.yield
      }) : () -> ()
      %scan3A_136 = arith.constant 0 : i32
      scf.yield %scan3A_136 : i32
    }
    %scan3A_76 = arith.constant 20 : i32
    %run_scoped3A_77 = arith.constant 0 : i32
    %run_scoped3A_78 = arith.constant 1 : i32
    "tpu.region"() ({
      %run_scoped3A_105 = tpu.sem_alloc : memref<!tpu.dma_semaphore, #tpu.memory_space<semaphore_mem>>
      %dma_start3A_106 = arith.constant 0 : i32
      %dma_start3A_107 = arith.constant 0 : i32
      %dma_start3A_108 = tpu.memref_slice %arg3[%run_scoped3A_77, %add3A, %run_scoped3A_78, %dma_start3A_106, %dma_start3A_107] : memref<2x32x2x40x125xi32, #tpu.memory_space<hbm>> -> memref<1x1x1x40x125xi32, #tpu.memory_space<hbm>>
      %dma_start3A_109 = tpu.memref_squeeze %dma_start3A_108 : memref<1x1x1x40x125xi32, #tpu.memory_space<hbm>> -> memref<40x125xi32, #tpu.memory_space<hbm>>
      %dma_start3A_110 = arith.constant 0 : i32
      %dma_start3A_111 = arith.constant 0 : i32
      %dma_start3A_112 = tpu.memref_slice %arg3[%run_scoped3A_77, %add3A, %run_scoped3A_78, %dma_start3A_110, %dma_start3A_111] : memref<2x32x2x40x125xi32, #tpu.memory_space<hbm>> -> memref<1x1x1x40x125xi32, #tpu.memory_space<hbm>>
      %dma_start3A_113 = tpu.memref_squeeze %dma_start3A_112 : memref<1x1x1x40x125xi32, #tpu.memory_space<hbm>> -> memref<40x125xi32, #tpu.memory_space<hbm>>
      tpu.enqueue_dma source(%dma_start3A_113 : memref<40x125xi32, #tpu.memory_space<hbm>>) target(%arg5 : memref<40x125xi32, #tpu.memory_space<vmem>>) target_semaphore(%run_scoped3A_105 : memref<!tpu.dma_semaphore, #tpu.memory_space<semaphore_mem>>)
      %dma_wait3A = arith.constant 0 : i32
      %dma_wait3A_114 = arith.constant 0 : i32
      %dma_wait3A_115 = tpu.memref_slice %arg3[%run_scoped3A_77, %add3A, %run_scoped3A_78, %dma_wait3A, %dma_wait3A_114] : memref<2x32x2x40x125xi32, #tpu.memory_space<hbm>> -> memref<1x1x1x40x125xi32, #tpu.memory_space<hbm>>
      %dma_wait3A_116 = tpu.memref_squeeze %dma_wait3A_115 : memref<1x1x1x40x125xi32, #tpu.memory_space<hbm>> -> memref<40x125xi32, #tpu.memory_space<hbm>>
      %dma_wait3A_117 = arith.constant 0 : i32
      %dma_wait3A_118 = arith.constant 0 : i32
      %dma_wait3A_119 = tpu.memref_slice %arg3[%run_scoped3A_77, %add3A, %run_scoped3A_78, %dma_wait3A_117, %dma_wait3A_118] : memref<2x32x2x40x125xi32, #tpu.memory_space<hbm>> -> memref<1x1x1x40x125xi32, #tpu.memory_space<hbm>>
      %dma_wait3A_120 = tpu.memref_squeeze %dma_wait3A_119 : memref<1x1x1x40x125xi32, #tpu.memory_space<hbm>> -> memref<40x125xi32, #tpu.memory_space<hbm>>
      tpu.wait_dma2 semaphore(%run_scoped3A_105 : memref<!tpu.dma_semaphore, #tpu.memory_space<semaphore_mem>>) src(%dma_wait3A_120 : memref<40x125xi32, #tpu.memory_space<hbm>>) dst(%arg5 : memref<40x125xi32, #tpu.memory_space<vmem>>)
      tpu.yield
    }) : () -> ()
    %run_scoped3A_79 = arith.constant 1 : i32
    %run_scoped3A_80 = arith.constant 1 : i32
    "tpu.region"() ({
      %run_scoped3A_105 = tpu.sem_alloc : memref<!tpu.dma_semaphore, #tpu.memory_space<semaphore_mem>>
      %dma_start3A_106 = arith.constant 0 : i32
      %dma_start3A_107 = arith.constant 0 : i32
      %dma_start3A_108 = tpu.memref_slice %arg3[%run_scoped3A_79, %add3A, %run_scoped3A_80, %dma_start3A_106, %dma_start3A_107] : memref<2x32x2x40x125xi32, #tpu.memory_space<hbm>> -> memref<1x1x1x40x125xi32, #tpu.memory_space<hbm>>
      %dma_start3A_109 = tpu.memref_squeeze %dma_start3A_108 : memref<1x1x1x40x125xi32, #tpu.memory_space<hbm>> -> memref<40x125xi32, #tpu.memory_space<hbm>>
      %dma_start3A_110 = arith.constant 0 : i32
      %dma_start3A_111 = arith.constant 0 : i32
      %dma_start3A_112 = tpu.memref_slice %arg3[%run_scoped3A_79, %add3A, %run_scoped3A_80, %dma_start3A_110, %dma_start3A_111] : memref<2x32x2x40x125xi32, #tpu.memory_space<hbm>> -> memref<1x1x1x40x125xi32, #tpu.memory_space<hbm>>
      %dma_start3A_113 = tpu.memref_squeeze %dma_start3A_112 : memref<1x1x1x40x125xi32, #tpu.memory_space<hbm>> -> memref<40x125xi32, #tpu.memory_space<hbm>>
      tpu.enqueue_dma source(%dma_start3A_113 : memref<40x125xi32, #tpu.memory_space<hbm>>) target(%arg6 : memref<40x125xi32, #tpu.memory_space<vmem>>) target_semaphore(%run_scoped3A_105 : memref<!tpu.dma_semaphore, #tpu.memory_space<semaphore_mem>>)
      %dma_wait3A = arith.constant 0 : i32
      %dma_wait3A_114 = arith.constant 0 : i32
      %dma_wait3A_115 = tpu.memref_slice %arg3[%run_scoped3A_79, %add3A, %run_scoped3A_80, %dma_wait3A, %dma_wait3A_114] : memref<2x32x2x40x125xi32, #tpu.memory_space<hbm>> -> memref<1x1x1x40x125xi32, #tpu.memory_space<hbm>>
      %dma_wait3A_116 = tpu.memref_squeeze %dma_wait3A_115 : memref<1x1x1x40x125xi32, #tpu.memory_space<hbm>> -> memref<40x125xi32, #tpu.memory_space<hbm>>
      %dma_wait3A_117 = arith.constant 0 : i32
      %dma_wait3A_118 = arith.constant 0 : i32
      %dma_wait3A_119 = tpu.memref_slice %arg3[%run_scoped3A_79, %add3A, %run_scoped3A_80, %dma_wait3A_117, %dma_wait3A_118] : memref<2x32x2x40x125xi32, #tpu.memory_space<hbm>> -> memref<1x1x1x40x125xi32, #tpu.memory_space<hbm>>
      %dma_wait3A_120 = tpu.memref_squeeze %dma_wait3A_119 : memref<1x1x1x40x125xi32, #tpu.memory_space<hbm>> -> memref<40x125xi32, #tpu.memory_space<hbm>>
      tpu.wait_dma2 semaphore(%run_scoped3A_105 : memref<!tpu.dma_semaphore, #tpu.memory_space<semaphore_mem>>) src(%dma_wait3A_120 : memref<40x125xi32, #tpu.memory_space<hbm>>) dst(%arg6 : memref<40x125xi32, #tpu.memory_space<vmem>>)
      tpu.yield
    }) : () -> ()
    %dma_start3A_81 = arith.constant 0 : i32
    %dma_start3A_82 = arith.constant 0 : i32
    %dma_start3A_83 = tpu.memref_slice %arg5[%dma_start3A_81, %dma_start3A_82] : memref<40x125xi32, #tpu.memory_space<vmem>> -> memref<1x125xi32, #tpu.memory_space<vmem>>
    %dma_start3A_84 = tpu.memref_squeeze %dma_start3A_83 : memref<1x125xi32, #tpu.memory_space<vmem>> -> memref<125xi32, #tpu.memory_space<vmem>>
    %dma_start3A_85 = arith.constant 0 : i32
    %dma_start3A_86 = arith.constant 0 : i32
    %dma_start3A_87 = tpu.memref_slice %arg2[%dma_start3A_85, %dma_start3A_86] : memref<10000x128xf32, #tpu.memory_space<hbm>> -> memref<10000x128xf32, #tpu.memory_space<hbm>>
    tpu.enqueue_indirect_dma source(%dma_start3A_87 : memref<10000x128xf32, #tpu.memory_space<hbm>>) target(%arg8 : memref<125x128xf32, #tpu.memory_space<vmem>>) offsets(%dma_start3A_84 : memref<125xi32, #tpu.memory_space<vmem>>) semaphore(%arg11 : memref<!tpu.dma_semaphore, #tpu.memory_space<semaphore_mem>>)
    %scan3A_88 = arith.constant 0 : i32
    %scan3A_89 = arith.constant 0 : i32
    %scan3A_90 = arith.constant 20 : i32
    %scan3A_91 = arith.addi %scan3A_89, %scan3A_90 : i32
    %scan3A_92 = arith.constant 1 : i32
    %scan3A_93 = scf.for %scan3A_105 = %scan3A_89 to %scan3A_91 step %scan3A_92 iter_args(%scan3A_106 = %scan3A_88) -> (i32)  : i32 {
      %mul3A_107 = arith.constant 2 : i32
      %mul3A_108 = arith.muli %scan3A_105, %mul3A_107 : i32
      %add3A_109 = arith.constant 1 : i32
      %add3A_110 = arith.addi %mul3A_108, %add3A_109 : i32
      %dma_start3A_111 = arith.constant 0 : i32
      %dma_start3A_112 = tpu.memref_slice %arg5[%add3A_110, %dma_start3A_111] : memref<40x125xi32, #tpu.memory_space<vmem>> -> memref<1x125xi32, #tpu.memory_space<vmem>>
      %dma_start3A_113 = tpu.memref_squeeze %dma_start3A_112 : memref<1x125xi32, #tpu.memory_space<vmem>> -> memref<125xi32, #tpu.memory_space<vmem>>
      %dma_start3A_114 = arith.constant 0 : i32
      %dma_start3A_115 = arith.constant 0 : i32
      %dma_start3A_116 = tpu.memref_slice %arg2[%dma_start3A_114, %dma_start3A_115] : memref<10000x128xf32, #tpu.memory_space<hbm>> -> memref<10000x128xf32, #tpu.memory_space<hbm>>
      tpu.enqueue_indirect_dma source(%dma_start3A_116 : memref<10000x128xf32, #tpu.memory_space<hbm>>) target(%arg7 : memref<125x128xf32, #tpu.memory_space<vmem>>) offsets(%dma_start3A_113 : memref<125xi32, #tpu.memory_space<vmem>>) semaphore(%arg10 : memref<!tpu.dma_semaphore, #tpu.memory_space<semaphore_mem>>)
      %dma_wait3A = arith.constant 0 : i32
      %dma_wait3A_117 = tpu.memref_slice %arg5[%mul3A_108, %dma_wait3A] : memref<40x125xi32, #tpu.memory_space<vmem>> -> memref<1x125xi32, #tpu.memory_space<vmem>>
      %dma_wait3A_118 = tpu.memref_squeeze %dma_wait3A_117 : memref<1x125xi32, #tpu.memory_space<vmem>> -> memref<125xi32, #tpu.memory_space<vmem>>
      %dma_wait3A_119 = arith.constant 0 : i32
      %dma_wait3A_120 = arith.constant 0 : i32
      %dma_wait3A_121 = tpu.memref_slice %arg2[%dma_wait3A_119, %dma_wait3A_120] : memref<10000x128xf32, #tpu.memory_space<hbm>> -> memref<10000x128xf32, #tpu.memory_space<hbm>>
      tpu.wait_indirect_dma semaphore(%arg11 : memref<!tpu.dma_semaphore, #tpu.memory_space<semaphore_mem>>) src(%dma_wait3A_121 : memref<10000x128xf32, #tpu.memory_space<hbm>>) dst(%arg8 : memref<125x128xf32, #tpu.memory_space<vmem>>)
      "tpu.region"() ({
        %run_scoped3A_137 = tpu.sem_alloc : memref<!tpu.dma_semaphore, #tpu.memory_space<semaphore_mem>>
        %dma_start3A_138 = arith.constant 0 : i32
        %dma_start3A_139 = tpu.memref_slice %arg6[%mul3A_108, %dma_start3A_138] : memref<40x125xi32, #tpu.memory_space<vmem>> -> memref<1x125xi32, #tpu.memory_space<vmem>>
        %dma_start3A_140 = tpu.memref_squeeze %dma_start3A_139 : memref<1x125xi32, #tpu.memory_space<vmem>> -> memref<125xi32, #tpu.memory_space<vmem>>
        %dma_start3A_141 = arith.constant 0 : i32
        %dma_start3A_142 = arith.constant 0 : i32
        %dma_start3A_143 = tpu.memref_slice %arg9[%dma_start3A_141, %dma_start3A_142] : memref<10000x128xf32, #tpu.memory_space<vmem_shared>> -> memref<10000x128xf32, #tpu.memory_space<vmem_shared>>
        tpu.enqueue_indirect_dma source(%arg8 : memref<125x128xf32, #tpu.memory_space<vmem>>) target(%dma_start3A_143 : memref<10000x128xf32, #tpu.memory_space<vmem_shared>>) offsets(%dma_start3A_140 : memref<125xi32, #tpu.memory_space<vmem>>) semaphore(%run_scoped3A_137 : memref<!tpu.dma_semaphore, #tpu.memory_space<semaphore_mem>>) {add = true}
        %dma_wait3A_144 = arith.constant 0 : i32
        %dma_wait3A_145 = tpu.memref_slice %arg6[%mul3A_108, %dma_wait3A_144] : memref<40x125xi32, #tpu.memory_space<vmem>> -> memref<1x125xi32, #tpu.memory_space<vmem>>
        %dma_wait3A_146 = tpu.memref_squeeze %dma_wait3A_145 : memref<1x125xi32, #tpu.memory_space<vmem>> -> memref<125xi32, #tpu.memory_space<vmem>>
        %dma_wait3A_147 = arith.constant 0 : i32
        %dma_wait3A_148 = arith.constant 0 : i32
        %dma_wait3A_149 = tpu.memref_slice %arg9[%dma_wait3A_147, %dma_wait3A_148] : memref<10000x128xf32, #tpu.memory_space<vmem_shared>> -> memref<10000x128xf32, #tpu.memory_space<vmem_shared>>
        tpu.wait_indirect_dma semaphore(%run_scoped3A_137 : memref<!tpu.dma_semaphore, #tpu.memory_space<semaphore_mem>>) src(%arg8 : memref<125x128xf32, #tpu.memory_space<vmem>>) dst(%dma_wait3A_149 : memref<10000x128xf32, #tpu.memory_space<vmem_shared>>)
        tpu.yield
      }) : () -> ()
      %lt3A = arith.constant 19 : i32
      %lt3A_122 = arith.cmpi slt, %scan3A_105, %lt3A : i32
      %convert_element_type3A_123 = arith.extui %lt3A_122 : i1 to i32
      %cond3A_124 = arith.constant 0 : i32
      %cond3A_125 = arith.cmpi ne, %convert_element_type3A_123, %cond3A_124 : i32
      scf.if %cond3A_125 {
        %add3A_137 = arith.constant 2 : i32
        %add3A_138 = arith.addi %mul3A_108, %add3A_137 : i32
        %dma_start3A_139 = arith.constant 0 : i32
        %dma_start3A_140 = tpu.memref_slice %arg5[%add3A_138, %dma_start3A_139] : memref<40x125xi32, #tpu.memory_space<vmem>> -> memref<1x125xi32, #tpu.memory_space<vmem>>
        %dma_start3A_141 = tpu.memref_squeeze %dma_start3A_140 : memref<1x125xi32, #tpu.memory_space<vmem>> -> memref<125xi32, #tpu.memory_space<vmem>>
        %dma_start3A_142 = arith.constant 0 : i32
        %dma_start3A_143 = arith.constant 0 : i32
        %dma_start3A_144 = tpu.memref_slice %arg2[%dma_start3A_142, %dma_start3A_143] : memref<10000x128xf32, #tpu.memory_space<hbm>> -> memref<10000x128xf32, #tpu.memory_space<hbm>>
        tpu.enqueue_indirect_dma source(%dma_start3A_144 : memref<10000x128xf32, #tpu.memory_space<hbm>>) target(%arg8 : memref<125x128xf32, #tpu.memory_space<vmem>>) offsets(%dma_start3A_141 : memref<125xi32, #tpu.memory_space<vmem>>) semaphore(%arg11 : memref<!tpu.dma_semaphore, #tpu.memory_space<semaphore_mem>>)
      } else {
      }
      %add3A_126 = arith.constant 1 : i32
      %add3A_127 = arith.addi %mul3A_108, %add3A_126 : i32
      %dma_wait3A_128 = arith.constant 0 : i32
      %dma_wait3A_129 = tpu.memref_slice %arg5[%add3A_127, %dma_wait3A_128] : memref<40x125xi32, #tpu.memory_space<vmem>> -> memref<1x125xi32, #tpu.memory_space<vmem>>
      %dma_wait3A_130 = tpu.memref_squeeze %dma_wait3A_129 : memref<1x125xi32, #tpu.memory_space<vmem>> -> memref<125xi32, #tpu.memory_space<vmem>>
      %dma_wait3A_131 = arith.constant 0 : i32
      %dma_wait3A_132 = arith.constant 0 : i32
      %dma_wait3A_133 = tpu.memref_slice %arg2[%dma_wait3A_131, %dma_wait3A_132] : memref<10000x128xf32, #tpu.memory_space<hbm>> -> memref<10000x128xf32, #tpu.memory_space<hbm>>
      tpu.wait_indirect_dma semaphore(%arg10 : memref<!tpu.dma_semaphore, #tpu.memory_space<semaphore_mem>>) src(%dma_wait3A_133 : memref<10000x128xf32, #tpu.memory_space<hbm>>) dst(%arg7 : memref<125x128xf32, #tpu.memory_space<vmem>>)
      %add3A_134 = arith.constant 1 : i32
      %add3A_135 = arith.addi %mul3A_108, %add3A_134 : i32
      "tpu.region"() ({
        %run_scoped3A_137 = tpu.sem_alloc : memref<!tpu.dma_semaphore, #tpu.memory_space<semaphore_mem>>
        %dma_start3A_138 = arith.constant 0 : i32
        %dma_start3A_139 = tpu.memref_slice %arg6[%add3A_135, %dma_start3A_138] : memref<40x125xi32, #tpu.memory_space<vmem>> -> memref<1x125xi32, #tpu.memory_space<vmem>>
        %dma_start3A_140 = tpu.memref_squeeze %dma_start3A_139 : memref<1x125xi32, #tpu.memory_space<vmem>> -> memref<125xi32, #tpu.memory_space<vmem>>
        %dma_start3A_141 = arith.constant 0 : i32
        %dma_start3A_142 = arith.constant 0 : i32
        %dma_start3A_143 = tpu.memref_slice %arg9[%dma_start3A_141, %dma_start3A_142] : memref<10000x128xf32, #tpu.memory_space<vmem_shared>> -> memref<10000x128xf32, #tpu.memory_space<vmem_shared>>
        tpu.enqueue_indirect_dma source(%arg7 : memref<125x128xf32, #tpu.memory_space<vmem>>) target(%dma_start3A_143 : memref<10000x128xf32, #tpu.memory_space<vmem_shared>>) offsets(%dma_start3A_140 : memref<125xi32, #tpu.memory_space<vmem>>) semaphore(%run_scoped3A_137 : memref<!tpu.dma_semaphore, #tpu.memory_space<semaphore_mem>>) {add = true}
        %dma_wait3A_144 = arith.constant 0 : i32
        %dma_wait3A_145 = tpu.memref_slice %arg6[%add3A_135, %dma_wait3A_144] : memref<40x125xi32, #tpu.memory_space<vmem>> -> memref<1x125xi32, #tpu.memory_space<vmem>>
        %dma_wait3A_146 = tpu.memref_squeeze %dma_wait3A_145 : memref<1x125xi32, #tpu.memory_space<vmem>> -> memref<125xi32, #tpu.memory_space<vmem>>
        %dma_wait3A_147 = arith.constant 0 : i32
        %dma_wait3A_148 = arith.constant 0 : i32
        %dma_wait3A_149 = tpu.memref_slice %arg9[%dma_wait3A_147, %dma_wait3A_148] : memref<10000x128xf32, #tpu.memory_space<vmem_shared>> -> memref<10000x128xf32, #tpu.memory_space<vmem_shared>>
        tpu.wait_indirect_dma semaphore(%run_scoped3A_137 : memref<!tpu.dma_semaphore, #tpu.memory_space<semaphore_mem>>) src(%arg7 : memref<125x128xf32, #tpu.memory_space<vmem>>) dst(%dma_wait3A_149 : memref<10000x128xf32, #tpu.memory_space<vmem_shared>>)
        tpu.yield
      }) : () -> ()
      %scan3A_136 = arith.constant 0 : i32
      scf.yield %scan3A_136 : i32
    }
    %scan3A_94 = arith.constant 20 : i32
    %barrier3A_95 = arith.constant 0 : index
    tpu.barrier barrier_id(%barrier3A_95)
    %mul3A_96 = arith.constant 624 : i32
    %mul3A_97 = arith.muli %arg1, %mul3A_96 : i32
    %mul3A_98 = arith.constant 624 : i32
    %mul3A_99 = arith.muli %arg1, %mul3A_98 : i32
    "tpu.region"() ({
      %run_scoped3A_105 = tpu.sem_alloc : memref<!tpu.dma_semaphore, #tpu.memory_space<semaphore_mem>>
      %dma_start3A_106 = arith.constant 0 : i32
      %dma_start3A_107 = tpu.memref_slice %arg4[%arg0, %mul3A_99, %dma_start3A_106] : memref<2x10000x128xf32, #tpu.memory_space<hbm>> -> memref<1x624x128xf32, #tpu.memory_space<hbm>>
      %dma_start3A_108 = tpu.memref_squeeze %dma_start3A_107 : memref<1x624x128xf32, #tpu.memory_space<hbm>> -> memref<624x128xf32, #tpu.memory_space<hbm>>
      %dma_start3A_109 = arith.constant 0 : i32
      %dma_start3A_110 = tpu.memref_slice %arg9[%mul3A_97, %dma_start3A_109] : memref<10000x128xf32, #tpu.memory_space<vmem_shared>> -> memref<624x128xf32, #tpu.memory_space<vmem_shared>>
      tpu.enqueue_dma source(%dma_start3A_110 : memref<624x128xf32, #tpu.memory_space<vmem_shared>>) target(%dma_start3A_108 : memref<624x128xf32, #tpu.memory_space<hbm>>) target_semaphore(%run_scoped3A_105 : memref<!tpu.dma_semaphore, #tpu.memory_space<semaphore_mem>>)
      %dma_wait3A = arith.constant 0 : i32
      %dma_wait3A_111 = tpu.memref_slice %arg4[%arg0, %mul3A_99, %dma_wait3A] : memref<2x10000x128xf32, #tpu.memory_space<hbm>> -> memref<1x624x128xf32, #tpu.memory_space<hbm>>
      %dma_wait3A_112 = tpu.memref_squeeze %dma_wait3A_111 : memref<1x624x128xf32, #tpu.memory_space<hbm>> -> memref<624x128xf32, #tpu.memory_space<hbm>>
      %dma_wait3A_113 = arith.constant 0 : i32
      %dma_wait3A_114 = tpu.memref_slice %arg9[%mul3A_97, %dma_wait3A_113] : memref<10000x128xf32, #tpu.memory_space<vmem_shared>> -> memref<624x128xf32, #tpu.memory_space<vmem_shared>>
      tpu.wait_dma2 semaphore(%run_scoped3A_105 : memref<!tpu.dma_semaphore, #tpu.memory_space<semaphore_mem>>) src(%dma_wait3A_114 : memref<624x128xf32, #tpu.memory_space<vmem_shared>>) dst(%dma_wait3A_112 : memref<624x128xf32, #tpu.memory_space<hbm>>)
      tpu.yield
    }) : () -> ()
    %eq3A_100 = arith.constant 15 : i32
    %eq3A_101 = arith.cmpi eq, %arg1, %eq3A_100 : i32
    %convert_element_type3A_102 = arith.extui %eq3A_101 : i1 to i32
    %cond3A_103 = arith.constant 0 : i32
    %cond3A_104 = arith.cmpi ne, %convert_element_type3A_102, %cond3A_103 : i32
    scf.if %cond3A_104 {
      "tpu.region"() ({
        %run_scoped3A_105 = tpu.sem_alloc : memref<!tpu.dma_semaphore, #tpu.memory_space<semaphore_mem>>
        %dma_start3A_106 = arith.constant 9984 : i32
        %dma_start3A_107 = arith.constant 0 : i32
        %dma_start3A_108 = tpu.memref_slice %arg4[%arg0, %dma_start3A_106, %dma_start3A_107] : memref<2x10000x128xf32, #tpu.memory_space<hbm>> -> memref<1x16x128xf32, #tpu.memory_space<hbm>>
        %dma_start3A_109 = tpu.memref_squeeze %dma_start3A_108 : memref<1x16x128xf32, #tpu.memory_space<hbm>> -> memref<16x128xf32, #tpu.memory_space<hbm>>
        %dma_start3A_110 = arith.constant 9984 : i32
        %dma_start3A_111 = arith.constant 0 : i32
        %dma_start3A_112 = tpu.memref_slice %arg9[%dma_start3A_110, %dma_start3A_111] : memref<10000x128xf32, #tpu.memory_space<vmem_shared>> -> memref<16x128xf32, #tpu.memory_space<vmem_shared>>
        tpu.enqueue_dma source(%dma_start3A_112 : memref<16x128xf32, #tpu.memory_space<vmem_shared>>) target(%dma_start3A_109 : memref<16x128xf32, #tpu.memory_space<hbm>>) target_semaphore(%run_scoped3A_105 : memref<!tpu.dma_semaphore, #tpu.memory_space<semaphore_mem>>)
        %dma_wait3A = arith.constant 9984 : i32
        %dma_wait3A_113 = arith.constant 0 : i32
        %dma_wait3A_114 = tpu.memref_slice %arg4[%arg0, %dma_wait3A, %dma_wait3A_113] : memref<2x10000x128xf32, #tpu.memory_space<hbm>> -> memref<1x16x128xf32, #tpu.memory_space<hbm>>
        %dma_wait3A_115 = tpu.memref_squeeze %dma_wait3A_114 : memref<1x16x128xf32, #tpu.memory_space<hbm>> -> memref<16x128xf32, #tpu.memory_space<hbm>>
        %dma_wait3A_116 = arith.constant 9984 : i32
        %dma_wait3A_117 = arith.constant 0 : i32
        %dma_wait3A_118 = tpu.memref_slice %arg9[%dma_wait3A_116, %dma_wait3A_117] : memref<10000x128xf32, #tpu.memory_space<vmem_shared>> -> memref<16x128xf32, #tpu.memory_space<vmem_shared>>
        tpu.wait_dma2 semaphore(%run_scoped3A_105 : memref<!tpu.dma_semaphore, #tpu.memory_space<semaphore_mem>>) src(%dma_wait3A_118 : memref<16x128xf32, #tpu.memory_space<vmem_shared>>) dst(%dma_wait3A_115 : memref<16x128xf32, #tpu.memory_space<hbm>>)
        tpu.yield
      }) : () -> ()
    } else {
    }
    return
  }
}

module attributes {stable_mosaic.version = 14 : i64} {
  func.func @_mm_body(%arg0: i32, %arg1: memref<10000x128xf32, #tpu.memory_space<vmem>>, %arg2: memref<128x128xf32, #tpu.memory_space<vmem>>, %arg3: memref<10000x128xf32, #tpu.memory_space<vmem>>) attributes {dimension_semantics = [#tpu.dimension_semantics<arbitrary>], iteration_bounds = array<i64: 1>, scalar_prefetch = 0 : i64, scratch_operands = 0 : i64, tpu.core_type = #tpu.core_type<tc>, window_params = [{transform_indices = @transform_0, window_bounds = array<i64: 10000, 128>}, {pipeline_mode = #tpu.pipeline_mode<synchronous>, transform_indices = @transform_1, window_bounds = array<i64: 128, 128>}, {transform_indices = @transform_2, window_bounds = array<i64: 10000, 128>}]} {
    %get3A = arith.constant 0 : index
    %get3A_0 = arith.constant 0 : index
    %get3A_1 = vector.load %arg1[%get3A, %get3A_0] : memref<10000x128xf32, #tpu.memory_space<vmem>>, vector<10000x128xf32>
    %get3A_2 = arith.constant 0 : index
    %get3A_3 = arith.constant 0 : index
    %get3A_4 = vector.load %arg2[%get3A_2, %get3A_3] : memref<128x128xf32, #tpu.memory_space<vmem>>, vector<128x128xf32>
    %convert_element_type3A = arith.truncf %get3A_1 : vector<10000x128xf32> to vector<10000x128xbf16>
    %convert_element_type3A_5 = arith.truncf %get3A_4 : vector<128x128xf32> to vector<128x128xbf16>
    %dot_general3A = arith.constant dense<0.000000e+00> : vector<10000x128xf32>
    %dot_general3A_6 = tpu.matmul %convert_element_type3A, %convert_element_type3A_5, %dot_general3A {dimension_numbers = #tpu.dot_dimension_numbers<[1], [0], [0], [1], [0, 0, 1, 1], [], []>, transpose_lhs_hint = false} : vector<10000x128xbf16>, vector<128x128xbf16>, vector<10000x128xf32> -> vector<10000x128xf32>
    %swap3A = arith.constant 0 : index
    %swap3A_7 = arith.constant 0 : index
    %swap3A_8 = vector.load %arg3[%swap3A, %swap3A_7] : memref<10000x128xf32, #tpu.memory_space<vmem>>, vector<10000x128xf32>
    tpu.vector_store %arg3[%swap3A, %swap3A_7], %dot_general3A_6 {strides = array<i32>} : memref<10000x128xf32, #tpu.memory_space<vmem>>, vector<10000x128xf32>,
    return
  }
  func.func @transform_0(%arg0: i32) -> (i32, i32) {
    %c0_i32 = arith.constant 0 : i32
    %c0_i32_0 = arith.constant 0 : i32
    return %arg0, %c0_i32 : i32, i32
  }
  func.func @transform_1(%arg0: i32) -> (i32, i32) {
    %c0_i32 = arith.constant 0 : i32
    %c0_i32_0 = arith.constant 0 : i32
    %c0_i32_1 = arith.constant 0 : i32
    return %c0_i32, %c0_i32_0 : i32, i32
  }
  func.func @transform_2(%arg0: i32) -> (i32, i32) {
    %c0_i32 = arith.constant 0 : i32
    %c0_i32_0 = arith.constant 0 : i32
    return %arg0, %c0_i32 : i32, i32
  }
}

module attributes {stable_mosaic.version = 14 : i64} {
  func.func @_mid_body(%arg0: i32, %arg1: memref<2x5000x128xf32, #tpu.memory_space<vmem>>, %arg2: memref<5000x1xf32, #tpu.memory_space<vmem>>, %arg3: memref<1x128xf32, #tpu.memory_space<vmem>>, %arg4: memref<1x128xf32, #tpu.memory_space<vmem>>, %arg5: memref<1x1xf32, #tpu.memory_space<vmem>>, %arg6: memref<5000x128xf32, #tpu.memory_space<vmem>>, %arg7: memref<128x128xf32, #tpu.memory_space<vmem>>, %arg8: memref<5000x128xf32, #tpu.memory_space<vmem>>, %arg9: memref<5000x128xf32, #tpu.memory_space<vmem>>, %arg10: memref<5000x1xf32, #tpu.memory_space<vmem>>) attributes {dimension_semantics = [#tpu.dimension_semantics<arbitrary>], iteration_bounds = array<i64: 2>, scalar_prefetch = 0 : i64, scratch_operands = 0 : i64, tpu.core_type = #tpu.core_type<tc>, window_params = [{transform_indices = @transform_0, window_bounds = array<i64: 2, 5000, 128>}, {transform_indices = @transform_1, window_bounds = array<i64: 5000, 1>}, {pipeline_mode = #tpu.pipeline_mode<synchronous>, transform_indices = @transform_2, window_bounds = array<i64: 1, 128>}, {pipeline_mode = #tpu.pipeline_mode<synchronous>, transform_indices = @transform_3, window_bounds = array<i64: 1, 128>}, {pipeline_mode = #tpu.pipeline_mode<synchronous>, transform_indices = @transform_4, window_bounds = array<i64: 1, 1>}, {transform_indices = @transform_5, window_bounds = array<i64: 5000, 128>}, {pipeline_mode = #tpu.pipeline_mode<synchronous>, transform_indices = @transform_6, window_bounds = array<i64: 128, 128>}, {transform_indices = @transform_7, window_bounds = array<i64: 5000, 128>}, {transform_indices = @transform_8, window_bounds = array<i64: 5000, 128>}, {transform_indices = @transform_9, window_bounds = array<i64: 5000, 1>}]} {
    %get3A = arith.constant 0 : index
    %get3A_0 = arith.constant 0 : index
    %get3A_1 = arith.constant 0 : index
    %get3A_2 = vector.load %arg1[%get3A, %get3A_0, %get3A_1] : memref<2x5000x128xf32, #tpu.memory_space<vmem>>, vector<1x5000x128xf32>
    %get3A_3 = vector.shape_cast %get3A_2 : vector<1x5000x128xf32> to vector<5000x128xf32>
    %get3A_4 = arith.constant 1 : index
    %get3A_5 = arith.constant 0 : index
    %get3A_6 = arith.constant 0 : index
    %get3A_7 = vector.load %arg1[%get3A_4, %get3A_5, %get3A_6] : memref<2x5000x128xf32, #tpu.memory_space<vmem>>, vector<1x5000x128xf32>
    %get3A_8 = vector.shape_cast %get3A_7 : vector<1x5000x128xf32> to vector<5000x128xf32>
    %add3A = arith.addf %get3A_3, %get3A_8 : vector<5000x128xf32>
    %get3A_9 = arith.constant 0 : index
    %get3A_10 = arith.constant 0 : index
    %get3A_11 = vector.load %arg2[%get3A_9, %get3A_10] : memref<5000x1xf32, #tpu.memory_space<vmem>>, vector<5000x1xf32>
    %div3A = vector.broadcast %get3A_11 : vector<5000x1xf32> to vector<5000x128xf32>
    %div3A_12 = arith.divf %add3A, %div3A : vector<5000x128xf32>
    %get3A_13 = arith.constant 0 : index
    %get3A_14 = arith.constant 0 : index
    %get3A_15 = vector.load %arg3[%get3A_13, %get3A_14] : memref<1x128xf32, #tpu.memory_space<vmem>>, vector<1x128xf32>
    %add3A_16 = vector.broadcast %get3A_15 : vector<1x128xf32> to vector<5000x128xf32>
    %add3A_17 = arith.addf %div3A_12, %add3A_16 : vector<5000x128xf32>
    %tanh3A = math.tanh %add3A_17 : vector<5000x128xf32>
    %get3A_18 = arith.constant 0 : index
    %get3A_19 = arith.constant 0 : index
    %get3A_20 = vector.load %arg4[%get3A_18, %get3A_19] : memref<1x128xf32, #tpu.memory_space<vmem>>, vector<1x128xf32>
    %mul3A = vector.broadcast %get3A_20 : vector<1x128xf32> to vector<5000x128xf32>
    %mul3A_21 = arith.mulf %tanh3A, %mul3A : vector<5000x128xf32>
    %reduce_sum3A = arith.constant dense<0.000000e+00> : vector<5000xf32>
    %reduce_sum3A_22 = vector.multi_reduction <add>, %mul3A_21, %reduce_sum3A [1] : vector<5000x128xf32> to vector<5000xf32>
    %broadcast_in_dim3A = vector.shape_cast %reduce_sum3A_22 : vector<5000xf32> to vector<5000x1xf32>
    %get3A_23 = arith.constant 0 : index
    %get3A_24 = arith.constant 0 : index
    %get3A_25 = vector.load %arg5[%get3A_23, %get3A_24] : memref<1x1xf32, #tpu.memory_space<vmem>>, vector<1x1xf32>
    %add3A_26 = vector.broadcast %get3A_25 : vector<1x1xf32> to vector<5000x1xf32>
    %add3A_27 = arith.addf %broadcast_in_dim3A, %add3A_26 : vector<5000x1xf32>
    %logistic3A = arith.negf %add3A_27 : vector<5000x1xf32>
    %logistic3A_28 = math.exp %logistic3A : vector<5000x1xf32>
    %logistic3A_29 = arith.constant 1.000000e+00 : f32
    %logistic3A_30 = vector.broadcast %logistic3A_29 : f32 to vector<5000x1xf32>
    %logistic3A_31 = arith.addf %logistic3A_30, %logistic3A_28 : vector<5000x1xf32>
    %logistic3A_32 = arith.divf %logistic3A_30, %logistic3A_31 : vector<5000x1xf32>
    %sub3A = arith.constant 1.000000e+00 : f32
    %sub3A_33 = vector.broadcast %sub3A : f32 to vector<5000x1xf32>
    %sub3A_34 = arith.subf %sub3A_33, %logistic3A_32 : vector<5000x1xf32>
    %get3A_35 = arith.constant 0 : index
    %get3A_36 = arith.constant 0 : index
    %get3A_37 = vector.load %arg6[%get3A_35, %get3A_36] : memref<5000x128xf32, #tpu.memory_space<vmem>>, vector<5000x128xf32>
    %mul3A_38 = vector.broadcast %sub3A_34 : vector<5000x1xf32> to vector<5000x128xf32>
    %mul3A_39 = arith.mulf %mul3A_38, %get3A_37 : vector<5000x128xf32>
    %mul3A_40 = vector.broadcast %logistic3A_32 : vector<5000x1xf32> to vector<5000x128xf32>
    %mul3A_41 = arith.mulf %mul3A_40, %tanh3A : vector<5000x128xf32>
    %add3A_42 = arith.addf %mul3A_39, %mul3A_41 : vector<5000x128xf32>
    %get3A_43 = arith.constant 0 : index
    %get3A_44 = arith.constant 0 : index
    %get3A_45 = vector.load %arg7[%get3A_43, %get3A_44] : memref<128x128xf32, #tpu.memory_space<vmem>>, vector<128x128xf32>
    %convert_element_type3A = arith.truncf %add3A_42 : vector<5000x128xf32> to vector<5000x128xbf16>
    %convert_element_type3A_46 = arith.truncf %get3A_45 : vector<128x128xf32> to vector<128x128xbf16>
    %dot_general3A = arith.constant dense<0.000000e+00> : vector<5000x128xf32>
    %dot_general3A_47 = tpu.matmul %convert_element_type3A, %convert_element_type3A_46, %dot_general3A {dimension_numbers = #tpu.dot_dimension_numbers<[1], [0], [0], [1], [0, 0, 1, 1], [], []>, transpose_lhs_hint = false} : vector<5000x128xbf16>, vector<128x128xbf16>, vector<5000x128xf32> -> vector<5000x128xf32>
    %swap3A = arith.constant 0 : index
    %swap3A_48 = arith.constant 0 : index
    %swap3A_49 = vector.load %arg8[%swap3A, %swap3A_48] : memref<5000x128xf32, #tpu.memory_space<vmem>>, vector<5000x128xf32>
    tpu.vector_store %arg8[%swap3A, %swap3A_48], %dot_general3A_47 {strides = array<i32>} : memref<5000x128xf32, #tpu.memory_space<vmem>>, vector<5000x128xf32>,
    %swap3A_50 = arith.constant 0 : index
    %swap3A_51 = arith.constant 0 : index
    %swap3A_52 = vector.load %arg9[%swap3A_50, %swap3A_51] : memref<5000x128xf32, #tpu.memory_space<vmem>>, vector<5000x128xf32>
    tpu.vector_store %arg9[%swap3A_50, %swap3A_51], %add3A_42 {strides = array<i32>} : memref<5000x128xf32, #tpu.memory_space<vmem>>, vector<5000x128xf32>,
    %swap3A_53 = arith.constant 0 : index
    %swap3A_54 = arith.constant 0 : index
    %swap3A_55 = vector.load %arg10[%swap3A_53, %swap3A_54] : memref<5000x1xf32, #tpu.memory_space<vmem>>, vector<5000x1xf32>
    tpu.vector_store %arg10[%swap3A_53, %swap3A_54], %logistic3A_32 {strides = array<i32>} : memref<5000x1xf32, #tpu.memory_space<vmem>>, vector<5000x1xf32>,
    return
  }
  func.func @transform_0(%arg0: i32) -> (i32, i32, i32) {
    %c0_i32 = arith.constant 0 : i32
    %c0_i32_0 = arith.constant 0 : i32
    %c0_i32_1 = arith.constant 0 : i32
    return %c0_i32, %arg0, %c0_i32_0 : i32, i32, i32
  }
  func.func @transform_1(%arg0: i32) -> (i32, i32) {
    %c0_i32 = arith.constant 0 : i32
    %c0_i32_0 = arith.constant 0 : i32
    return %arg0, %c0_i32 : i32, i32
  }
  func.func @transform_2(%arg0: i32) -> (i32, i32) {
    %c0_i32 = arith.constant 0 : i32
    %c0_i32_0 = arith.constant 0 : i32
    %c0_i32_1 = arith.constant 0 : i32
    return %c0_i32, %c0_i32_0 : i32, i32
  }
  func.func @transform_3(%arg0: i32) -> (i32, i32) {
    %c0_i32 = arith.constant 0 : i32
    %c0_i32_0 = arith.constant 0 : i32
    %c0_i32_1 = arith.constant 0 : i32
    return %c0_i32, %c0_i32_0 : i32, i32
  }
  func.func @transform_4(%arg0: i32) -> (i32, i32) {
    %c0_i32 = arith.constant 0 : i32
    %c0_i32_0 = arith.constant 0 : i32
    %c0_i32_1 = arith.constant 0 : i32
    return %c0_i32, %c0_i32_0 : i32, i32
  }
  func.func @transform_5(%arg0: i32) -> (i32, i32) {
    %c0_i32 = arith.constant 0 : i32
    %c0_i32_0 = arith.constant 0 : i32
    return %arg0, %c0_i32 : i32, i32
  }
  func.func @transform_6(%arg0: i32) -> (i32, i32) {
    %c0_i32 = arith.constant 0 : i32
    %c0_i32_0 = arith.constant 0 : i32
    %c0_i32_1 = arith.constant 0 : i32
    return %c0_i32, %c0_i32_0 : i32, i32
  }
  func.func @transform_7(%arg0: i32) -> (i32, i32) {
    %c0_i32 = arith.constant 0 : i32
    %c0_i32_0 = arith.constant 0 : i32
    return %arg0, %c0_i32 : i32, i32
  }
  func.func @transform_8(%arg0: i32) -> (i32, i32) {
    %c0_i32 = arith.constant 0 : i32
    %c0_i32_0 = arith.constant 0 : i32
    return %arg0, %c0_i32 : i32, i32
  }
  func.func @transform_9(%arg0: i32) -> (i32, i32) {
    %c0_i32 = arith.constant 0 : i32
    %c0_i32_0 = arith.constant 0 : i32
    return %arg0, %c0_i32 : i32, i32
  }
}

module attributes {stable_mosaic.version = 14 : i64} {
  func.func @_final_body(%arg0: i32, %arg1: memref<2x2560x128xf32, #tpu.memory_space<vmem>>, %arg2: memref<2560x1xf32, #tpu.memory_space<vmem>>, %arg3: memref<1x128xf32, #tpu.memory_space<vmem>>, %arg4: memref<1x128xf32, #tpu.memory_space<vmem>>, %arg5: memref<1x1xf32, #tpu.memory_space<vmem>>, %arg6: memref<2560x128xf32, #tpu.memory_space<vmem>>, %arg7: memref<1x128xf32, #tpu.memory_space<vmem>>, %arg8: memref<1x128xf32, #tpu.memory_space<vmem>>, %arg9: memref<1x128xf32, #tpu.memory_space<vmem>>, %arg10: memref<1x128xf32, #tpu.memory_space<vmem>>, %arg11: memref<919x128xf32, #tpu.memory_space<vmem>>, %arg12: memref<919x1xf32, #tpu.memory_space<vmem>>, %arg13: memref<919x2560xf32, #tpu.memory_space<vmem>>, %arg14: memref<2560x1xf32, #tpu.memory_space<vmem>>) attributes {dimension_semantics = [#tpu.dimension_semantics<arbitrary>], iteration_bounds = array<i64: 4>, scalar_prefetch = 0 : i64, scratch_operands = 0 : i64, tpu.core_type = #tpu.core_type<tc>, window_params = [{transform_indices = @transform_0, window_bounds = array<i64: 2, 2560, 128>}, {transform_indices = @transform_1, window_bounds = array<i64: 2560, 1>}, {pipeline_mode = #tpu.pipeline_mode<synchronous>, transform_indices = @transform_2, window_bounds = array<i64: 1, 128>}, {pipeline_mode = #tpu.pipeline_mode<synchronous>, transform_indices = @transform_3, window_bounds = array<i64: 1, 128>}, {pipeline_mode = #tpu.pipeline_mode<synchronous>, transform_indices = @transform_4, window_bounds = array<i64: 1, 1>}, {transform_indices = @transform_5, window_bounds = array<i64: 2560, 128>}, {pipeline_mode = #tpu.pipeline_mode<synchronous>, transform_indices = @transform_6, window_bounds = array<i64: 1, 128>}, {pipeline_mode = #tpu.pipeline_mode<synchronous>, transform_indices = @transform_7, window_bounds = array<i64: 1, 128>}, {pipeline_mode = #tpu.pipeline_mode<synchronous>, transform_indices = @transform_8, window_bounds = array<i64: 1, 128>}, {pipeline_mode = #tpu.pipeline_mode<synchronous>, transform_indices = @transform_9, window_bounds = array<i64: 1, 128>}, {pipeline_mode = #tpu.pipeline_mode<synchronous>, transform_indices = @transform_10, window_bounds = array<i64: 919, 128>}, {pipeline_mode = #tpu.pipeline_mode<synchronous>, transform_indices = @transform_11, window_bounds = array<i64: 919, 1>}, {transform_indices = @transform_12, window_bounds = array<i64: 919, 2560>}, {transform_indices = @transform_13, window_bounds = array<i64: 2560, 1>}]} {
    %get3A = arith.constant 0 : index
    %get3A_0 = arith.constant 0 : index
    %get3A_1 = arith.constant 0 : index
    %get3A_2 = vector.load %arg1[%get3A, %get3A_0, %get3A_1] : memref<2x2560x128xf32, #tpu.memory_space<vmem>>, vector<1x2560x128xf32>
    %get3A_3 = vector.shape_cast %get3A_2 : vector<1x2560x128xf32> to vector<2560x128xf32>
    %get3A_4 = arith.constant 1 : index
    %get3A_5 = arith.constant 0 : index
    %get3A_6 = arith.constant 0 : index
    %get3A_7 = vector.load %arg1[%get3A_4, %get3A_5, %get3A_6] : memref<2x2560x128xf32, #tpu.memory_space<vmem>>, vector<1x2560x128xf32>
    %get3A_8 = vector.shape_cast %get3A_7 : vector<1x2560x128xf32> to vector<2560x128xf32>
    %add3A = arith.addf %get3A_3, %get3A_8 : vector<2560x128xf32>
    %get3A_9 = arith.constant 0 : index
    %get3A_10 = arith.constant 0 : index
    %get3A_11 = vector.load %arg2[%get3A_9, %get3A_10] : memref<2560x1xf32, #tpu.memory_space<vmem>>, vector<2560x1xf32>
    %div3A = vector.broadcast %get3A_11 : vector<2560x1xf32> to vector<2560x128xf32>
    %div3A_12 = arith.divf %add3A, %div3A : vector<2560x128xf32>
    %get3A_13 = arith.constant 0 : index
    %get3A_14 = arith.constant 0 : index
    %get3A_15 = vector.load %arg3[%get3A_13, %get3A_14] : memref<1x128xf32, #tpu.memory_space<vmem>>, vector<1x128xf32>
    %add3A_16 = vector.broadcast %get3A_15 : vector<1x128xf32> to vector<2560x128xf32>
    %add3A_17 = arith.addf %div3A_12, %add3A_16 : vector<2560x128xf32>
    %tanh3A = math.tanh %add3A_17 : vector<2560x128xf32>
    %get3A_18 = arith.constant 0 : index
    %get3A_19 = arith.constant 0 : index
    %get3A_20 = vector.load %arg4[%get3A_18, %get3A_19] : memref<1x128xf32, #tpu.memory_space<vmem>>, vector<1x128xf32>
    %mul3A = vector.broadcast %get3A_20 : vector<1x128xf32> to vector<2560x128xf32>
    %mul3A_21 = arith.mulf %tanh3A, %mul3A : vector<2560x128xf32>
    %reduce_sum3A = arith.constant dense<0.000000e+00> : vector<2560xf32>
    %reduce_sum3A_22 = vector.multi_reduction <add>, %mul3A_21, %reduce_sum3A [1] : vector<2560x128xf32> to vector<2560xf32>
    %broadcast_in_dim3A = vector.shape_cast %reduce_sum3A_22 : vector<2560xf32> to vector<2560x1xf32>
    %get3A_23 = arith.constant 0 : index
    %get3A_24 = arith.constant 0 : index
    %get3A_25 = vector.load %arg5[%get3A_23, %get3A_24] : memref<1x1xf32, #tpu.memory_space<vmem>>, vector<1x1xf32>
    %add3A_26 = vector.broadcast %get3A_25 : vector<1x1xf32> to vector<2560x1xf32>
    %add3A_27 = arith.addf %broadcast_in_dim3A, %add3A_26 : vector<2560x1xf32>
    %logistic3A = arith.negf %add3A_27 : vector<2560x1xf32>
    %logistic3A_28 = math.exp %logistic3A : vector<2560x1xf32>
    %logistic3A_29 = arith.constant 1.000000e+00 : f32
    %logistic3A_30 = vector.broadcast %logistic3A_29 : f32 to vector<2560x1xf32>
    %logistic3A_31 = arith.addf %logistic3A_30, %logistic3A_28 : vector<2560x1xf32>
    %logistic3A_32 = arith.divf %logistic3A_30, %logistic3A_31 : vector<2560x1xf32>
    %sub3A = arith.constant 1.000000e+00 : f32
    %sub3A_33 = vector.broadcast %sub3A : f32 to vector<2560x1xf32>
    %sub3A_34 = arith.subf %sub3A_33, %logistic3A_32 : vector<2560x1xf32>
    %get3A_35 = arith.constant 0 : index
    %get3A_36 = arith.constant 0 : index
    %get3A_37 = vector.load %arg6[%get3A_35, %get3A_36] : memref<2560x128xf32, #tpu.memory_space<vmem>>, vector<2560x128xf32>
    %mul3A_38 = vector.broadcast %sub3A_34 : vector<2560x1xf32> to vector<2560x128xf32>
    %mul3A_39 = arith.mulf %mul3A_38, %get3A_37 : vector<2560x128xf32>
    %mul3A_40 = vector.broadcast %logistic3A_32 : vector<2560x1xf32> to vector<2560x128xf32>
    %mul3A_41 = arith.mulf %mul3A_40, %tanh3A : vector<2560x128xf32>
    %add3A_42 = arith.addf %mul3A_39, %mul3A_41 : vector<2560x128xf32>
    %max3A = arith.constant 0.000000e+00 : f32
    %max3A_43 = vector.broadcast %max3A : f32 to vector<2560x128xf32>
    %max3A_44 = arith.maximumf %add3A_42, %max3A_43 : vector<2560x128xf32>
    %get3A_45 = arith.constant 0 : index
    %get3A_46 = arith.constant 0 : index
    %get3A_47 = vector.load %arg9[%get3A_45, %get3A_46] : memref<1x128xf32, #tpu.memory_space<vmem>>, vector<1x128xf32>
    %sub3A_48 = vector.broadcast %get3A_47 : vector<1x128xf32> to vector<2560x128xf32>
    %sub3A_49 = arith.subf %max3A_44, %sub3A_48 : vector<2560x128xf32>
    %get3A_50 = arith.constant 0 : index
    %get3A_51 = arith.constant 0 : index
    %get3A_52 = vector.load %arg10[%get3A_50, %get3A_51] : memref<1x128xf32, #tpu.memory_space<vmem>>, vector<1x128xf32>
    %add3A_53 = arith.constant 9.99999974E-6 : f32
    %add3A_54 = vector.broadcast %add3A_53 : f32 to vector<1x128xf32>
    %add3A_55 = arith.addf %get3A_52, %add3A_54 : vector<1x128xf32>
    %rsqrt3A = math.rsqrt %add3A_55 : vector<1x128xf32>
    %mul3A_56 = vector.broadcast %rsqrt3A : vector<1x128xf32> to vector<2560x128xf32>
    %mul3A_57 = arith.mulf %sub3A_49, %mul3A_56 : vector<2560x128xf32>
    %get3A_58 = arith.constant 0 : index
    %get3A_59 = arith.constant 0 : index
    %get3A_60 = vector.load %arg7[%get3A_58, %get3A_59] : memref<1x128xf32, #tpu.memory_space<vmem>>, vector<1x128xf32>
    %mul3A_61 = vector.broadcast %get3A_60 : vector<1x128xf32> to vector<2560x128xf32>
    %mul3A_62 = arith.mulf %mul3A_57, %mul3A_61 : vector<2560x128xf32>
    %get3A_63 = arith.constant 0 : index
    %get3A_64 = arith.constant 0 : index
    %get3A_65 = vector.load %arg8[%get3A_63, %get3A_64] : memref<1x128xf32, #tpu.memory_space<vmem>>, vector<1x128xf32>
    %add3A_66 = vector.broadcast %get3A_65 : vector<1x128xf32> to vector<2560x128xf32>
    %add3A_67 = arith.addf %mul3A_62, %add3A_66 : vector<2560x128xf32>
    %get3A_68 = arith.constant 0 : index
    %get3A_69 = arith.constant 0 : index
    %get3A_70 = vector.load %arg11[%get3A_68, %get3A_69] : memref<919x128xf32, #tpu.memory_space<vmem>>, vector<919x128xf32>
    %convert_element_type3A = arith.truncf %get3A_70 : vector<919x128xf32> to vector<919x128xbf16>
    %convert_element_type3A_71 = arith.truncf %add3A_67 : vector<2560x128xf32> to vector<2560x128xbf16>
    %dot_general3A = arith.constant dense<0.000000e+00> : vector<919x2560xf32>
    %dot_general3A_72 = tpu.matmul %convert_element_type3A, %convert_element_type3A_71, %dot_general3A {dimension_numbers = #tpu.dot_dimension_numbers<[1], [1], [0], [0], [0, 0, 1, 0], [], []>, transpose_lhs_hint = false} : vector<919x128xbf16>, vector<2560x128xbf16>, vector<919x2560xf32> -> vector<919x2560xf32>
    %get3A_73 = arith.constant 0 : index
    %get3A_74 = arith.constant 0 : index
    %get3A_75 = vector.load %arg12[%get3A_73, %get3A_74] : memref<919x1xf32, #tpu.memory_space<vmem>>, vector<919x1xf32>
    %add3A_76 = vector.broadcast %get3A_75 : vector<919x1xf32> to vector<919x2560xf32>
    %add3A_77 = arith.addf %dot_general3A_72, %add3A_76 : vector<919x2560xf32>
    %swap3A = arith.constant 0 : index
    %swap3A_78 = arith.constant 0 : index
    %swap3A_79 = vector.load %arg13[%swap3A, %swap3A_78] : memref<919x2560xf32, #tpu.memory_space<vmem>>, vector<919x2560xf32>
    tpu.vector_store %arg13[%swap3A, %swap3A_78], %add3A_77 {strides = array<i32>} : memref<919x2560xf32, #tpu.memory_space<vmem>>, vector<919x2560xf32>,
    %swap3A_80 = arith.constant 0 : index
    %swap3A_81 = arith.constant 0 : index
    %swap3A_82 = vector.load %arg14[%swap3A_80, %swap3A_81] : memref<2560x1xf32, #tpu.memory_space<vmem>>, vector<2560x1xf32>
    tpu.vector_store %arg14[%swap3A_80, %swap3A_81], %logistic3A_32 {strides = array<i32>} : memref<2560x1xf32, #tpu.memory_space<vmem>>, vector<2560x1xf32>,
    return
  }
  func.func @transform_0(%arg0: i32) -> (i32, i32, i32) {
    %c0_i32 = arith.constant 0 : i32
    %c0_i32_0 = arith.constant 0 : i32
    %c0_i32_1 = arith.constant 0 : i32
    return %c0_i32, %arg0, %c0_i32_0 : i32, i32, i32
  }
  func.func @transform_1(%arg0: i32) -> (i32, i32) {
    %c0_i32 = arith.constant 0 : i32
    %c0_i32_0 = arith.constant 0 : i32
    return %arg0, %c0_i32 : i32, i32
  }
  func.func @transform_2(%arg0: i32) -> (i32, i32) {
    %c0_i32 = arith.constant 0 : i32
    %c0_i32_0 = arith.constant 0 : i32
    %c0_i32_1 = arith.constant 0 : i32
    return %c0_i32, %c0_i32_0 : i32, i32
  }
  func.func @transform_3(%arg0: i32) -> (i32, i32) {
    %c0_i32 = arith.constant 0 : i32
    %c0_i32_0 = arith.constant 0 : i32
    %c0_i32_1 = arith.constant 0 : i32
    return %c0_i32, %c0_i32_0 : i32, i32
  }
  func.func @transform_4(%arg0: i32) -> (i32, i32) {
    %c0_i32 = arith.constant 0 : i32
    %c0_i32_0 = arith.constant 0 : i32
    %c0_i32_1 = arith.constant 0 : i32
    return %c0_i32, %c0_i32_0 : i32, i32
  }
  func.func @transform_5(%arg0: i32) -> (i32, i32) {
    %c0_i32 = arith.constant 0 : i32
    %c0_i32_0 = arith.constant 0 : i32
    return %arg0, %c0_i32 : i32, i32
  }
  func.func @transform_6(%arg0: i32) -> (i32, i32) {
    %c0_i32 = arith.constant 0 : i32
    %c0_i32_0 = arith.constant 0 : i32
    %c0_i32_1 = arith.constant 0 : i32
    return %c0_i32, %c0_i32_0 : i32, i32
  }
  func.func @transform_7(%arg0: i32) -> (i32, i32) {
    %c0_i32 = arith.constant 0 : i32
    %c0_i32_0 = arith.constant 0 : i32
    %c0_i32_1 = arith.constant 0 : i32
    return %c0_i32, %c0_i32_0 : i32, i32
  }
  func.func @transform_8(%arg0: i32) -> (i32, i32) {
    %c0_i32 = arith.constant 0 : i32
    %c0_i32_0 = arith.constant 0 : i32
    %c0_i32_1 = arith.constant 0 : i32
    return %c0_i32, %c0_i32_0 : i32, i32
  }
  func.func @transform_9(%arg0: i32) -> (i32, i32) {
    %c0_i32 = arith.constant 0 : i32
    %c0_i32_0 = arith.constant 0 : i32
    %c0_i32_1 = arith.constant 0 : i32
    return %c0_i32, %c0_i32_0 : i32, i32
  }
  func.func @transform_10(%arg0: i32) -> (i32, i32) {
    %c0_i32 = arith.constant 0 : i32
    %c0_i32_0 = arith.constant 0 : i32
    %c0_i32_1 = arith.constant 0 : i32
    return %c0_i32, %c0_i32_0 : i32, i32
  }
  func.func @transform_11(%arg0: i32) -> (i32, i32) {
    %c0_i32 = arith.constant 0 : i32
    %c0_i32_0 = arith.constant 0 : i32
    %c0_i32_1 = arith.constant 0 : i32
    return %c0_i32, %c0_i32_0 : i32, i32
  }
  func.func @transform_12(%arg0: i32) -> (i32, i32) {
    %c0_i32 = arith.constant 0 : i32
    %c0_i32_0 = arith.constant 0 : i32
    return %c0_i32, %arg0 : i32, i32
  }
  func.func @transform_13(%arg0: i32) -> (i32, i32) {
    %c0_i32 = arith.constant 0 : i32
    %c0_i32_0 = arith.constant 0 : i32
    return %arg0, %c0_i32 : i32, i32
  }
}

</mosaic_0001>

<sc_bundles>
// kernel: kernel.10.cloned.1.call-start
scs
__scs_entry_jumppad:
0x0: {  	(pc) =	sbr.rel $0x88, $3  }
0x1: {  	(tag) =	ssettag $0x0;
	lr =	simm.s32 $0x1  }
0x2: {  	[smem:$0x3F90] =	sst lr;
	_ =	strace $0xD0000000  }
0x3: {  	_ = 	snop  }
0x4: {  	_ = 	snop  }
0x5: {  	_ = 	snop  }
0x6: {  	_ = 	snop  }
0x7: {  	_ = 	snop  }
__scs_overlays_trampoline_lowered:
0x8: {  	[smem:$0x3F9F] =	sst s0  }
0x9: {  	[smem:$0x3FA0] =	sst s1  }
0xa: {  	[smem:$0x3FA1] =	sst s2  }
0xb: {  	[smem:$0x3FA2] =	sst s3  }
0xc: {  	[smem:$0x3FA3] =	sst s4  }
0xd: {  	[smem:$0x3FA4] =	sst s5  }
0xe: {  	[smem:$0x3FA5] =	sst s6  }
0xf: {  	[smem:$0x3FA6] =	sst s7  }
0x10: {  	[smem:$0x3FA7] =	sst s8  }
0x11: {  	[smem:$0x3FA8] =	sst s9;
	s0 =	simm.s32 @!p0 $0x0  }
0x12: {  	s1 =	sld [smem:$0x3F8E];
	s0 =	simm.s32 @p0 $0x1  }
0x13: {  	[smem:$0x3FA9] =	sst s0;
	s0 =	simm.s32 @!p1 $0x0  }
0x14: {  	s2 =	sld [smem:$0x3F8D];
	s0 =	simm.s32 @p1 $0x1  }
0x15: {  	[smem:$0x3FAA] =	sst s0;
	s0 =	simm.s32 @!p2 $0x0  }
0x16: {  	s3 =	sld [smem:$0x3FDB];
	s0 =	simm.s32 @p2 $0x1  }
0x17: {  	s4 =	simm.s32 $0x1BF5;
	[smem:$0x3FAC] =	sst s0  }
0x18: {  	s0 =	sld [smem:$0x3F8F];
	_ =	swait.ge [sflag:s4], $0x0  }
0x19: {  	s7 =	sld [smem:$0x3F90]  }
0x1a: {  	s8 =	sadd.s32 $0xFFFFE003, lr  }
0x1b: {  	s9 =	sadd.s32 $0xFFFFFEF7, lr;
	s5 =	simm.s32 $0xFFFFFFFF;
	p2 =	slt.u32 s8, $0xFFFFF086  }
0x1c: {  	p1 =	slt.u32 s9, $0xF7A;
	s5 =	simm.s32 @!p2 $0x0  }
0x1d: {  	s5 =	simm.s32 @p1 $0x1;
	p0 =	seq.s32 s7, s2  }
0x1e: {  	s7 =	smul.u32 @!p0 $0xF7A, s2;
	p2 =	seq.s32 @!p0 s5, $0x0  }
0x1f: {  	s9 =	smul.u32 $0xF7A, s1;
	s8 =	simm.s32 @!p0 $0x1BF5;
	p2 =	por !p2, p0  }
0x20: {  	[sflag:s8] =	ssyncset.s32 @!p0 $0xFFFFF086;
	s6 =	sadd.s32 @!p0 s3, s7;
	s7 =	simm.s32 @!p0 $0x108  }
0x21: {  	s3 =	sadd.s32 s3, s9;
	s6 =	sadd.s32 @!p0 $0x88, s6;
	s7 =	simm.s32 @p2 $0x1082  }
0x22: {  	[simem:s7], [sflag:s8] =	dma.local @!p0 [hbm:s6], $0xF7A  }
0x23: {  	s9 =	sor.u32 $0xD0000000, s2;
	s6 =	simm.s32 $0x108;
	_ =	swait.ge @!p0 [sflag:s8], $0x0  }
0x24: {  	s3 =	sadd.s32 $0x88, s3;
	s6 =	simm.s32 @!p1 $0x1082;
	[sflag:s4] =	ssyncset.s32 $0xFFFFF086  }
0x25: {  	[simem:s6], [sflag:s4] =	dma.local [hbm:s3], $0xF7A  }
0x26: {  	[smem:$0x3F90] =	sst s1;
	(tag) =	ssettag s2;
	_ =	strace s9  }
0x27: {  	s1 =	sld [smem:$0x3FA0]  }
0x28: {  	s2 =	sld [smem:$0x3FA1]  }
0x29: {  	s4 =	sld [smem:$0x3FA3]  }
0x2a: {  	p0 =	seq.s32 s5, $0x0;
	s5 =	sld [smem:$0x3FA4]  }
0x2b: {  	s6 =	sld [smem:$0x3FA5]  }
0x2c: {  	s7 =	sld [smem:$0x3FA6]  }
0x2d: {  	s3 =	simm.s32 $0x108;
	s8 =	sld [smem:$0x3FA7]  }
0x2e: {  	s3 =	simm.s32 @!p0 $0x1082;
	s9 =	sld [smem:$0x3FA8]  }
0x2f: {  	lr =	sadd.s32 s0, s3;
	s0 =	sld [smem:$0x3F9F]  }
0x30: {  	s3 =	sld [smem:$0x3FA2]  }
0x31: {  	[smem:$0x3FAB] =	sst s10  }
0x32: {  	s10 =	sld [smem:$0x3FA9];
	_ =	sdelay $0x3  }
0x33: {  	p0 =	seq.s32 s10, $0x1;
	s10 =	sld [smem:$0x3FAB];
	_ =	sdelay $0x3  }
0x34: {  	[smem:$0x3FAB] =	sst s10  }
0x35: {  	s10 =	sld [smem:$0x3FAA];
	_ =	sdelay $0x3  }
0x36: {  	p1 =	seq.s32 s10, $0x1;
	s10 =	sld [smem:$0x3FAB];
	_ =	sdelay $0x3  }
0x37: {  	[smem:$0x3FAB] =	sst s10  }
0x38: {  	s10 =	sld [smem:$0x3FAC]  }
0x39: {  	_ = 	snop;
	(pc) =	sbr.ind lr, $3  }
0x3a: {  	_ = 	snop  }
0x3b: {  	_ = 	snop  }
0x3c: {  	p2 =	seq.s32 s10, $0x1;
	s10 =	sld [smem:$0x3FAB]  }
0x3d: {  	_ =	shalt  }
0x3e: {  	_ =	shalt  }
0x3f: {  	_ =	shalt  }
0x40: {  	_ =	shalt  }
0x41: {  	_ =	shalt  }
0x42: {  	_ =	shalt  }
0x43: {  	_ =	shalt  }
0x44: {  	_ =	shalt  }
0x45: {  	_ =	shalt  }
0x46: {  	_ =	shalt  }
0x47: {  	_ =	shalt  }
0x48: {  	_ =	shalt  }
0x49: {  	_ =	shalt  }
0x4a: {  	_ =	shalt  }
0x4b: {  	_ =	shalt  }
0x4c: {  	_ =	shalt  }
0x4d: {  	_ =	shalt  }
0x4e: {  	_ =	shalt  }
0x4f: {  	_ =	shalt  }
0x50: {  	_ =	shalt  }
0x51: {  	_ =	shalt  }
0x52: {  	_ =	shalt  }
0x53: {  	_ =	shalt  }
0x54: {  	_ =	shalt  }
0x55: {  	_ =	shalt  }
0x56: {  	_ =	shalt  }
0x57: {  	_ =	shalt  }
0x58: {  	_ =	shalt  }
0x59: {  	_ =	shalt  }
0x5a: {  	_ =	shalt  }
0x5b: {  	_ =	shalt  }
0x5c: {  	_ =	shalt  }
0x5d: {  	_ =	shalt  }
0x5e: {  	_ =	shalt  }
0x5f: {  	_ =	shalt  }
0x60: {  	_ =	shalt  }
0x61: {  	_ =	shalt  }
0x62: {  	_ =	shalt  }
0x63: {  	_ =	shalt  }
0x64: {  	_ =	shalt  }
0x65: {  	_ =	shalt  }
0x66: {  	_ =	shalt  }
0x67: {  	_ =	shalt  }
0x68: {  	_ =	shalt  }
0x69: {  	_ =	shalt  }
0x6a: {  	_ =	shalt  }
0x6b: {  	_ =	shalt  }
0x6c: {  	_ =	shalt  }
0x6d: {  	_ =	shalt  }
0x6e: {  	_ =	shalt  }
0x6f: {  	_ =	shalt  }
0x70: {  	_ =	shalt  }
0x71: {  	_ =	shalt  }
0x72: {  	_ =	shalt  }
0x73: {  	_ =	shalt  }
0x74: {  	_ =	shalt  }
0x75: {  	_ =	shalt  }
0x76: {  	_ =	shalt  }
0x77: {  	_ =	shalt  }
0x78: {  	_ =	shalt  }
0x79: {  	_ =	shalt  }
0x7a: {  	_ =	shalt  }
0x7b: {  	_ =	shalt  }
0x7c: {  	_ =	shalt  }
0x7d: {  	_ =	shalt  }
0x7e: {  	_ =	shalt  }
0x7f: {  	_ =	shalt  }
0x80: {  	_ =	shalt  }
0x81: {  	_ =	shalt  }
0x82: {  	_ =	shalt  }
0x83: {  	_ =	shalt  }
0x84: {  	_ =	shalt  }
0x85: {  	_ =	shalt  }
0x86: {  	_ =	shalt  }
0x87: {  	_ =	shalt  }
.Lfunc_end0:
.L_simem_size_0:
called_computation.1_lowered:
.L_overlay_start_0:
0x88: {  	s2 =	sld [smem:$0x3FD9]  }
0x89: {  	s3 =	sld [smem:$0x3FFE];
	_ =	sdelay $0x1  }
0x8a: {  	s1 =	srdreg.scid  }
0x8b: {  	s0 =	sand.u32 $0x1, s1  }
0x8c: {  	s14 =	sshll.u32 s0, $0xA;
	s2 =	sadd.s32 s3, s2  }
0x8d: {  	s2 =	sadd.s32 s2, s14  }
0x8e: {  	[smem:$0x3FB7] =	sst s2  }
0x8f: {  	_ = 	snop  }
0x90: {  	s2 =	sld [smem:$0x3FD0];
	_ =	sdelay $0x2  }
0x91: {  	s15 =	simm.s32 $0xA;
	s4 =	simm.s32 $0x10  }
0x92: {  	[smem:s4], [sflag:s15] =	dma.local [hbm:s2], $0x1  }
0x93: {  	_ =	swait.eq [sflag:s15], $0x1  }
0x94: {  	[sflag:s15] =	ssyncset.done $0x0  }
0x95: {  	[sflag:s15] =	ssyncadd.s32 $0xFFFFFFFF  }
0x96: {  	s16 =	sld [smem:$0x10];
	(tm) =	ssettm $0x1  }
0x97: {  	s17 =	sld [smem:$0x3FFB];
	_ =	sdelay $0x3  }
0x98: {  	_ =	strace s17  }
0x99: {  	s3 =	sld [smem:$0x3FFC];
	_ =	sdelay $0x3  }
0x9a: {  	_ =	strace s3  }
0x9b: {  	s3 =	sld [smem:$0x3FFD];
	_ =	sdelay $0x3  }
0x9c: {  	_ =	strace s3  }
0x9d: {  	_ =	strace $0x8FFFFFFF  }
0x9e: {  	s18 =	sld [smem:$0x3FDB];
	_ =	sdelay $0x1  }
0x9f: {  	s19 =	simm.s32 $_scs_section_size  }
0xa0: {  	s5 =	simm.s32 $_size__tile_overlayer_lowered;
	s6 =	simm.s32 $_tile_overlayer_lowered  }
0xa1: {  	s22 =	simm.s32 $0x1BFF;
	s21 =	sshll.u32 s6, $0x1;
	s3 =	sadd.s32 s19, s18  }
0xa2: {  	s7 =	simm.s32 $0x0;
	s20 =	sshll.u32 s5, $0x1;
	s5 =	sadd.s32 s21, s3  }
0xa3: {  	[timem:s7], [sflag:s22] =	dma.local [hbm:s5], s20  }
0xa4: {  	_ =	swait.ge [sflag:s22], s20  }
0xa5: {  	s4 =	ssub.s32 $0x0, s20;
	[sflag:s22] =	ssyncset.done $0x0  }
0xa6: {  	[sflag:s22] =	ssyncadd.s32 s4;
	_ =	sdelay $0x1  }
0xa7: {  	s23 =	simm.s32 $0x1B8B  }
0xa8: {  	_ =	swait.ge [sflag:s23], $0x1  }
0xa9: {  	[sflag:s23] =	ssyncset.done $0x0  }
0xaa: {  	s25 =	simm.s32 $0x1B8E;
	s24 =	sld [smem:$0x3FFE];
	[sflag:s23] =	ssyncadd.s32 $0xFFFFFFFF  }
0xab: {  	s26 =	simm.s32 $execute0_lowered;
	[smem:$0x3FD2] =	sst s25  }
0xac: {  	s5 =	sshll.u32 s26, $0x1;
	_ =	strace $0x80000049;
	[dreg:$0x1] =	wrdreg $0xFFFFFFFF  }
0xad: {  	s28 =	simm.s32 $_size_execute0_lowered;
	s3 =	sadd.s32 s3, s5;
	[dreg:$0x0] =	wrdreg $0x0  }
0xae: {  	s5 =	sshll.u32 s28, $0x1;
	[dreg:$0x2] =	wrdreg s3  }
0xaf: {  	[dreg:$0x3] =	wrdreg s5  }
0xb0: {  	[dreg:$0x4] =	wrdreg $0xC0  }
0xb1: {  	_ =	task [dreg:s7], $0x5FFFF  }
0xb2: {  	[dreg:$0x1] =	wrdreg $0xFFFFFFFF  }
0xb3: {  	[dreg:$0x0] =	wrdreg $0x60  }
0xb4: {  	[dreg:$0x2] =	wrdreg s16  }
0xb5: {  	[dreg:$0x3] =	wrdreg s24  }
0xb6: {  	[dreg:$0x4] =	wrdreg $0xA8000  }
0xb7: {  	[dreg:$0x5] =	wrdreg $0x9  }
0xb8: {  	_ =	task.clear_ibuf [dreg:s7], $0x6FFFF;
	_ =	strace $0x90000049  }
0xb9: {  	s29 =	simm.s32 $0x9;
	_ =	strace $0x8000004B  }
0xba: {  	_ =	swait.ge [sflag:s29], $0x1  }
0xbb: {  	[sflag:s29] =	ssyncadd.s32 $0xFFFFFFFF  }
0xbc: {  	_ =	strace $0x9000004B  }
0xbd: {  	_ =	sfence  }
0xbe: {  	s30 =	sld [smem:$0x0];
	_ =	sdelay $0x2  }
0xbf: {  	s31 =	sshll.u32 s1, $0xD;
	s1 =	sshrl.u32 s1, $0x2  }
0xc0: {  	s3 =	sand.u32 $0x4000, s31;
	s1 =	sadd.s32 s1, s30  }
0xc1: {  	s0 =	sor.u32 s3, s0;
	s1 =	sshll.u32 s1, $0x11  }
0xc2: {  	s0 =	sor.u32 s1, s0  }
0xc3: {  	s0 =	sadd.s32 $0x8F2B, s0  }
0xc4: {  	[sflag:s0] =	ssyncadd.remote.s32 $0x1  }
0xc5: {  	_ =	sfence.sel $0xFFFF  }
0xc6: {  	[dreg:$0x0] =	wrdreg $0xFFFFFFFF;
	(pc) =	sbr.abs _section_cstart, $3  }
0xc7: {  	[dreg:$0x1] =	wrdreg $0xFFFFFFFF  }
0xc8: {  	_ =	task.clear_ibuf [dreg:s7], $0x2FFFF;
	_ =	strace $0x9FFFFFFF  }
0xc9: {  	(tm) =	ssettm $0x7FFFFFFF  }
tec
execute0_lowered:
.L_overlay_start_1:
0x0: {  	(tag) =	ssettag $0x1  }
0x1: {  	s1 =	rddreg [dreg:$0x0]  }
0x2: {  	s0 =	srdreg.scid;
	s2 =	rddreg [dreg:$0x1]  }
0x3: {  	s9 =	stileid.u32;
	s3 =	rddreg [dreg:$0x2]  }
0x4: {  	s28 =	simm.s32 $0x1400;
	s29 =	simm.s32 $0x7D;
	s30 =	simm.s32 $0x6800  }
0x5: {  	s31 =	simm.s32 $0x2800;
	s0 =	sand.u32 $0x1, s0;
	s7 =	smul.u32 $0x4E000, s9  }
0x6: {  	s4 =	sshll.u32 s9, $0x1;
	s26 =	smul.u32 $0x13800, s9;
	p0 =	sne.s32 s9, $0xF  }
0x7: {  	s5 =	sor.u32 s0, s4;
	s6 =	ssub.s32 $0x2, s0;
	s0 =	smul.u32 $0x138800, s0  }
0x8: {  	s9 =	simm.s32 $0x0;
	s4 =	simm.s32 $0x0;
	s5 =	smul.u32 $0x2800, s5  }
0x9: {  	[smem:$0x7FF] =	sst s4;
	s8 =	sshrl.u32 s6, $0x1;
	s7 =	sshrl.u32 s7, $0x2  }
0xa: {  	_ =	strace $0x8000004A;
	s6 =	ssub.s32 s6, s8;
	s7 =	sadd.s32 s7, s3  }
0xb: {  	s8 =	sadd.s32 s26, s0;
	s0 =	sshrl.u32 s0, $0x3;
	s19 =	sadd.s32 $0x1800, s7  }
0xc: {  	s26 =	simm.s32 $0x3;
	s20 =	sadd.s32 $0x3000, s7;
	[dreg:$0x6] =	wrdreg s19  }
0xd: {  	s5 =	sshrl.u32 s5, $0x3;
	s21 =	sadd.s32 $0x4800, s7;
	[dreg:$0x7] =	wrdreg s20  }
0xe: {  	s22 =	sadd.s32 $0x6000, s7;
	s23 =	sadd.s32 $0x7800, s7;
	[dreg:$0x8] =	wrdreg s21  }
0xf: {  	s24 =	sadd.s32 $0x9000, s7;
	s25 =	sadd.s32 $0xA800, s7;
	[dreg:$0x9] =	wrdreg s22  }
0x10: {  	s15 =	sadd.s32 $0xC000, s7;
	s16 =	sadd.s32 $0xD800, s7;
	[dreg:$0xa] =	wrdreg s23  }
0x11: {  	s8 =	sshrl.u32 s8, $0x3;
	s5 =	sadd.s32 s5, s2;
	[dreg:$0xb] =	wrdreg s24  }
0x12: {  	s2 =	sadd.s32 $0x17400, s2;
	[dreg:$0xc] =	wrdreg s25;
	s19 =	sadd.s32 $0x12000, s7  }
0x13: {  	s20 =	sadd.s32 $0x138000, s3;
	s25 =	smax.u32 s6, $0x1;
	s6 =	simm.s32 $0x2700  }
0x14: {  	s17 =	sadd.s32 $0x3400, s5;
	s18 =	sadd.s32 $0xD400, s5;
	s21 =	sadd.s32 s2, s8  }
0x15: {  	s0 =	sadd.s32 s2, s0;
	s22 =	sadd.s32 $0x3680, s5;
	s23 =	sadd.s32 $0xD680, s5  }
0x16: {  	s2 =	simm.s32 $0x2;
	s5 =	simm.s32 $0x1380;
	[dreg:$0x4] =	wrdreg s17  }
0x17: {  	s8 =	simm.s32 $0x2780;
	[dreg:$0x5] =	wrdreg s18;
	s17 =	sadd.s32 $0xF000, s7  }
0x18: {  	v0 =	vimm.f32 $0.0e+00;
	s18 =	sadd.s32 $0x10800, s7;
	s24 =	sadd.s32 $0x27000, s0;
	s0 =	simm.s32 $0x1  }
.LBB2_1:
0x19: {  	s10 =	rddreg [dreg:$0x4]  }
0x1a: {  	[tilespmem:s4], [sflag:$0x3] =	stream.linear.gather [hbm4b:s10+s4], $0x1400, $0x38;
	[tilespmem:$0x1E080] =	vst v63  }
0x1b: {  	_ =	swait.ge [sflag:s26], $0x1400  }
0x1c: {  	[sflag:s26] =	ssyncset.done $0x0  }
0x1d: {  	s14 =	rddreg [dreg:$0x5];
	[sflag:s26] =	ssyncadd.s32 $0xFFFFEC00  }
0x1e: {  	[tilespmem:s28], [sflag:$0x3] =	stream.linear.gather [hbm4b:s14+s4], $0x1400, $0x38;
	[tilespmem:$0x1E080] =	vst v63  }
0x1f: {  	_ =	swait.ge [sflag:s26], $0x1400  }
0x20: {  	[sflag:s26] =	ssyncset.done $0x0  }
0x21: {  	s11 =	simm.s32 $0x200;
	s10 =	simm.s32 $0x0;
	[sflag:s26] =	ssyncadd.s32 $0xFFFFEC00  }
0x22: {  	[tilespmem:s30], [sflag:$0x2] =	stream.indirect.gather [hbm4b:s1+s29], $0x80, s4, s29, $0xb8;
	[tilespmem:$0x1E080] =	vst v63  }
.LBB2_2:
0x23: {  	p1 =	sne.s32 s11, $0x5E00;
	[tilespmem:s10+$0x2870] =	vst v0  }
0x24: {  	[tilespmem:s10+$0x2800] =	vst v0  }
0x25: {  	[tilespmem:s10+$0x2810] =	vst v0  }
.Ltmp0:
0x26: {  	[tilespmem:s10+$0x2820] =	vst v0;
	(pc) =	sbr.rel @p1 .LBB2_2-.Ltmp0, $4  }
0x27: {  	[tilespmem:s10+$0x2830] =	vst v0  }
0x28: {  	[tilespmem:s10+$0x2840] =	vst v0  }
0x29: {  	[tilespmem:s10+$0x2850] =	vst v0  }
0x2a: {  	[tilespmem:s10+$0x2860] =	vst v0;
	s10 =	sshra.s32 s11, $0x2;
	s11 =	sadd.s32 $0x200, s11  }
0x2b: {  	[tilespmem:s10+$0x2870] =	vst v0  }
0x2c: {  	[tilespmem:s10+$0x2800] =	vst v0  }
0x2d: {  	[tilespmem:s10+$0x2810] =	vst v0  }
0x2e: {  	[tilespmem:s10+$0x2820] =	vst v0  }
0x2f: {  	[tilespmem:s10+$0x2830] =	vst v0  }
0x30: {  	[tilespmem:s10+$0x2840] =	vst v0  }
0x31: {  	[tilespmem:s10+$0x2850] =	vst v0  }
0x32: {  	[tilespmem:s10+$0x2860] =	vst v0  }
0x33: {  	[spmem:s7] =	stream.linear.scatter [tilespmem:s31], [sflag:$0x3], $0x1800, $0x38;
	[tilespmem:$0x1E080] =	vst v63  }
0x34: {  	_ =	swait.ge [sflag:s26], $0x1800  }
0x35: {  	[sflag:s26] =	ssyncset.done $0x0  }
0x36: {  	s12 =	rddreg [dreg:$0x6];
	[sflag:s26] =	ssyncadd.s32 $0xFFFFE800  }
0x37: {  	[spmem:s12] =	stream.linear.scatter [tilespmem:s31], [sflag:$0x3], $0x1800, $0x38;
	[tilespmem:$0x1E080] =	vst v63  }
0x38: {  	_ =	swait.ge [sflag:s26], $0x1800  }
0x39: {  	[sflag:s26] =	ssyncset.done $0x0  }
0x3a: {  	s13 =	rddreg [dreg:$0x7];
	[sflag:s26] =	ssyncadd.s32 $0xFFFFE800  }
0x3b: {  	[spmem:s13] =	stream.linear.scatter [tilespmem:s31], [sflag:$0x3], $0x1800, $0x38;
	[tilespmem:$0x1E080] =	vst v63  }
0x3c: {  	_ =	swait.ge [sflag:s26], $0x1800  }
0x3d: {  	[sflag:s26] =	ssyncset.done $0x0  }
0x3e: {  	s14 =	rddreg [dreg:$0x8];
	[sflag:s26] =	ssyncadd.s32 $0xFFFFE800  }
0x3f: {  	[spmem:s14] =	stream.linear.scatter [tilespmem:s31], [sflag:$0x3], $0x1800, $0x38;
	[tilespmem:$0x1E080] =	vst v63  }
0x40: {  	_ =	swait.ge [sflag:s26], $0x1800  }
0x41: {  	[sflag:s26] =	ssyncset.done $0x0  }
0x42: {  	s11 =	rddreg [dreg:$0x9];
	[sflag:s26] =	ssyncadd.s32 $0xFFFFE800  }
0x43: {  	[spmem:s11] =	stream.linear.scatter [tilespmem:s31], [sflag:$0x3], $0x1800, $0x38;
	[tilespmem:$0x1E080] =	vst v63  }
0x44: {  	_ =	swait.ge [sflag:s26], $0x1800  }
0x45: {  	[sflag:s26] =	ssyncset.done $0x0  }
0x46: {  	s12 =	rddreg [dreg:$0xa];
	[sflag:s26] =	ssyncadd.s32 $0xFFFFE800  }
0x47: {  	[spmem:s12] =	stream.linear.scatter [tilespmem:s31], [sflag:$0x3], $0x1800, $0x38;
	[tilespmem:$0x1E080] =	vst v63  }
0x48: {  	_ =	swait.ge [sflag:s26], $0x1800  }
0x49: {  	[sflag:s26] =	ssyncset.done $0x0  }
0x4a: {  	s13 =	rddreg [dreg:$0xb];
	[sflag:s26] =	ssyncadd.s32 $0xFFFFE800  }
0x4b: {  	[spmem:s13] =	stream.linear.scatter [tilespmem:s31], [sflag:$0x3], $0x1800, $0x38;
	[tilespmem:$0x1E080] =	vst v63  }
0x4c: {  	_ =	swait.ge [sflag:s26], $0x1800  }
0x4d: {  	[sflag:s26] =	ssyncset.done $0x0  }
0x4e: {  	s14 =	rddreg [dreg:$0xc];
	[sflag:s26] =	ssyncadd.s32 $0xFFFFE800  }
0x4f: {  	[spmem:s14] =	stream.linear.scatter [tilespmem:s31], [sflag:$0x3], $0x1800, $0x38;
	[tilespmem:$0x1E080] =	vst v63  }
0x50: {  	_ =	swait.ge [sflag:s26], $0x1800  }
0x51: {  	[sflag:s26] =	ssyncset.done $0x0  }
0x52: {  	[sflag:s26] =	ssyncadd.s32 $0xFFFFE800  }
0x53: {  	[spmem:s15] =	stream.linear.scatter [tilespmem:s31], [sflag:$0x3], $0x1800, $0x38;
	[tilespmem:$0x1E080] =	vst v63  }
0x54: {  	_ =	swait.ge [sflag:s26], $0x1800  }
0x55: {  	[sflag:s26] =	ssyncset.done $0x0  }
0x56: {  	[sflag:s26] =	ssyncadd.s32 $0xFFFFE800  }
0x57: {  	[spmem:s16] =	stream.linear.scatter [tilespmem:s31], [sflag:$0x3], $0x1800, $0x38;
	[tilespmem:$0x1E080] =	vst v63  }
0x58: {  	_ =	swait.ge [sflag:s26], $0x1800  }
0x59: {  	[sflag:s26] =	ssyncset.done $0x0  }
0x5a: {  	[sflag:s26] =	ssyncadd.s32 $0xFFFFE800  }
0x5b: {  	[spmem:s17] =	stream.linear.scatter [tilespmem:s31], [sflag:$0x3], $0x1800, $0x38;
	[tilespmem:$0x1E080] =	vst v63  }
0x5c: {  	_ =	swait.ge [sflag:s26], $0x1800  }
0x5d: {  	[sflag:s26] =	ssyncset.done $0x0  }
0x5e: {  	[sflag:s26] =	ssyncadd.s32 $0xFFFFE800  }
0x5f: {  	[spmem:s18] =	stream.linear.scatter [tilespmem:s31], [sflag:$0x3], $0x1800, $0x38;
	[tilespmem:$0x1E080] =	vst v63  }
0x60: {  	_ =	swait.ge [sflag:s26], $0x1800  }
0x61: {  	[sflag:s26] =	ssyncset.done $0x0  }
0x62: {  	[sflag:s26] =	ssyncadd.s32 $0xFFFFE800  }
0x63: {  	[spmem:s19] =	stream.linear.scatter [tilespmem:s31], [sflag:$0x3], $0x1800, $0x38;
	[tilespmem:$0x1E080] =	vst v63  }
0x64: {  	_ =	swait.ge [sflag:s26], $0x1800  }
0x65: {  	[sflag:s26] =	ssyncset.done $0x0  }
0x66: {  	s10 =	simm.s32 @!p0 $0x2800;
	[sflag:s26] =	ssyncadd.s32 $0xFFFFE800  }
0x67: {  	[spmem:s20] =	stream.linear.scatter @!p0 [tilespmem:s10], [sflag:$0x3], $0x800, $0x38;
	[tilespmem:$0x1E080] =	vst v63  }
0x68: {  	s10 =	simm.s32 @!p0 $0x3  }
0x69: {  	_ =	swait.ge @!p0 [sflag:s10], $0x800  }
0x6a: {  	[sflag:s10] =	ssyncset.done @!p0 $0x0  }
0x6b: {  	[sflag:s10] =	ssyncadd.s32 @!p0 $0xFFFFF800  }
0x6c: {  	s11 =	simm.s32 $0x80;
	[bflag:$0x0] =	sbarrier.arrive $0xFFFF  }
0x6d: {  	[tilespmem:s31], [sflag:$0x1] =	stream.indirect.gather [hbm4b:s1+s29], $0x80, s11, s29, $0xb8;
	[tilespmem:$0x1E080] =	vst v63  }
0x6e: {  	_ =	swait.ge [sflag:s2], $0x3E80  }
0x6f: {  	[sflag:s2] =	ssyncset.done $0x0  }
0x70: {  	s12 =	simm.s32 $0x1400;
	[sflag:s2] =	ssyncadd.s32 $0xFFFFC180  }
0x71: {  	[spmem:s3] =	stream.indirect.scatter.add.f32 [tilespmem:s30], [sflag:$0x3], $0x80, s12, s29, $0xb8;
	[tilespmem:$0x1E080] =	vst v63  }
0x72: {  	_ =	swait.ge [sflag:s26], $0x3E80  }
0x73: {  	[sflag:s26] =	ssyncset.done $0x0  }
0x74: {  	s13 =	simm.s32 $0x100;
	[sflag:s26] =	ssyncadd.s32 $0xFFFFC180  }
0x75: {  	[tilespmem:s30], [sflag:$0x2] =	stream.indirect.gather [hbm4b:s1+s29], $0x80, s13, s29, $0xb8;
	[tilespmem:$0x1E080] =	vst v63  }
0x76: {  	_ =	swait.ge [sflag:s0], $0x3E80  }
0x77: {  	[sflag:s0] =	ssyncset.done $0x0  }
0x78: {  	s14 =	simm.s32 $0x1480;
	[sflag:s0] =	ssyncadd.s32 $0xFFFFC180  }
0x79: {  	[spmem:s3] =	stream.indirect.scatter.add.f32 [tilespmem:s31], [sflag:$0x3], $0x80, s14, s29, $0xb8;
	[tilespmem:$0x1E080] =	vst v63  }
0x7a: {  	_ =	swait.ge [sflag:s26], $0x3E80  }
0x7b: {  	s10 =	simm.s32 $0x100;
	s11 =	simm.s32 $0x800;
	[sflag:s26] =	ssyncset.done $0x0  }
.LBB2_4:
0x7c: {  	s12 =	sadd.s32 $0x80, s10  }
0x7d: {  	[sflag:s26] =	ssyncadd.s32 $0xFFFFC180;
	s13 =	smov.u32 s11;
	s14 =	sadd.s32 $0x400, s11  }
0x7e: {  	[tilespmem:s31], [sflag:$0x1] =	stream.indirect.gather [hbm4b:s1+s29], $0x80, s12, s29, $0xb8;
	[tilespmem:$0x1E080] =	vst v63  }
0x7f: {  	p1 =	sne.s32 s11, $0x4800;
	_ =	swait.ge [sflag:s2], $0x3E80  }
0x80: {  	[sflag:s2] =	ssyncset.done $0x0  }
0x81: {  	s11 =	sadd.s32 $0x1400, s10;
	[sflag:s2] =	ssyncadd.s32 $0xFFFFC180  }
0x82: {  	[spmem:s3] =	stream.indirect.scatter.add.f32 [tilespmem:s30], [sflag:$0x3], $0x80, s11, s29, $0xb8;
	[tilespmem:$0x1E080] =	vst v63  }
0x83: {  	_ =	swait.ge [sflag:s26], $0x3E80  }
0x84: {  	[sflag:s26] =	ssyncset.done $0x0  }
0x85: {  	s11 =	sadd.s32 $0x100, s10;
	[sflag:s26] =	ssyncadd.s32 $0xFFFFC180  }
0x86: {  	[tilespmem:s30], [sflag:$0x2] =	stream.indirect.gather [hbm4b:s1+s29], $0x80, s11, s29, $0xb8;
	[tilespmem:$0x1E080] =	vst v63  }
0x87: {  	_ =	swait.ge [sflag:s0], $0x3E80  }
.Ltmp1:
0x88: {  	[sflag:s0] =	ssyncset.done $0x0;
	(pc) =	sbr.rel @p1 .LBB2_4-.Ltmp1, $4  }
0x89: {  	s10 =	sadd.s32 $0x1480, s10;
	[sflag:s0] =	ssyncadd.s32 $0xFFFFC180  }
0x8a: {  	[spmem:s3] =	stream.indirect.scatter.add.f32 [tilespmem:s31], [sflag:$0x3], $0x80, s10, s29, $0xb8;
	[tilespmem:$0x1E080] =	vst v63  }
0x8b: {  	_ =	swait.ge [sflag:s26], $0x3E80  }
0x8c: {  	s11 =	smov.u32 s14;
	s10 =	sshra.s32 s13, $0x2;
	[sflag:s26] =	ssyncset.done $0x0  }
0x8d: {  	s11 =	sadd.s32 $0x80, s10;
	[sflag:s26] =	ssyncadd.s32 $0xFFFFC180  }
0x8e: {  	[tilespmem:s31], [sflag:$0x1] =	stream.indirect.gather [hbm4b:s1+s29], $0x80, s11, s29, $0xb8;
	[tilespmem:$0x1E080] =	vst v63  }
0x8f: {  	_ =	swait.ge [sflag:s2], $0x3E80  }
0x90: {  	[sflag:s2] =	ssyncset.done $0x0  }
0x91: {  	s14 =	sadd.s32 $0x1400, s10;
	[sflag:s2] =	ssyncadd.s32 $0xFFFFC180  }
0x92: {  	[spmem:s3] =	stream.indirect.scatter.add.f32 [tilespmem:s30], [sflag:$0x3], $0x80, s14, s29, $0xb8;
	[tilespmem:$0x1E080] =	vst v63  }
0x93: {  	_ =	swait.ge [sflag:s26], $0x3E80  }
0x94: {  	[sflag:s26] =	ssyncset.done $0x0  }
0x95: {  	s12 =	sadd.s32 $0x100, s10;
	[sflag:s26] =	ssyncadd.s32 $0xFFFFC180  }
0x96: {  	[tilespmem:s30], [sflag:$0x2] =	stream.indirect.gather [hbm4b:s1+s29], $0x80, s12, s29, $0xb8;
	[tilespmem:$0x1E080] =	vst v63  }
0x97: {  	_ =	swait.ge [sflag:s0], $0x3E80  }
0x98: {  	[sflag:s0] =	ssyncset.done $0x0  }
0x99: {  	s13 =	sadd.s32 $0x1480, s10;
	[sflag:s0] =	ssyncadd.s32 $0xFFFFC180  }
0x9a: {  	[spmem:s3] =	stream.indirect.scatter.add.f32 [tilespmem:s31], [sflag:$0x3], $0x80, s13, s29, $0xb8;
	[tilespmem:$0x1E080] =	vst v63  }
0x9b: {  	_ =	swait.ge [sflag:s26], $0x3E80  }
0x9c: {  	[sflag:s26] =	ssyncset.done $0x0  }
0x9d: {  	[sflag:s26] =	ssyncadd.s32 $0xFFFFC180  }
0x9e: {  	[tilespmem:s31], [sflag:$0x1] =	stream.indirect.gather [hbm4b:s1+s29], $0x80, s5, s29, $0xb8;
	[tilespmem:$0x1E080] =	vst v63  }
0x9f: {  	_ =	swait.ge [sflag:s2], $0x3E80  }
0xa0: {  	[sflag:s2] =	ssyncset.done $0x0  }
0xa1: {  	[sflag:s2] =	ssyncadd.s32 $0xFFFFC180  }
0xa2: {  	[spmem:s3] =	stream.indirect.scatter.add.f32 [tilespmem:s30], [sflag:$0x3], $0x80, s6, s29, $0xb8;
	[tilespmem:$0x1E080] =	vst v63  }
0xa3: {  	_ =	swait.ge [sflag:s26], $0x3E80  }
0xa4: {  	[sflag:s26] =	ssyncset.done $0x0  }
0xa5: {  	[sflag:s26] =	ssyncadd.s32 $0xFFFFC180  }
0xa6: {  	_ =	swait.ge [sflag:s0], $0x3E80  }
0xa7: {  	[sflag:s0] =	ssyncset.done $0x0  }
0xa8: {  	[sflag:s0] =	ssyncadd.s32 $0xFFFFC180  }
0xa9: {  	[spmem:s3] =	stream.indirect.scatter.add.f32 [tilespmem:s31], [sflag:$0x3], $0x80, s8, s29, $0xb8;
	[tilespmem:$0x1E080] =	vst v63  }
0xaa: {  	_ =	swait.ge [sflag:s26], $0x3E80  }
0xab: {  	[sflag:s26] =	ssyncset.done $0x0  }
0xac: {  	s14 =	simm.s32 $0x0;
	[sflag:s26] =	ssyncadd.s32 $0xFFFFC180  }
0xad: {  	[tilespmem:s14], [sflag:$0x3] =	stream.linear.gather [hbm4b:s22+s14], $0x1400, $0x38;
	[tilespmem:$0x1E080] =	vst v63  }
0xae: {  	_ =	swait.ge [sflag:s26], $0x1400  }
0xaf: {  	[sflag:s26] =	ssyncset.done $0x0  }
0xb0: {  	[sflag:s26] =	ssyncadd.s32 $0xFFFFEC00  }
0xb1: {  	[tilespmem:s28], [sflag:$0x3] =	stream.linear.gather [hbm4b:s23+s14], $0x1400, $0x38;
	[tilespmem:$0x1E080] =	vst v63  }
0xb2: {  	_ =	swait.ge [sflag:s26], $0x1400  }
0xb3: {  	[sflag:s26] =	ssyncset.done $0x0  }
0xb4: {  	[sflag:s26] =	ssyncadd.s32 $0xFFFFEC00  }
0xb5: {  	[tilespmem:s30], [sflag:$0x2] =	stream.indirect.gather [hbm4b:s1+s29], $0x80, s14, s29, $0xb8;
	[tilespmem:$0x1E080] =	vst v63  }
0xb6: {  	s11 =	simm.s32 $0x80  }
0xb7: {  	[tilespmem:s31], [sflag:$0x1] =	stream.indirect.gather [hbm4b:s1+s29], $0x80, s11, s29, $0xb8;
	[tilespmem:$0x1E080] =	vst v63  }
0xb8: {  	_ =	swait.ge [sflag:s2], $0x3E80  }
0xb9: {  	[sflag:s2] =	ssyncset.done $0x0  }
0xba: {  	s12 =	simm.s32 $0x1400;
	[sflag:s2] =	ssyncadd.s32 $0xFFFFC180  }
0xbb: {  	[spmem:s3] =	stream.indirect.scatter.add.f32 [tilespmem:s30], [sflag:$0x3], $0x80, s12, s29, $0xb8;
	[tilespmem:$0x1E080] =	vst v63  }
0xbc: {  	_ =	swait.ge [sflag:s26], $0x3E80  }
0xbd: {  	[sflag:s26] =	ssyncset.done $0x0  }
0xbe: {  	s13 =	simm.s32 $0x100;
	[sflag:s26] =	ssyncadd.s32 $0xFFFFC180  }
0xbf: {  	[tilespmem:s30], [sflag:$0x2] =	stream.indirect.gather [hbm4b:s1+s29], $0x80, s13, s29, $0xb8;
	[tilespmem:$0x1E080] =	vst v63  }
0xc0: {  	_ =	swait.ge [sflag:s0], $0x3E80  }
0xc1: {  	[sflag:s0] =	ssyncset.done $0x0  }
0xc2: {  	s14 =	simm.s32 $0x1480;
	[sflag:s0] =	ssyncadd.s32 $0xFFFFC180  }
0xc3: {  	[spmem:s3] =	stream.indirect.scatter.add.f32 [tilespmem:s31], [sflag:$0x3], $0x80, s14, s29, $0xb8;
	[tilespmem:$0x1E080] =	vst v63  }
0xc4: {  	_ =	swait.ge [sflag:s26], $0x3E80  }
0xc5: {  	s10 =	simm.s32 $0x100;
	s11 =	simm.s32 $0x800;
	[sflag:s26] =	ssyncset.done $0x0  }
.LBB2_6:
0xc6: {  	s12 =	sadd.s32 $0x80, s10  }
0xc7: {  	[sflag:s26] =	ssyncadd.s32 $0xFFFFC180;
	s13 =	smov.u32 s11;
	s14 =	sadd.s32 $0x400, s11  }
0xc8: {  	[tilespmem:s31], [sflag:$0x1] =	stream.indirect.gather [hbm4b:s1+s29], $0x80, s12, s29, $0xb8;
	[tilespmem:$0x1E080] =	vst v63  }
0xc9: {  	p1 =	sne.s32 s11, $0x4800;
	_ =	swait.ge [sflag:s2], $0x3E80  }
0xca: {  	[sflag:s2] =	ssyncset.done $0x0  }
0xcb: {  	s11 =	sadd.s32 $0x1400, s10;
	[sflag:s2] =	ssyncadd.s32 $0xFFFFC180  }
0xcc: {  	[spmem:s3] =	stream.indirect.scatter.add.f32 [tilespmem:s30], [sflag:$0x3], $0x80, s11, s29, $0xb8;
	[tilespmem:$0x1E080] =	vst v63  }
0xcd: {  	_ =	swait.ge [sflag:s26], $0x3E80  }
0xce: {  	[sflag:s26] =	ssyncset.done $0x0  }
0xcf: {  	s11 =	sadd.s32 $0x100, s10;
	[sflag:s26] =	ssyncadd.s32 $0xFFFFC180  }
0xd0: {  	[tilespmem:s30], [sflag:$0x2] =	stream.indirect.gather [hbm4b:s1+s29], $0x80, s11, s29, $0xb8;
	[tilespmem:$0x1E080] =	vst v63  }
0xd1: {  	_ =	swait.ge [sflag:s0], $0x3E80  }
.Ltmp2:
0xd2: {  	[sflag:s0] =	ssyncset.done $0x0;
	(pc) =	sbr.rel @p1 .LBB2_6-.Ltmp2, $4  }
0xd3: {  	s10 =	sadd.s32 $0x1480, s10;
	[sflag:s0] =	ssyncadd.s32 $0xFFFFC180  }
0xd4: {  	[spmem:s3] =	stream.indirect.scatter.add.f32 [tilespmem:s31], [sflag:$0x3], $0x80, s10, s29, $0xb8;
	[tilespmem:$0x1E080] =	vst v63  }
0xd5: {  	_ =	swait.ge [sflag:s26], $0x3E80  }
0xd6: {  	s11 =	smov.u32 s14;
	s10 =	sshra.s32 s13, $0x2;
	[sflag:s26] =	ssyncset.done $0x0  }
0xd7: {  	s11 =	sadd.s32 $0x80, s10;
	[sflag:s26] =	ssyncadd.s32 $0xFFFFC180  }
0xd8: {  	[tilespmem:s31], [sflag:$0x1] =	stream.indirect.gather [hbm4b:s1+s29], $0x80, s11, s29, $0xb8;
	[tilespmem:$0x1E080] =	vst v63  }
0xd9: {  	_ =	swait.ge [sflag:s2], $0x3E80  }
0xda: {  	[sflag:s2] =	ssyncset.done $0x0  }
0xdb: {  	s13 =	sadd.s32 $0x1400, s10;
	[sflag:s2] =	ssyncadd.s32 $0xFFFFC180  }
0xdc: {  	[spmem:s3] =	stream.indirect.scatter.add.f32 [tilespmem:s30], [sflag:$0x3], $0x80, s13, s29, $0xb8;
	[tilespmem:$0x1E080] =	vst v63  }
0xdd: {  	_ =	swait.ge [sflag:s26], $0x3E80  }
0xde: {  	[sflag:s26] =	ssyncset.done $0x0  }
0xdf: {  	s14 =	sadd.s32 $0x100, s10;
	[sflag:s26] =	ssyncadd.s32 $0xFFFFC180  }
0xe0: {  	[tilespmem:s30], [sflag:$0x2] =	stream.indirect.gather [hbm4b:s1+s29], $0x80, s14, s29, $0xb8;
	[tilespmem:$0x1E080] =	vst v63  }
0xe1: {  	_ =	swait.ge [sflag:s0], $0x3E80  }
0xe2: {  	[sflag:s0] =	ssyncset.done $0x0  }
0xe3: {  	s12 =	sadd.s32 $0x1480, s10;
	[sflag:s0] =	ssyncadd.s32 $0xFFFFC180  }
0xe4: {  	[spmem:s3] =	stream.indirect.scatter.add.f32 [tilespmem:s31], [sflag:$0x3], $0x80, s12, s29, $0xb8;
	[tilespmem:$0x1E080] =	vst v63  }
0xe5: {  	_ =	swait.ge [sflag:s26], $0x3E80  }
0xe6: {  	[sflag:s26] =	ssyncset.done $0x0  }
0xe7: {  	[sflag:s26] =	ssyncadd.s32 $0xFFFFC180  }
0xe8: {  	[tilespmem:s31], [sflag:$0x1] =	stream.indirect.gather [hbm4b:s1+s29], $0x80, s5, s29, $0xb8;
	[tilespmem:$0x1E080] =	vst v63  }
0xe9: {  	_ =	swait.ge [sflag:s2], $0x3E80  }
0xea: {  	[sflag:s2] =	ssyncset.done $0x0  }
0xeb: {  	[sflag:s2] =	ssyncadd.s32 $0xFFFFC180  }
0xec: {  	[spmem:s3] =	stream.indirect.scatter.add.f32 [tilespmem:s30], [sflag:$0x3], $0x80, s6, s29, $0xb8;
	[tilespmem:$0x1E080] =	vst v63  }
0xed: {  	_ =	swait.ge [sflag:s26], $0x3E80  }
0xee: {  	[sflag:s26] =	ssyncset.done $0x0  }
0xef: {  	[sflag:s26] =	ssyncadd.s32 $0xFFFFC180  }
0xf0: {  	_ =	swait.ge [sflag:s0], $0x3E80  }
0xf1: {  	[sflag:s0] =	ssyncset.done $0x0  }
0xf2: {  	[sflag:s0] =	ssyncadd.s32 $0xFFFFC180  }
0xf3: {  	[spmem:s3] =	stream.indirect.scatter.add.f32 [tilespmem:s31], [sflag:$0x3], $0x80, s8, s29, $0xb8;
	[tilespmem:$0x1E080] =	vst v63  }
0xf4: {  	_ =	swait.ge [sflag:s26], $0x3E80  }
0xf5: {  	s13 =	stileid.u32;
	[sflag:s26] =	ssyncset.done $0x0  }
0xf6: {  	s10 =	sshll.u32 s13, $0x6;
	[sflag:s26] =	ssyncadd.s32 $0xFFFFC180  }
0xf7: {  	s10 =	sor.u32 $0x1C03, s10;
	s14 =	sshrl.u32 s7, $0x3;
	[bflag:$0x0] =	sbarrier.arrive $0xFFFF  }
0xf8: {  	[hbm:s21], [sflag:s10] =	dma.local [spmem:s14], $0x2700  }
0xf9: {  	_ =	swait.ge [sflag:s26], $0x2700  }
0xfa: {  	s9 =	sadd.s32 $0x1, s9;
	[sflag:s26] =	ssyncset.done $0x0  }
0xfb: {  	s11 =	sshrl.u32 @!p0 s20, $0x3;
	p1 =	sne.s32 s9, s25;
	[sflag:s26] =	ssyncadd.s32 $0xFFFFD900  }
0xfc: {  	[hbm:s24], [sflag:s10] =	dma.local @!p0 [spmem:s11], $0x100  }
.Ltmp3:
0xfd: {  	_ = 	snop;
	(pc) =	sbr.rel @p1 .LBB2_1-.Ltmp3, $4  }
0xfe: {  	s10 =	simm.s32 @!p0 $0x3  }
0xff: {  	_ =	swait.ge @!p0 [sflag:s10], $0x100  }
0x100: {  	[sflag:s10] =	ssyncset.done @!p0 $0x0  }
0x101: {  	[sflag:s10] =	ssyncadd.s32 @!p0 $0xFFFFFF00  }
0x102: {  	_ =	sfence.sel $0x180000  }
0x103: {  	[bflag:$0x0] =	sbarrier.arrive $0xFFFF  }
0x104: {  	_ =	strace $0x9000004A  }
0x105: {  	s0 =	stileid.u32;
	[bflag:$0x2] =	sbarrier.arrive $0xFFFF  }
0x106: {  	p0 =	sne.s32 s0, $0x0;
	s0 =	rddreg [dreg:$0x3]  }
0x107: {  	s0 =	sadd.s32 @!p0 $0x100000, s0  }
0x108: {  	[sflag:s0] =	ssyncadd.tile.s32 @!p0 $0x1;
	_ =	shalt  }
.Lfunc_end2:
_tile_overlayer_lowered:
.L_overlay_start_2:
0x109: {  	(tag) =	ssettag $0x2  }
0x10a: {  	s0 =	rddreg [dreg:$0x0];
	s2 =	stileid.u32  }
0x10b: {  	s1 =	rddreg [dreg:$0x1];
	p0 =	sne.s32 s2, $0x0  }
0x10c: {  	s3 =	rddreg [dreg:$0x2];
	[bflag:$0x3] =	sbarrier.arrive $0xFFFF;
	s2 =	simm.s32 @!p0 $0x1C03  }
0x10d: {  	[timem:s3], [sflag:s2] =	dma.local @!p0 [hbm:s0], s1  }
0x10e: {  	s0 =	simm.s32 @!p0 $0x3  }
0x10f: {  	_ =	swait.ge @!p0 [sflag:s0], s1  }
0x110: {  	s1 =	ssub.s32 @!p0 $0x0, s1;
	[sflag:s0] =	ssyncset.done @!p0 $0x0  }
0x111: {  	[sflag:s0] =	ssyncadd.s32 @!p0 s1  }
0x112: {  	[bflag:$0x3] =	sbarrier.arrive $0xFFFF  }
0x113: {  	_ =	shalt  }

// kernel: kernel.7.cloned.1.call-start
scs
__scs_entry_jumppad:
0x0: {  	(pc) =	sbr.rel $0x88, $3  }
0x1: {  	(tag) =	ssettag $0x0;
	lr =	simm.s32 $0x1  }
0x2: {  	[smem:$0x3F90] =	sst lr;
	_ =	strace $0xD0000000  }
0x3: {  	_ = 	snop  }
0x4: {  	_ = 	snop  }
0x5: {  	_ = 	snop  }
0x6: {  	_ = 	snop  }
0x7: {  	_ = 	snop  }
__scs_overlays_trampoline_lowered:
0x8: {  	[smem:$0x3F9F] =	sst s0  }
0x9: {  	[smem:$0x3FA0] =	sst s1  }
0xa: {  	[smem:$0x3FA1] =	sst s2  }
0xb: {  	[smem:$0x3FA2] =	sst s3  }
0xc: {  	[smem:$0x3FA3] =	sst s4  }
0xd: {  	[smem:$0x3FA4] =	sst s5  }
0xe: {  	[smem:$0x3FA5] =	sst s6  }
0xf: {  	[smem:$0x3FA6] =	sst s7  }
0x10: {  	[smem:$0x3FA7] =	sst s8  }
0x11: {  	[smem:$0x3FA8] =	sst s9;
	s0 =	simm.s32 @!p0 $0x0  }
0x12: {  	s1 =	sld [smem:$0x3F8E];
	s0 =	simm.s32 @p0 $0x1  }
0x13: {  	[smem:$0x3FA9] =	sst s0;
	s0 =	simm.s32 @!p1 $0x0  }
0x14: {  	s2 =	sld [smem:$0x3F8D];
	s0 =	simm.s32 @p1 $0x1  }
0x15: {  	[smem:$0x3FAA] =	sst s0;
	s0 =	simm.s32 @!p2 $0x0  }
0x16: {  	s3 =	sld [smem:$0x3FDB];
	s0 =	simm.s32 @p2 $0x1  }
0x17: {  	s4 =	simm.s32 $0x1BF5;
	[smem:$0x3FAC] =	sst s0  }
0x18: {  	s0 =	sld [smem:$0x3F8F];
	_ =	swait.ge [sflag:s4], $0x0  }
0x19: {  	s7 =	sld [smem:$0x3F90]  }
0x1a: {  	s8 =	sadd.s32 $0xFFFFE003, lr  }
0x1b: {  	s9 =	sadd.s32 $0xFFFFFEF7, lr;
	s5 =	simm.s32 $0xFFFFFFFF;
	p2 =	slt.u32 s8, $0xFFFFF086  }
0x1c: {  	p1 =	slt.u32 s9, $0xF7A;
	s5 =	simm.s32 @!p2 $0x0  }
0x1d: {  	s5 =	simm.s32 @p1 $0x1;
	p0 =	seq.s32 s7, s2  }
0x1e: {  	s7 =	smul.u32 @!p0 $0xF7A, s2;
	p2 =	seq.s32 @!p0 s5, $0x0  }
0x1f: {  	s9 =	smul.u32 $0xF7A, s1;
	s8 =	simm.s32 @!p0 $0x1BF5;
	p2 =	por !p2, p0  }
0x20: {  	[sflag:s8] =	ssyncset.s32 @!p0 $0xFFFFF086;
	s6 =	sadd.s32 @!p0 s3, s7;
	s7 =	simm.s32 @!p0 $0x108  }
0x21: {  	s3 =	sadd.s32 s3, s9;
	s6 =	sadd.s32 @!p0 $0x88, s6;
	s7 =	simm.s32 @p2 $0x1082  }
0x22: {  	[simem:s7], [sflag:s8] =	dma.local @!p0 [hbm:s6], $0xF7A  }
0x23: {  	s9 =	sor.u32 $0xD0000000, s2;
	s6 =	simm.s32 $0x108;
	_ =	swait.ge @!p0 [sflag:s8], $0x0  }
0x24: {  	s3 =	sadd.s32 $0x88, s3;
	s6 =	simm.s32 @!p1 $0x1082;
	[sflag:s4] =	ssyncset.s32 $0xFFFFF086  }
0x25: {  	[simem:s6], [sflag:s4] =	dma.local [hbm:s3], $0xF7A  }
0x26: {  	[smem:$0x3F90] =	sst s1;
	(tag) =	ssettag s2;
	_ =	strace s9  }
0x27: {  	s1 =	sld [smem:$0x3FA0]  }
0x28: {  	s2 =	sld [smem:$0x3FA1]  }
0x29: {  	s4 =	sld [smem:$0x3FA3]  }
0x2a: {  	p0 =	seq.s32 s5, $0x0;
	s5 =	sld [smem:$0x3FA4]  }
0x2b: {  	s6 =	sld [smem:$0x3FA5]  }
0x2c: {  	s7 =	sld [smem:$0x3FA6]  }
0x2d: {  	s3 =	simm.s32 $0x108;
	s8 =	sld [smem:$0x3FA7]  }
0x2e: {  	s3 =	simm.s32 @!p0 $0x1082;
	s9 =	sld [smem:$0x3FA8]  }
0x2f: {  	lr =	sadd.s32 s0, s3;
	s0 =	sld [smem:$0x3F9F]  }
0x30: {  	s3 =	sld [smem:$0x3FA2]  }
0x31: {  	[smem:$0x3FAB] =	sst s10  }
0x32: {  	s10 =	sld [smem:$0x3FA9];
	_ =	sdelay $0x3  }
0x33: {  	p0 =	seq.s32 s10, $0x1;
	s10 =	sld [smem:$0x3FAB];
	_ =	sdelay $0x3  }
0x34: {  	[smem:$0x3FAB] =	sst s10  }
0x35: {  	s10 =	sld [smem:$0x3FAA];
	_ =	sdelay $0x3  }
0x36: {  	p1 =	seq.s32 s10, $0x1;
	s10 =	sld [smem:$0x3FAB];
	_ =	sdelay $0x3  }
0x37: {  	[smem:$0x3FAB] =	sst s10  }
0x38: {  	s10 =	sld [smem:$0x3FAC]  }
0x39: {  	_ = 	snop;
	(pc) =	sbr.ind lr, $3  }
0x3a: {  	_ = 	snop  }
0x3b: {  	_ = 	snop  }
0x3c: {  	p2 =	seq.s32 s10, $0x1;
	s10 =	sld [smem:$0x3FAB]  }
0x3d: {  	_ =	shalt  }
0x3e: {  	_ =	shalt  }
0x3f: {  	_ =	shalt  }
0x40: {  	_ =	shalt  }
0x41: {  	_ =	shalt  }
0x42: {  	_ =	shalt  }
0x43: {  	_ =	shalt  }
0x44: {  	_ =	shalt  }
0x45: {  	_ =	shalt  }
0x46: {  	_ =	shalt  }
0x47: {  	_ =	shalt  }
0x48: {  	_ =	shalt  }
0x49: {  	_ =	shalt  }
0x4a: {  	_ =	shalt  }
0x4b: {  	_ =	shalt  }
0x4c: {  	_ =	shalt  }
0x4d: {  	_ =	shalt  }
0x4e: {  	_ =	shalt  }
0x4f: {  	_ =	shalt  }
0x50: {  	_ =	shalt  }
0x51: {  	_ =	shalt  }
0x52: {  	_ =	shalt  }
0x53: {  	_ =	shalt  }
0x54: {  	_ =	shalt  }
0x55: {  	_ =	shalt  }
0x56: {  	_ =	shalt  }
0x57: {  	_ =	shalt  }
0x58: {  	_ =	shalt  }
0x59: {  	_ =	shalt  }
0x5a: {  	_ =	shalt  }
0x5b: {  	_ =	shalt  }
0x5c: {  	_ =	shalt  }
0x5d: {  	_ =	shalt  }
0x5e: {  	_ =	shalt  }
0x5f: {  	_ =	shalt  }
0x60: {  	_ =	shalt  }
0x61: {  	_ =	shalt  }
0x62: {  	_ =	shalt  }
0x63: {  	_ =	shalt  }
0x64: {  	_ =	shalt  }
0x65: {  	_ =	shalt  }
0x66: {  	_ =	shalt  }
0x67: {  	_ =	shalt  }
0x68: {  	_ =	shalt  }
0x69: {  	_ =	shalt  }
0x6a: {  	_ =	shalt  }
0x6b: {  	_ =	shalt  }
0x6c: {  	_ =	shalt  }
0x6d: {  	_ =	shalt  }
0x6e: {  	_ =	shalt  }
0x6f: {  	_ =	shalt  }
0x70: {  	_ =	shalt  }
0x71: {  	_ =	shalt  }
0x72: {  	_ =	shalt  }
0x73: {  	_ =	shalt  }
0x74: {  	_ =	shalt  }
0x75: {  	_ =	shalt  }
0x76: {  	_ =	shalt  }
0x77: {  	_ =	shalt  }
0x78: {  	_ =	shalt  }
0x79: {  	_ =	shalt  }
0x7a: {  	_ =	shalt  }
0x7b: {  	_ =	shalt  }
0x7c: {  	_ =	shalt  }
0x7d: {  	_ =	shalt  }
0x7e: {  	_ =	shalt  }
0x7f: {  	_ =	shalt  }
0x80: {  	_ =	shalt  }
0x81: {  	_ =	shalt  }
0x82: {  	_ =	shalt  }
0x83: {  	_ =	shalt  }
0x84: {  	_ =	shalt  }
0x85: {  	_ =	shalt  }
0x86: {  	_ =	shalt  }
0x87: {  	_ =	shalt  }
.Lfunc_end0:
.L_simem_size_0:
called_computation_lowered:
.L_overlay_start_0:
0x88: {  	s2 =	sld [smem:$0x3FD9]  }
0x89: {  	s3 =	sld [smem:$0x3FFE];
	_ =	sdelay $0x1  }
0x8a: {  	s1 =	srdreg.scid  }
0x8b: {  	s0 =	sand.u32 $0x1, s1  }
0x8c: {  	s14 =	sshll.u32 s0, $0xA;
	s2 =	sadd.s32 s3, s2  }
0x8d: {  	s2 =	sadd.s32 s2, s14  }
0x8e: {  	[smem:$0x3FB7] =	sst s2  }
0x8f: {  	_ = 	snop  }
0x90: {  	s2 =	sld [smem:$0x3FD0];
	_ =	sdelay $0x2  }
0x91: {  	s15 =	simm.s32 $0xA;
	s4 =	simm.s32 $0x10  }
0x92: {  	[smem:s4], [sflag:s15] =	dma.local [hbm:s2], $0x1  }
0x93: {  	_ =	swait.eq [sflag:s15], $0x1  }
0x94: {  	[sflag:s15] =	ssyncset.done $0x0  }
0x95: {  	s16 =	sld [smem:$0x10];
	[sflag:s15] =	ssyncadd.s32 $0xFFFFFFFF  }
0x96: {  	s17 =	sld [smem:$0x11];
	(tm) =	ssettm $0x1  }
0x97: {  	s18 =	sld [smem:$0x3FFB];
	_ =	sdelay $0x3  }
0x98: {  	_ =	strace s18  }
0x99: {  	s4 =	sld [smem:$0x3FFC];
	_ =	sdelay $0x3  }
0x9a: {  	_ =	strace s4  }
0x9b: {  	s4 =	sld [smem:$0x3FFD];
	_ =	sdelay $0x3  }
0x9c: {  	_ =	strace s4  }
0x9d: {  	_ =	strace $0x8FFFFFFF  }
0x9e: {  	s19 =	sld [smem:$0x3FDB];
	_ =	sdelay $0x1  }
0x9f: {  	s5 =	simm.s32 $_scs_section_size  }
0xa0: {  	s6 =	simm.s32 $_size__tile_overlayer_lowered;
	s7 =	simm.s32 $_tile_overlayer_lowered  }
0xa1: {  	s22 =	simm.s32 $0x1BFF;
	s21 =	sshll.u32 s7, $0x1;
	s4 =	sadd.s32 s5, s19  }
0xa2: {  	s8 =	simm.s32 $0x0;
	s20 =	sshll.u32 s6, $0x1;
	s6 =	sadd.s32 s21, s4  }
0xa3: {  	[timem:s8], [sflag:s22] =	dma.local [hbm:s6], s20  }
0xa4: {  	_ =	swait.ge [sflag:s22], s20  }
0xa5: {  	s5 =	ssub.s32 $0x0, s20;
	[sflag:s22] =	ssyncset.done $0x0  }
0xa6: {  	[sflag:s22] =	ssyncadd.s32 s5;
	_ =	sdelay $0x1  }
0xa7: {  	s23 =	simm.s32 $0x1B8B  }
0xa8: {  	_ =	swait.ge [sflag:s23], $0x1  }
0xa9: {  	[sflag:s23] =	ssyncset.done $0x0  }
0xaa: {  	s25 =	simm.s32 $0x1B8E;
	s24 =	sld [smem:$0x3FFE];
	[sflag:s23] =	ssyncadd.s32 $0xFFFFFFFF  }
0xab: {  	s26 =	simm.s32 $execute0_lowered;
	[smem:$0x3FD2] =	sst s25  }
0xac: {  	s6 =	sshll.u32 s26, $0x1;
	_ =	strace $0x80000046;
	[dreg:$0x1] =	wrdreg $0xFFFFFFFF  }
0xad: {  	s28 =	simm.s32 $_size_execute0_lowered;
	s4 =	sadd.s32 s4, s6;
	[dreg:$0x0] =	wrdreg $0x0  }
0xae: {  	s6 =	sshll.u32 s28, $0x1;
	[dreg:$0x2] =	wrdreg s4  }
0xaf: {  	[dreg:$0x3] =	wrdreg s6  }
0xb0: {  	[dreg:$0x4] =	wrdreg $0xC0  }
0xb1: {  	_ =	task [dreg:s8], $0x5FFFF  }
0xb2: {  	[dreg:$0x1] =	wrdreg $0xFFFFFFFF  }
0xb3: {  	[dreg:$0x0] =	wrdreg $0x60  }
0xb4: {  	[dreg:$0x2] =	wrdreg s16  }
0xb5: {  	[dreg:$0x3] =	wrdreg s24  }
0xb6: {  	[dreg:$0x4] =	wrdreg s17  }
0xb7: {  	[dreg:$0x5] =	wrdreg $0xA8000  }
0xb8: {  	[dreg:$0x6] =	wrdreg $0x9  }
0xb9: {  	_ =	task.clear_ibuf [dreg:s8], $0x7FFFF;
	_ =	strace $0x90000046  }
0xba: {  	s29 =	simm.s32 $0x9;
	_ =	strace $0x80000048  }
0xbb: {  	_ =	swait.ge [sflag:s29], $0x1  }
0xbc: {  	[sflag:s29] =	ssyncadd.s32 $0xFFFFFFFF  }
0xbd: {  	_ =	strace $0x90000048  }
0xbe: {  	_ =	sfence  }
0xbf: {  	s30 =	sld [smem:$0x0];
	_ =	sdelay $0x2  }
0xc0: {  	s31 =	sshll.u32 s1, $0xD;
	s1 =	sshrl.u32 s1, $0x2  }
0xc1: {  	s3 =	sand.u32 $0x4000, s31;
	s1 =	sadd.s32 s1, s30  }
0xc2: {  	s0 =	sor.u32 s3, s0;
	s1 =	sshll.u32 s1, $0x11  }
0xc3: {  	s0 =	sor.u32 s1, s0  }
0xc4: {  	s0 =	sadd.s32 $0x8F2B, s0  }
0xc5: {  	[sflag:s0] =	ssyncadd.remote.s32 $0x1  }
0xc6: {  	_ =	sfence.sel $0xFFFF  }
0xc7: {  	[dreg:$0x0] =	wrdreg $0xFFFFFFFF;
	(pc) =	sbr.abs _section_cstart, $3  }
0xc8: {  	[dreg:$0x1] =	wrdreg $0xFFFFFFFF  }
0xc9: {  	_ =	task.clear_ibuf [dreg:s8], $0x2FFFF;
	_ =	strace $0x9FFFFFFF  }
0xca: {  	(tm) =	ssettm $0x7FFFFFFF  }
0xcb: {  	_ =	shalt  }
tec
execute0_lowered:
.L_overlay_start_1:
0x0: {  	(tag) =	ssettag $0x1  }
0x1: {  	s1 =	rddreg [dreg:$0x0]  }
0x2: {  	s0 =	rddreg [dreg:$0x1];
	s2 =	srdreg.scid  }
0x3: {  	s10 =	stileid.u32;
	s5 =	rddreg [dreg:$0x2]  }
0x4: {  	s3 =	rddreg [dreg:$0x3];
	s28 =	simm.s32 $0x1400;
	s29 =	simm.s32 $0x7D  }
0x5: {  	s30 =	simm.s32 $0x6800;
	s31 =	simm.s32 $0x2800;
	s8 =	smul.u32 $0x4E000, s10  }
0x6: {  	s2 =	sand.u32 $0x1, s2;
	s4 =	sshll.u32 s10, $0x1;
	s26 =	smul.u32 $0x13800, s10  }
0x7: {  	s6 =	sor.u32 s2, s4;
	s7 =	ssub.s32 $0x2, s2;
	s2 =	smul.u32 $0x138800, s2  }
0x8: {  	p0 =	sne.s32 s10, $0xF;
	s4 =	simm.s32 $0x0;
	s6 =	smul.u32 $0x2800, s6  }
0x9: {  	[smem:$0x7FF] =	sst s4;
	s9 =	sshrl.u32 s7, $0x1;
	s16 =	sshrl.u32 s8, $0x2  }
0xa: {  	_ =	strace $0x80000047;
	s14 =	ssub.s32 s7, s9;
	s7 =	sadd.s32 s16, s3  }
0xb: {  	s8 =	sadd.s32 s26, s2;
	s2 =	sshrl.u32 s2, $0x3;
	s19 =	sadd.s32 $0x1800, s7  }
0xc: {  	s26 =	simm.s32 $0x3;
	s20 =	sadd.s32 $0x3000, s7;
	[dreg:$0x7] =	wrdreg s19  }
0xd: {  	s9 =	simm.s32 $0x0;
	s21 =	sadd.s32 $0x4800, s7;
	[dreg:$0x8] =	wrdreg s20  }
0xe: {  	s6 =	sshrl.u32 s6, $0x3;
	s22 =	sadd.s32 $0x6000, s7;
	[dreg:$0x9] =	wrdreg s21  }
0xf: {  	s23 =	sadd.s32 $0x7800, s7;
	s24 =	sadd.s32 $0x9000, s7;
	[dreg:$0xa] =	wrdreg s22  }
0x10: {  	s25 =	sadd.s32 $0xA800, s7;
	s15 =	sadd.s32 $0xC000, s7;
	[dreg:$0xb] =	wrdreg s23  }
0x11: {  	s16 =	sadd.s32 $0xD800, s7;
	s8 =	sshrl.u32 s8, $0x3;
	[dreg:$0xc] =	wrdreg s24  }
0x12: {  	s2 =	sadd.s32 s5, s2;
	s0 =	sadd.s32 s6, s0;
	[dreg:$0xd] =	wrdreg s25  }
0x13: {  	s19 =	sadd.s32 $0x12000, s7;
	s20 =	sadd.s32 $0x138000, s3;
	s21 =	sadd.s32 s5, s8  }
0x14: {  	s24 =	sadd.s32 $0x27000, s2;
	s25 =	smax.u32 s14, $0x1;
	s2 =	simm.s32 $0x2  }
0x15: {  	s5 =	simm.s32 $0x1380;
	s6 =	simm.s32 $0x2700;
	s8 =	simm.s32 $0x2780  }
0x16: {  	s17 =	sadd.s32 $0x3400, s0;
	s18 =	sadd.s32 $0xD400, s0;
	s22 =	sadd.s32 $0x3680, s0  }
0x17: {  	s23 =	sadd.s32 $0xD680, s0;
	s0 =	simm.s32 $0x1;
	[dreg:$0x5] =	wrdreg s17  }
0x18: {  	v0 =	vimm.f32 $0.0e+00;
	[dreg:$0x6] =	wrdreg s18;
	s17 =	sadd.s32 $0xF000, s7;
	s18 =	sadd.s32 $0x10800, s7  }
.LBB2_1:
0x19: {  	s10 =	rddreg [dreg:$0x5]  }
0x1a: {  	[tilespmem:s4], [sflag:$0x3] =	stream.linear.gather [hbm4b:s10+s4], $0x1400, $0x38;
	[tilespmem:$0x1E080] =	vst v63  }
0x1b: {  	_ =	swait.ge [sflag:s26], $0x1400  }
0x1c: {  	[sflag:s26] =	ssyncset.done $0x0  }
0x1d: {  	s14 =	rddreg [dreg:$0x6];
	[sflag:s26] =	ssyncadd.s32 $0xFFFFEC00  }
0x1e: {  	[tilespmem:s28], [sflag:$0x3] =	stream.linear.gather [hbm4b:s14+s4], $0x1400, $0x38;
	[tilespmem:$0x1E080] =	vst v63  }
0x1f: {  	_ =	swait.ge [sflag:s26], $0x1400  }
0x20: {  	[sflag:s26] =	ssyncset.done $0x0  }
0x21: {  	s11 =	simm.s32 $0x200;
	s10 =	simm.s32 $0x0;
	[sflag:s26] =	ssyncadd.s32 $0xFFFFEC00  }
0x22: {  	[tilespmem:s30], [sflag:$0x2] =	stream.indirect.gather [hbm4b:s1+s29], $0x80, s4, s29, $0xb8;
	[tilespmem:$0x1E080] =	vst v63  }
.LBB2_2:
0x23: {  	p1 =	sne.s32 s11, $0x5E00;
	[tilespmem:s10+$0x2870] =	vst v0  }
0x24: {  	[tilespmem:s10+$0x2800] =	vst v0  }
0x25: {  	[tilespmem:s10+$0x2810] =	vst v0  }
.Ltmp0:
0x26: {  	[tilespmem:s10+$0x2820] =	vst v0;
	(pc) =	sbr.rel @p1 .LBB2_2-.Ltmp0, $4  }
0x27: {  	[tilespmem:s10+$0x2830] =	vst v0  }
0x28: {  	[tilespmem:s10+$0x2840] =	vst v0  }
0x29: {  	[tilespmem:s10+$0x2850] =	vst v0  }
0x2a: {  	[tilespmem:s10+$0x2860] =	vst v0;
	s10 =	sshra.s32 s11, $0x2;
	s11 =	sadd.s32 $0x200, s11  }
0x2b: {  	[tilespmem:s10+$0x2870] =	vst v0  }
0x2c: {  	[tilespmem:s10+$0x2800] =	vst v0  }
0x2d: {  	[tilespmem:s10+$0x2810] =	vst v0  }
0x2e: {  	[tilespmem:s10+$0x2820] =	vst v0  }
0x2f: {  	[tilespmem:s10+$0x2830] =	vst v0  }
0x30: {  	[tilespmem:s10+$0x2840] =	vst v0  }
0x31: {  	[tilespmem:s10+$0x2850] =	vst v0  }
0x32: {  	[tilespmem:s10+$0x2860] =	vst v0  }
0x33: {  	[spmem:s7] =	stream.linear.scatter [tilespmem:s31], [sflag:$0x3], $0x1800, $0x38;
	[tilespmem:$0x1E080] =	vst v63  }
0x34: {  	_ =	swait.ge [sflag:s26], $0x1800  }
0x35: {  	[sflag:s26] =	ssyncset.done $0x0  }
0x36: {  	s12 =	rddreg [dreg:$0x7];
	[sflag:s26] =	ssyncadd.s32 $0xFFFFE800  }
0x37: {  	[spmem:s12] =	stream.linear.scatter [tilespmem:s31], [sflag:$0x3], $0x1800, $0x38;
	[tilespmem:$0x1E080] =	vst v63  }
0x38: {  	_ =	swait.ge [sflag:s26], $0x1800  }
0x39: {  	[sflag:s26] =	ssyncset.done $0x0  }
0x3a: {  	s13 =	rddreg [dreg:$0x8];
	[sflag:s26] =	ssyncadd.s32 $0xFFFFE800  }
0x3b: {  	[spmem:s13] =	stream.linear.scatter [tilespmem:s31], [sflag:$0x3], $0x1800, $0x38;
	[tilespmem:$0x1E080] =	vst v63  }
0x3c: {  	_ =	swait.ge [sflag:s26], $0x1800  }
0x3d: {  	[sflag:s26] =	ssyncset.done $0x0  }
0x3e: {  	s14 =	rddreg [dreg:$0x9];
	[sflag:s26] =	ssyncadd.s32 $0xFFFFE800  }
0x3f: {  	[spmem:s14] =	stream.linear.scatter [tilespmem:s31], [sflag:$0x3], $0x1800, $0x38;
	[tilespmem:$0x1E080] =	vst v63  }
0x40: {  	_ =	swait.ge [sflag:s26], $0x1800  }
0x41: {  	[sflag:s26] =	ssyncset.done $0x0  }
0x42: {  	s11 =	rddreg [dreg:$0xa];
	[sflag:s26] =	ssyncadd.s32 $0xFFFFE800  }
0x43: {  	[spmem:s11] =	stream.linear.scatter [tilespmem:s31], [sflag:$0x3], $0x1800, $0x38;
	[tilespmem:$0x1E080] =	vst v63  }
0x44: {  	_ =	swait.ge [sflag:s26], $0x1800  }
0x45: {  	[sflag:s26] =	ssyncset.done $0x0  }
0x46: {  	s12 =	rddreg [dreg:$0xb];
	[sflag:s26] =	ssyncadd.s32 $0xFFFFE800  }
0x47: {  	[spmem:s12] =	stream.linear.scatter [tilespmem:s31], [sflag:$0x3], $0x1800, $0x38;
	[tilespmem:$0x1E080] =	vst v63  }
0x48: {  	_ =	swait.ge [sflag:s26], $0x1800  }
0x49: {  	[sflag:s26] =	ssyncset.done $0x0  }
0x4a: {  	s13 =	rddreg [dreg:$0xc];
	[sflag:s26] =	ssyncadd.s32 $0xFFFFE800  }
0x4b: {  	[spmem:s13] =	stream.linear.scatter [tilespmem:s31], [sflag:$0x3], $0x1800, $0x38;
	[tilespmem:$0x1E080] =	vst v63  }
0x4c: {  	_ =	swait.ge [sflag:s26], $0x1800  }
0x4d: {  	[sflag:s26] =	ssyncset.done $0x0  }
0x4e: {  	s14 =	rddreg [dreg:$0xd];
	[sflag:s26] =	ssyncadd.s32 $0xFFFFE800  }
0x4f: {  	[spmem:s14] =	stream.linear.scatter [tilespmem:s31], [sflag:$0x3], $0x1800, $0x38;
	[tilespmem:$0x1E080] =	vst v63  }
0x50: {  	_ =	swait.ge [sflag:s26], $0x1800  }
0x51: {  	[sflag:s26] =	ssyncset.done $0x0  }
0x52: {  	[sflag:s26] =	ssyncadd.s32 $0xFFFFE800  }
0x53: {  	[spmem:s15] =	stream.linear.scatter [tilespmem:s31], [sflag:$0x3], $0x1800, $0x38;
	[tilespmem:$0x1E080] =	vst v63  }
0x54: {  	_ =	swait.ge [sflag:s26], $0x1800  }
0x55: {  	[sflag:s26] =	ssyncset.done $0x0  }
0x56: {  	[sflag:s26] =	ssyncadd.s32 $0xFFFFE800  }
0x57: {  	[spmem:s16] =	stream.linear.scatter [tilespmem:s31], [sflag:$0x3], $0x1800, $0x38;
	[tilespmem:$0x1E080] =	vst v63  }
0x58: {  	_ =	swait.ge [sflag:s26], $0x1800  }
0x59: {  	[sflag:s26] =	ssyncset.done $0x0  }
0x5a: {  	[sflag:s26] =	ssyncadd.s32 $0xFFFFE800  }
0x5b: {  	[spmem:s17] =	stream.linear.scatter [tilespmem:s31], [sflag:$0x3], $0x1800, $0x38;
	[tilespmem:$0x1E080] =	vst v63  }
0x5c: {  	_ =	swait.ge [sflag:s26], $0x1800  }
0x5d: {  	[sflag:s26] =	ssyncset.done $0x0  }
0x5e: {  	[sflag:s26] =	ssyncadd.s32 $0xFFFFE800  }
0x5f: {  	[spmem:s18] =	stream.linear.scatter [tilespmem:s31], [sflag:$0x3], $0x1800, $0x38;
	[tilespmem:$0x1E080] =	vst v63  }
0x60: {  	_ =	swait.ge [sflag:s26], $0x1800  }
0x61: {  	[sflag:s26] =	ssyncset.done $0x0  }
0x62: {  	[sflag:s26] =	ssyncadd.s32 $0xFFFFE800  }
0x63: {  	[spmem:s19] =	stream.linear.scatter [tilespmem:s31], [sflag:$0x3], $0x1800, $0x38;
	[tilespmem:$0x1E080] =	vst v63  }
0x64: {  	_ =	swait.ge [sflag:s26], $0x1800  }
0x65: {  	[sflag:s26] =	ssyncset.done $0x0  }
0x66: {  	s10 =	simm.s32 @!p0 $0x2800;
	[sflag:s26] =	ssyncadd.s32 $0xFFFFE800  }
0x67: {  	[spmem:s20] =	stream.linear.scatter @!p0 [tilespmem:s10], [sflag:$0x3], $0x800, $0x38;
	[tilespmem:$0x1E080] =	vst v63  }
0x68: {  	s10 =	simm.s32 @!p0 $0x3  }
0x69: {  	_ =	swait.ge @!p0 [sflag:s10], $0x800  }
0x6a: {  	[sflag:s10] =	ssyncset.done @!p0 $0x0  }
0x6b: {  	[sflag:s10] =	ssyncadd.s32 @!p0 $0xFFFFF800  }
0x6c: {  	s11 =	simm.s32 $0x80;
	[bflag:$0x0] =	sbarrier.arrive $0xFFFF  }
0x6d: {  	[tilespmem:s31], [sflag:$0x1] =	stream.indirect.gather [hbm4b:s1+s29], $0x80, s11, s29, $0xb8;
	[tilespmem:$0x1E080] =	vst v63  }
0x6e: {  	_ =	swait.ge [sflag:s2], $0x3E80  }
0x6f: {  	[sflag:s2] =	ssyncset.done $0x0  }
0x70: {  	s12 =	simm.s32 $0x1400;
	[sflag:s2] =	ssyncadd.s32 $0xFFFFC180  }
0x71: {  	[spmem:s3] =	stream.indirect.scatter.add.f32 [tilespmem:s30], [sflag:$0x3], $0x80, s12, s29, $0xb8;
	[tilespmem:$0x1E080] =	vst v63  }
0x72: {  	_ =	swait.ge [sflag:s26], $0x3E80  }
0x73: {  	[sflag:s26] =	ssyncset.done $0x0  }
0x74: {  	s13 =	simm.s32 $0x100;
	[sflag:s26] =	ssyncadd.s32 $0xFFFFC180  }
0x75: {  	[tilespmem:s30], [sflag:$0x2] =	stream.indirect.gather [hbm4b:s1+s29], $0x80, s13, s29, $0xb8;
	[tilespmem:$0x1E080] =	vst v63  }
0x76: {  	_ =	swait.ge [sflag:s0], $0x3E80  }
0x77: {  	[sflag:s0] =	ssyncset.done $0x0  }
0x78: {  	s14 =	simm.s32 $0x1480;
	[sflag:s0] =	ssyncadd.s32 $0xFFFFC180  }
0x79: {  	[spmem:s3] =	stream.indirect.scatter.add.f32 [tilespmem:s31], [sflag:$0x3], $0x80, s14, s29, $0xb8;
	[tilespmem:$0x1E080] =	vst v63  }
0x7a: {  	_ =	swait.ge [sflag:s26], $0x3E80  }
0x7b: {  	s10 =	simm.s32 $0x100;
	s11 =	simm.s32 $0x800;
	[sflag:s26] =	ssyncset.done $0x0  }
.LBB2_4:
0x7c: {  	s12 =	sadd.s32 $0x80, s10  }
0x7d: {  	[sflag:s26] =	ssyncadd.s32 $0xFFFFC180;
	s13 =	smov.u32 s11;
	s14 =	sadd.s32 $0x400, s11  }
0x7e: {  	[tilespmem:s31], [sflag:$0x1] =	stream.indirect.gather [hbm4b:s1+s29], $0x80, s12, s29, $0xb8;
	[tilespmem:$0x1E080] =	vst v63  }
0x7f: {  	p1 =	sne.s32 s11, $0x4800;
	_ =	swait.ge [sflag:s2], $0x3E80  }
0x80: {  	[sflag:s2] =	ssyncset.done $0x0  }
0x81: {  	s11 =	sadd.s32 $0x1400, s10;
	[sflag:s2] =	ssyncadd.s32 $0xFFFFC180  }
0x82: {  	[spmem:s3] =	stream.indirect.scatter.add.f32 [tilespmem:s30], [sflag:$0x3], $0x80, s11, s29, $0xb8;
	[tilespmem:$0x1E080] =	vst v63  }
0x83: {  	_ =	swait.ge [sflag:s26], $0x3E80  }
0x84: {  	[sflag:s26] =	ssyncset.done $0x0  }
0x85: {  	s11 =	sadd.s32 $0x100, s10;
	[sflag:s26] =	ssyncadd.s32 $0xFFFFC180  }
0x86: {  	[tilespmem:s30], [sflag:$0x2] =	stream.indirect.gather [hbm4b:s1+s29], $0x80, s11, s29, $0xb8;
	[tilespmem:$0x1E080] =	vst v63  }
0x87: {  	_ =	swait.ge [sflag:s0], $0x3E80  }
.Ltmp1:
0x88: {  	[sflag:s0] =	ssyncset.done $0x0;
	(pc) =	sbr.rel @p1 .LBB2_4-.Ltmp1, $4  }
0x89: {  	s10 =	sadd.s32 $0x1480, s10;
	[sflag:s0] =	ssyncadd.s32 $0xFFFFC180  }
0x8a: {  	[spmem:s3] =	stream.indirect.scatter.add.f32 [tilespmem:s31], [sflag:$0x3], $0x80, s10, s29, $0xb8;
	[tilespmem:$0x1E080] =	vst v63  }
0x8b: {  	_ =	swait.ge [sflag:s26], $0x3E80  }
0x8c: {  	s11 =	smov.u32 s14;
	s10 =	sshra.s32 s13, $0x2;
	[sflag:s26] =	ssyncset.done $0x0  }
0x8d: {  	s11 =	sadd.s32 $0x80, s10;
	[sflag:s26] =	ssyncadd.s32 $0xFFFFC180  }
0x8e: {  	[tilespmem:s31], [sflag:$0x1] =	stream.indirect.gather [hbm4b:s1+s29], $0x80, s11, s29, $0xb8;
	[tilespmem:$0x1E080] =	vst v63  }
0x8f: {  	_ =	swait.ge [sflag:s2], $0x3E80  }
0x90: {  	[sflag:s2] =	ssyncset.done $0x0  }
0x91: {  	s14 =	sadd.s32 $0x1400, s10;
	[sflag:s2] =	ssyncadd.s32 $0xFFFFC180  }
0x92: {  	[spmem:s3] =	stream.indirect.scatter.add.f32 [tilespmem:s30], [sflag:$0x3], $0x80, s14, s29, $0xb8;
	[tilespmem:$0x1E080] =	vst v63  }
0x93: {  	_ =	swait.ge [sflag:s26], $0x3E80  }
0x94: {  	[sflag:s26] =	ssyncset.done $0x0  }
0x95: {  	s12 =	sadd.s32 $0x100, s10;
	[sflag:s26] =	ssyncadd.s32 $0xFFFFC180  }
0x96: {  	[tilespmem:s30], [sflag:$0x2] =	stream.indirect.gather [hbm4b:s1+s29], $0x80, s12, s29, $0xb8;
	[tilespmem:$0x1E080] =	vst v63  }
0x97: {  	_ =	swait.ge [sflag:s0], $0x3E80  }
0x98: {  	[sflag:s0] =	ssyncset.done $0x0  }
0x99: {  	s13 =	sadd.s32 $0x1480, s10;
	[sflag:s0] =	ssyncadd.s32 $0xFFFFC180  }
0x9a: {  	[spmem:s3] =	stream.indirect.scatter.add.f32 [tilespmem:s31], [sflag:$0x3], $0x80, s13, s29, $0xb8;
	[tilespmem:$0x1E080] =	vst v63  }
0x9b: {  	_ =	swait.ge [sflag:s26], $0x3E80  }
0x9c: {  	[sflag:s26] =	ssyncset.done $0x0  }
0x9d: {  	[sflag:s26] =	ssyncadd.s32 $0xFFFFC180  }
0x9e: {  	[tilespmem:s31], [sflag:$0x1] =	stream.indirect.gather [hbm4b:s1+s29], $0x80, s5, s29, $0xb8;
	[tilespmem:$0x1E080] =	vst v63  }
0x9f: {  	_ =	swait.ge [sflag:s2], $0x3E80  }
0xa0: {  	[sflag:s2] =	ssyncset.done $0x0  }
0xa1: {  	[sflag:s2] =	ssyncadd.s32 $0xFFFFC180  }
0xa2: {  	[spmem:s3] =	stream.indirect.scatter.add.f32 [tilespmem:s30], [sflag:$0x3], $0x80, s6, s29, $0xb8;
	[tilespmem:$0x1E080] =	vst v63  }
0xa3: {  	_ =	swait.ge [sflag:s26], $0x3E80  }
0xa4: {  	[sflag:s26] =	ssyncset.done $0x0  }
0xa5: {  	[sflag:s26] =	ssyncadd.s32 $0xFFFFC180  }
0xa6: {  	_ =	swait.ge [sflag:s0], $0x3E80  }
0xa7: {  	[sflag:s0] =	ssyncset.done $0x0  }
0xa8: {  	[sflag:s0] =	ssyncadd.s32 $0xFFFFC180  }
0xa9: {  	[spmem:s3] =	stream.indirect.scatter.add.f32 [tilespmem:s31], [sflag:$0x3], $0x80, s8, s29, $0xb8;
	[tilespmem:$0x1E080] =	vst v63  }
0xaa: {  	_ =	swait.ge [sflag:s26], $0x3E80  }
0xab: {  	[sflag:s26] =	ssyncset.done $0x0  }
0xac: {  	s14 =	simm.s32 $0x0;
	[sflag:s26] =	ssyncadd.s32 $0xFFFFC180  }
0xad: {  	[tilespmem:s14], [sflag:$0x3] =	stream.linear.gather [hbm4b:s22+s14], $0x1400, $0x38;
	[tilespmem:$0x1E080] =	vst v63  }
0xae: {  	_ =	swait.ge [sflag:s26], $0x1400  }
0xaf: {  	[sflag:s26] =	ssyncset.done $0x0  }
0xb0: {  	[sflag:s26] =	ssyncadd.s32 $0xFFFFEC00  }
0xb1: {  	[tilespmem:s28], [sflag:$0x3] =	stream.linear.gather [hbm4b:s23+s14], $0x1400, $0x38;
	[tilespmem:$0x1E080] =	vst v63  }
0xb2: {  	_ =	swait.ge [sflag:s26], $0x1400  }
0xb3: {  	[sflag:s26] =	ssyncset.done $0x0  }
0xb4: {  	[sflag:s26] =	ssyncadd.s32 $0xFFFFEC00  }
0xb5: {  	[tilespmem:s30], [sflag:$0x2] =	stream.indirect.gather [hbm4b:s1+s29], $0x80, s14, s29, $0xb8;
	[tilespmem:$0x1E080] =	vst v63  }
0xb6: {  	s11 =	simm.s32 $0x80  }
0xb7: {  	[tilespmem:s31], [sflag:$0x1] =	stream.indirect.gather [hbm4b:s1+s29], $0x80, s11, s29, $0xb8;
	[tilespmem:$0x1E080] =	vst v63  }
0xb8: {  	_ =	swait.ge [sflag:s2], $0x3E80  }
0xb9: {  	[sflag:s2] =	ssyncset.done $0x0  }
0xba: {  	s12 =	simm.s32 $0x1400;
	[sflag:s2] =	ssyncadd.s32 $0xFFFFC180  }
0xbb: {  	[spmem:s3] =	stream.indirect.scatter.add.f32 [tilespmem:s30], [sflag:$0x3], $0x80, s12, s29, $0xb8;
	[tilespmem:$0x1E080] =	vst v63  }
0xbc: {  	_ =	swait.ge [sflag:s26], $0x3E80  }
0xbd: {  	[sflag:s26] =	ssyncset.done $0x0  }
0xbe: {  	s13 =	simm.s32 $0x100;
	[sflag:s26] =	ssyncadd.s32 $0xFFFFC180  }
0xbf: {  	[tilespmem:s30], [sflag:$0x2] =	stream.indirect.gather [hbm4b:s1+s29], $0x80, s13, s29, $0xb8;
	[tilespmem:$0x1E080] =	vst v63  }
0xc0: {  	_ =	swait.ge [sflag:s0], $0x3E80  }
0xc1: {  	[sflag:s0] =	ssyncset.done $0x0  }
0xc2: {  	s14 =	simm.s32 $0x1480;
	[sflag:s0] =	ssyncadd.s32 $0xFFFFC180  }
0xc3: {  	[spmem:s3] =	stream.indirect.scatter.add.f32 [tilespmem:s31], [sflag:$0x3], $0x80, s14, s29, $0xb8;
	[tilespmem:$0x1E080] =	vst v63  }
0xc4: {  	_ =	swait.ge [sflag:s26], $0x3E80  }
0xc5: {  	s10 =	simm.s32 $0x100;
	s11 =	simm.s32 $0x800;
	[sflag:s26] =	ssyncset.done $0x0  }
.LBB2_6:
0xc6: {  	s12 =	sadd.s32 $0x80, s10  }
0xc7: {  	[sflag:s26] =	ssyncadd.s32 $0xFFFFC180;
	s13 =	smov.u32 s11;
	s14 =	sadd.s32 $0x400, s11  }
0xc8: {  	[tilespmem:s31], [sflag:$0x1] =	stream.indirect.gather [hbm4b:s1+s29], $0x80, s12, s29, $0xb8;
	[tilespmem:$0x1E080] =	vst v63  }
0xc9: {  	p1 =	sne.s32 s11, $0x4800;
	_ =	swait.ge [sflag:s2], $0x3E80  }
0xca: {  	[sflag:s2] =	ssyncset.done $0x0  }
0xcb: {  	s11 =	sadd.s32 $0x1400, s10;
	[sflag:s2] =	ssyncadd.s32 $0xFFFFC180  }
0xcc: {  	[spmem:s3] =	stream.indirect.scatter.add.f32 [tilespmem:s30], [sflag:$0x3], $0x80, s11, s29, $0xb8;
	[tilespmem:$0x1E080] =	vst v63  }
0xcd: {  	_ =	swait.ge [sflag:s26], $0x3E80  }
0xce: {  	[sflag:s26] =	ssyncset.done $0x0  }
0xcf: {  	s11 =	sadd.s32 $0x100, s10;
	[sflag:s26] =	ssyncadd.s32 $0xFFFFC180  }
0xd0: {  	[tilespmem:s30], [sflag:$0x2] =	stream.indirect.gather [hbm4b:s1+s29], $0x80, s11, s29, $0xb8;
	[tilespmem:$0x1E080] =	vst v63  }
0xd1: {  	_ =	swait.ge [sflag:s0], $0x3E80  }
.Ltmp2:
0xd2: {  	[sflag:s0] =	ssyncset.done $0x0;
	(pc) =	sbr.rel @p1 .LBB2_6-.Ltmp2, $4  }
0xd3: {  	s10 =	sadd.s32 $0x1480, s10;
	[sflag:s0] =	ssyncadd.s32 $0xFFFFC180  }
0xd4: {  	[spmem:s3] =	stream.indirect.scatter.add.f32 [tilespmem:s31], [sflag:$0x3], $0x80, s10, s29, $0xb8;
	[tilespmem:$0x1E080] =	vst v63  }
0xd5: {  	_ =	swait.ge [sflag:s26], $0x3E80  }
0xd6: {  	s11 =	smov.u32 s14;
	s10 =	sshra.s32 s13, $0x2;
	[sflag:s26] =	ssyncset.done $0x0  }
0xd7: {  	s11 =	sadd.s32 $0x80, s10;
	[sflag:s26] =	ssyncadd.s32 $0xFFFFC180  }
0xd8: {  	[tilespmem:s31], [sflag:$0x1] =	stream.indirect.gather [hbm4b:s1+s29], $0x80, s11, s29, $0xb8;
	[tilespmem:$0x1E080] =	vst v63  }
0xd9: {  	_ =	swait.ge [sflag:s2], $0x3E80  }
0xda: {  	[sflag:s2] =	ssyncset.done $0x0  }
0xdb: {  	s13 =	sadd.s32 $0x1400, s10;
	[sflag:s2] =	ssyncadd.s32 $0xFFFFC180  }
0xdc: {  	[spmem:s3] =	stream.indirect.scatter.add.f32 [tilespmem:s30], [sflag:$0x3], $0x80, s13, s29, $0xb8;
	[tilespmem:$0x1E080] =	vst v63  }
0xdd: {  	_ =	swait.ge [sflag:s26], $0x3E80  }
0xde: {  	[sflag:s26] =	ssyncset.done $0x0  }
0xdf: {  	s14 =	sadd.s32 $0x100, s10;
	[sflag:s26] =	ssyncadd.s32 $0xFFFFC180  }
0xe0: {  	[tilespmem:s30], [sflag:$0x2] =	stream.indirect.gather [hbm4b:s1+s29], $0x80, s14, s29, $0xb8;
	[tilespmem:$0x1E080] =	vst v63  }
0xe1: {  	_ =	swait.ge [sflag:s0], $0x3E80  }
0xe2: {  	[sflag:s0] =	ssyncset.done $0x0  }
0xe3: {  	s12 =	sadd.s32 $0x1480, s10;
	[sflag:s0] =	ssyncadd.s32 $0xFFFFC180  }
0xe4: {  	[spmem:s3] =	stream.indirect.scatter.add.f32 [tilespmem:s31], [sflag:$0x3], $0x80, s12, s29, $0xb8;
	[tilespmem:$0x1E080] =	vst v63  }
0xe5: {  	_ =	swait.ge [sflag:s26], $0x3E80  }
0xe6: {  	[sflag:s26] =	ssyncset.done $0x0  }
0xe7: {  	[sflag:s26] =	ssyncadd.s32 $0xFFFFC180  }
0xe8: {  	[tilespmem:s31], [sflag:$0x1] =	stream.indirect.gather [hbm4b:s1+s29], $0x80, s5, s29, $0xb8;
	[tilespmem:$0x1E080] =	vst v63  }
0xe9: {  	_ =	swait.ge [sflag:s2], $0x3E80  }
0xea: {  	[sflag:s2] =	ssyncset.done $0x0  }
0xeb: {  	[sflag:s2] =	ssyncadd.s32 $0xFFFFC180  }
0xec: {  	[spmem:s3] =	stream.indirect.scatter.add.f32 [tilespmem:s30], [sflag:$0x3], $0x80, s6, s29, $0xb8;
	[tilespmem:$0x1E080] =	vst v63  }
0xed: {  	_ =	swait.ge [sflag:s26], $0x3E80  }
0xee: {  	[sflag:s26] =	ssyncset.done $0x0  }
0xef: {  	[sflag:s26] =	ssyncadd.s32 $0xFFFFC180  }
0xf0: {  	_ =	swait.ge [sflag:s0], $0x3E80  }
0xf1: {  	[sflag:s0] =	ssyncset.done $0x0  }
0xf2: {  	[sflag:s0] =	ssyncadd.s32 $0xFFFFC180  }
0xf3: {  	[spmem:s3] =	stream.indirect.scatter.add.f32 [tilespmem:s31], [sflag:$0x3], $0x80, s8, s29, $0xb8;
	[tilespmem:$0x1E080] =	vst v63  }
0xf4: {  	_ =	swait.ge [sflag:s26], $0x3E80  }
0xf5: {  	s13 =	stileid.u32;
	[sflag:s26] =	ssyncset.done $0x0  }
0xf6: {  	s10 =	sshll.u32 s13, $0x6;
	[sflag:s26] =	ssyncadd.s32 $0xFFFFC180  }
0xf7: {  	s10 =	sor.u32 $0x1C03, s10;
	s14 =	sshrl.u32 s7, $0x3;
	[bflag:$0x0] =	sbarrier.arrive $0xFFFF  }
0xf8: {  	[hbm:s21], [sflag:s10] =	dma.local [spmem:s14], $0x2700  }
0xf9: {  	_ =	swait.ge [sflag:s26], $0x2700  }
0xfa: {  	s9 =	sadd.s32 $0x1, s9;
	[sflag:s26] =	ssyncset.done $0x0  }
0xfb: {  	s11 =	sshrl.u32 @!p0 s20, $0x3;
	p1 =	sne.s32 s9, s25;
	[sflag:s26] =	ssyncadd.s32 $0xFFFFD900  }
0xfc: {  	[hbm:s24], [sflag:s10] =	dma.local @!p0 [spmem:s11], $0x100  }
.Ltmp3:
0xfd: {  	_ = 	snop;
	(pc) =	sbr.rel @p1 .LBB2_1-.Ltmp3, $4  }
0xfe: {  	s10 =	simm.s32 @!p0 $0x3  }
0xff: {  	_ =	swait.ge @!p0 [sflag:s10], $0x100  }
0x100: {  	[sflag:s10] =	ssyncset.done @!p0 $0x0  }
0x101: {  	[sflag:s10] =	ssyncadd.s32 @!p0 $0xFFFFFF00  }
0x102: {  	_ =	sfence.sel $0x180000  }
0x103: {  	[bflag:$0x0] =	sbarrier.arrive $0xFFFF  }
0x104: {  	_ =	strace $0x90000047  }
0x105: {  	s0 =	stileid.u32;
	[bflag:$0x2] =	sbarrier.arrive $0xFFFF  }
0x106: {  	p0 =	sne.s32 s0, $0x0;
	s0 =	rddreg [dreg:$0x4]  }
0x107: {  	s0 =	sadd.s32 @!p0 $0x100000, s0  }
0x108: {  	[sflag:s0] =	ssyncadd.tile.s32 @!p0 $0x1;
	_ =	shalt  }
.Lfunc_end2:
_tile_overlayer_lowered:
.L_overlay_start_2:
0x109: {  	(tag) =	ssettag $0x2  }
0x10a: {  	s0 =	rddreg [dreg:$0x0];
	s2 =	stileid.u32  }
0x10b: {  	s1 =	rddreg [dreg:$0x1];
	p0 =	sne.s32 s2, $0x0  }
0x10c: {  	s3 =	rddreg [dreg:$0x2];
	[bflag:$0x3] =	sbarrier.arrive $0xFFFF;
	s2 =	simm.s32 @!p0 $0x1C03  }
0x10d: {  	[timem:s3], [sflag:s2] =	dma.local @!p0 [hbm:s0], s1  }
0x10e: {  	s0 =	simm.s32 @!p0 $0x3  }
0x10f: {  	_ =	swait.ge @!p0 [sflag:s0], s1  }
0x110: {  	s1 =	ssub.s32 @!p0 $0x0, s1;
	[sflag:s0] =	ssyncset.done @!p0 $0x0  }
0x111: {  	[sflag:s0] =	ssyncadd.s32 @!p0 s1  }
0x112: {  	[bflag:$0x3] =	sbarrier.arrive $0xFFFF  }
0x113: {  	_ =	shalt  }

</sc_bundles>
